<compile_context>
chip_gen: v7x
topology: tpu7x:2x2x1
jax: 0.10.2.dev20260603
libtpu: 0.0.44.dev20260713+nightly
codegen_flags: <defaults>
</compile_context>

<pallas_src>
import functools

import jax
import jax.numpy as jnp
from jax import lax
from jax.experimental import pallas as pl
from jax.experimental.pallas import tpu as pltpu
from jax.experimental.pallas import tpu_sc as plsc

_NC, _NS, _L = 2, 16, 16
_NW = _NC * _NS

_LOG1P_COEFS = (
    -0.01720806024968624,
    0.0817268118262291,
    -0.1887826770544052,
    0.31459054350852966,
    -0.49697792530059814,
    0.9997924566268921,
    3.50755203726294e-06,
)

_GATHER_DNUMS = lax.GatherDimensionNumbers(
    offset_dims=(), collapsed_slice_dims=(0,), start_index_map=(0,))


def _perm(x, idx):
    return lax.gather(x, idx[:, None], dimension_numbers=_GATHER_DNUMS,
                      slice_sizes=(1,),
                      mode=lax.GatherScatterMode.PROMISE_IN_BOUNDS)


def _softplus(x):
    t = jnp.exp(-jnp.abs(x))
    p = jnp.full(x.shape, _LOG1P_COEFS[0], jnp.float32)
    for c in _LOG1P_COEFS[1:]:
        p = p * t + c
    return jnp.maximum(x, 0.0) + p


def kernel(user_id, question_id, theta_table, a_table, b_table):
    B = user_id.shape[0]
    D = theta_table.shape[1]
    assert D == 2 * _L and B % (_NW * _L) == 0
    bw = B // _NW
    ng = bw // _L

    mesh = plsc.VectorSubcoreMesh(
        core_axis_name="c", subcore_axis_name="s",
        num_cores=_NC, num_subcores=_NS)

    @functools.partial(
        pl.kernel,
        out_type=jax.ShapeDtypeStruct((B,), jnp.float32),
        mesh=mesh,
        scratch_types=[
            pltpu.VMEM((bw,), jnp.int32),
            pltpu.VMEM((bw,), jnp.int32),
            pltpu.VMEM((bw, D), jnp.float32),
            pltpu.VMEM((bw, D), jnp.float32),
            pltpu.VMEM((bw,), jnp.float32),
            pltpu.VMEM((bw,), jnp.float32),
            pltpu.SemaphoreType.DMA,
            pltpu.SemaphoreType.DMA,
            pltpu.SemaphoreType.DMA,
        ],
        compiler_params=pltpu.CompilerParams(use_tc_tiling_on_sc=False),
    )
    def sc_kernel(uid_hbm, qid_hbm, th_hbm, a_hbm, b_hbm, out_hbm,
                  uid_v, qid_v, th_v, a_v, b_v, out_v, sem_th, sem_a, sem_b):
        wid = lax.axis_index("s") * _NC + lax.axis_index("c")
        base = wid * bw
        pltpu.sync_copy(uid_hbm.at[pl.ds(base, bw)], uid_v)
        pltpu.sync_copy(qid_hbm.at[pl.ds(base, bw)], qid_v)
        cp_th = pltpu.async_copy(th_hbm.at[uid_v], th_v, sem_th)
        cp_a = pltpu.async_copy(a_hbm.at[qid_v], a_v, sem_a)
        cp_b = pltpu.async_copy(b_hbm.at[qid_v], b_v, sem_b)
        cp_th.wait()
        cp_a.wait()
        cp_b.wait()

        lanes = lax.iota(jnp.int32, _L)

        def group(g, carry):
            res = jnp.zeros((_L,), jnp.float32)
            for i in range(_L):
                el = g * _L + i
                t0 = th_v[el, pl.ds(0, _L)]
                t1 = th_v[el, pl.ds(_L, _L)]
                a0 = a_v[el, pl.ds(0, _L)]
                a1 = a_v[el, pl.ds(_L, _L)]
                p = _softplus(a0) * t0 + _softplus(a1) * t1
                for s in (1, 2, 4, 8):
                    p = p + _perm(p, lanes ^ s)
                res = jnp.where(lanes == i, p, res)
            z = res - b_v[pl.ds(g * _L, _L)]
            out_v[pl.ds(g * _L, _L)] = 1.0 / (1.0 + jnp.exp(-z))
            return carry

        lax.fori_loop(0, ng, group, 0)
        pltpu.sync_copy(out_v, out_hbm.at[pl.ds(base, bw)])

    return sc_kernel(user_id, question_id, theta_table, a_table,
                     b_table.reshape(-1))

# --- scband reference (transcript-rebuilt; emitter-appended) ---
"""Pipeline reference for scband-mirt-15152644620350 (READ-ONLY COPY).

The authoritative reference and input builder live on the scoring server;
editing this copy changes nothing except your own understanding.
"""

import jax, jax.numpy as jnp
import numpy as np

NUM_USERS = 1000000
NUM_QUESTIONS = 1000000
LATENT_DIM = 32
BATCH = 16384
A_RANGE = -1  # <= 0 => softplus branch


def setup_inputs(seed: int = 0) -> dict:
    key = jax.random.key(seed)
    k1, k2, k3, k4, k5 = jax.random.split(key, 5)
    user_id = jax.random.randint(k1, (BATCH,), 0, NUM_USERS, dtype=jnp.int64) if jax.config.jax_enable_x64 else jax.random.randint(k1, (BATCH,), 0, NUM_USERS, dtype=jnp.int32)
    question_id = jax.random.randint(k2, (BATCH,), 0, NUM_QUESTIONS, dtype=jnp.int32)
    theta_table = jax.random.normal(k3, (NUM_USERS, LATENT_DIM), dtype=jnp.float32) * 0.1
    a_table = jax.random.normal(k4, (NUM_QUESTIONS, LATENT_DIM), dtype=jnp.float32) * 0.1
    b_table = jax.random.normal(k5, (NUM_QUESTIONS, 1), dtype=jnp.float32) * 0.1
    return {
        "user_id": user_id,
        "question_id": question_id,
        "theta_table": theta_table,
        "a_table": a_table,
        "b_table": b_table,
    }


def reference(user_id, question_id, theta_table, a_table, b_table):
    # theta = embed('theta', user_id).squeeze(-1)  -> [B, D] (squeeze is no-op since D != 1)
    theta = jnp.take(theta_table, user_id, axis=0)
    # a = embed('a', question_id).squeeze(-1) -> [B, D]
    a = jnp.take(a_table, question_id, axis=0)
    if A_RANGE > 0:
        a = A_RANGE * jax.nn.sigmoid(a)
    else:
        a = jax.nn.softplus(a)
    # b = embed('b', question_id).squeeze(-1) -> [B]
    b = jnp.squeeze(jnp.take(b_table, question_id, axis=0), axis=-1)
    # 1 / (1 + exp(-sum(a * theta, -1) + b))
    return 1.0 / (1.0 + jnp.exp(-jnp.sum(a * theta, axis=-1) + b))

if __name__ == "__main__":
    import jax
    _d = setup_inputs()
    print(jax.jit(kernel)(*tuple(_d.values())))

</pallas_src>

<mosaic_0001>
#map = affine_map<(d0, d1) -> (0)>
#map1 = affine_map<(d0, d1) -> (0, 0)>
module attributes {stable_mosaic.version = 14 : i64} {
  func.func @sc_kernel(%arg0: i32, %arg1: i32, %arg2: memref<16384xi32, #tpu.memory_space<hbm>>, %arg3: memref<16384xi32, #tpu.memory_space<hbm>>, %arg4: memref<1000000x32xf32, #tpu.memory_space<hbm>>, %arg5: memref<1000000x32xf32, #tpu.memory_space<hbm>>, %arg6: memref<1000000xf32, #tpu.memory_space<hbm>>, %arg7: memref<16384xf32, #tpu.memory_space<hbm>>, %arg8: memref<512xi32, #tpu.memory_space<vmem>>, %arg9: memref<512xi32, #tpu.memory_space<vmem>>, %arg10: memref<512x32xf32, #tpu.memory_space<vmem>>, %arg11: memref<512x32xf32, #tpu.memory_space<vmem>>, %arg12: memref<512xf32, #tpu.memory_space<vmem>>, %arg13: memref<512xf32, #tpu.memory_space<vmem>>, %arg14: memref<!tpu.dma_semaphore, #tpu.memory_space<semaphore_mem>>, %arg15: memref<!tpu.dma_semaphore, #tpu.memory_space<semaphore_mem>>, %arg16: memref<!tpu.dma_semaphore, #tpu.memory_space<semaphore_mem>>) attributes {dimension_semantics = [#tpu.dimension_semantics<core_parallel>, #tpu.dimension_semantics<subcore_parallel>], iteration_bounds = array<i64: 2, 16>, scalar_prefetch = 0 : i64, scratch_operands = 9 : i64, tpu.core_type = #tpu.core_type<sc_vector_subcore>, window_params = [{transform_indices = #map}, {transform_indices = #map}, {transform_indices = #map1}, {transform_indices = #map1}, {transform_indices = #map}, {transform_indices = #map}]} {
    %mul3A = arith.constant 2 : i32
    %mul3A_0 = arith.muli %arg1, %mul3A : i32
    %add3A = arith.addi %mul3A_0, %arg0 : i32
    %mul3A_1 = arith.constant 512 : i32
    %mul3A_2 = arith.muli %add3A, %mul3A_1 : i32
    "tpu.region"() ({
      %run_scoped3A = tpu.sem_alloc : memref<!tpu.dma_semaphore, #tpu.memory_space<semaphore_mem>>
      %dma_start3A_22 = tpu.memref_slice %arg2[%mul3A_2] : memref<16384xi32, #tpu.memory_space<hbm>> -> memref<512xi32, #tpu.memory_space<hbm>>
      %dma_start3A_23 = tpu.memref_slice %arg2[%mul3A_2] : memref<16384xi32, #tpu.memory_space<hbm>> -> memref<512xi32, #tpu.memory_space<hbm>>
      tpu.enqueue_dma source(%dma_start3A_23 : memref<512xi32, #tpu.memory_space<hbm>>) target(%arg8 : memref<512xi32, #tpu.memory_space<vmem>>) target_semaphore(%run_scoped3A : memref<!tpu.dma_semaphore, #tpu.memory_space<semaphore_mem>>)
      %dma_wait3A_24 = tpu.memref_slice %arg2[%mul3A_2] : memref<16384xi32, #tpu.memory_space<hbm>> -> memref<512xi32, #tpu.memory_space<hbm>>
      %dma_wait3A_25 = tpu.memref_slice %arg2[%mul3A_2] : memref<16384xi32, #tpu.memory_space<hbm>> -> memref<512xi32, #tpu.memory_space<hbm>>
      tpu.wait_dma2 semaphore(%run_scoped3A : memref<!tpu.dma_semaphore, #tpu.memory_space<semaphore_mem>>) src(%dma_wait3A_25 : memref<512xi32, #tpu.memory_space<hbm>>) dst(%arg8 : memref<512xi32, #tpu.memory_space<vmem>>)
      tpu.yield
    }) : () -> ()
    "tpu.region"() ({
      %run_scoped3A = tpu.sem_alloc : memref<!tpu.dma_semaphore, #tpu.memory_space<semaphore_mem>>
      %dma_start3A_22 = tpu.memref_slice %arg3[%mul3A_2] : memref<16384xi32, #tpu.memory_space<hbm>> -> memref<512xi32, #tpu.memory_space<hbm>>
      %dma_start3A_23 = tpu.memref_slice %arg3[%mul3A_2] : memref<16384xi32, #tpu.memory_space<hbm>> -> memref<512xi32, #tpu.memory_space<hbm>>
      tpu.enqueue_dma source(%dma_start3A_23 : memref<512xi32, #tpu.memory_space<hbm>>) target(%arg9 : memref<512xi32, #tpu.memory_space<vmem>>) target_semaphore(%run_scoped3A : memref<!tpu.dma_semaphore, #tpu.memory_space<semaphore_mem>>)
      %dma_wait3A_24 = tpu.memref_slice %arg3[%mul3A_2] : memref<16384xi32, #tpu.memory_space<hbm>> -> memref<512xi32, #tpu.memory_space<hbm>>
      %dma_wait3A_25 = tpu.memref_slice %arg3[%mul3A_2] : memref<16384xi32, #tpu.memory_space<hbm>> -> memref<512xi32, #tpu.memory_space<hbm>>
      tpu.wait_dma2 semaphore(%run_scoped3A : memref<!tpu.dma_semaphore, #tpu.memory_space<semaphore_mem>>) src(%dma_wait3A_25 : memref<512xi32, #tpu.memory_space<hbm>>) dst(%arg9 : memref<512xi32, #tpu.memory_space<vmem>>)
      tpu.yield
    }) : () -> ()
    %dma_start3A = arith.constant 0 : i32
    %dma_start3A_3 = arith.constant 0 : i32
    %dma_start3A_4 = tpu.memref_slice %arg4[%dma_start3A, %dma_start3A_3] : memref<1000000x32xf32, #tpu.memory_space<hbm>> -> memref<1000000x32xf32, #tpu.memory_space<hbm>>
    tpu.enqueue_indirect_dma source(%dma_start3A_4 : memref<1000000x32xf32, #tpu.memory_space<hbm>>) target(%arg10 : memref<512x32xf32, #tpu.memory_space<vmem>>) offsets(%arg8 : memref<512xi32, #tpu.memory_space<vmem>>) semaphore(%arg14 : memref<!tpu.dma_semaphore, #tpu.memory_space<semaphore_mem>>)
    %dma_start3A_5 = arith.constant 0 : i32
    %dma_start3A_6 = arith.constant 0 : i32
    %dma_start3A_7 = tpu.memref_slice %arg5[%dma_start3A_5, %dma_start3A_6] : memref<1000000x32xf32, #tpu.memory_space<hbm>> -> memref<1000000x32xf32, #tpu.memory_space<hbm>>
    tpu.enqueue_indirect_dma source(%dma_start3A_7 : memref<1000000x32xf32, #tpu.memory_space<hbm>>) target(%arg11 : memref<512x32xf32, #tpu.memory_space<vmem>>) offsets(%arg9 : memref<512xi32, #tpu.memory_space<vmem>>) semaphore(%arg15 : memref<!tpu.dma_semaphore, #tpu.memory_space<semaphore_mem>>)
    %dma_start3A_8 = arith.constant 0 : i32
    %dma_start3A_9 = tpu.memref_slice %arg6[%dma_start3A_8] : memref<1000000xf32, #tpu.memory_space<hbm>> -> memref<1000000xf32, #tpu.memory_space<hbm>>
    tpu.enqueue_indirect_dma source(%dma_start3A_9 : memref<1000000xf32, #tpu.memory_space<hbm>>) target(%arg12 : memref<512xf32, #tpu.memory_space<vmem>>) offsets(%arg9 : memref<512xi32, #tpu.memory_space<vmem>>) semaphore(%arg16 : memref<!tpu.dma_semaphore, #tpu.memory_space<semaphore_mem>>)
    %dma_wait3A = arith.constant 0 : i32
    %dma_wait3A_10 = arith.constant 0 : i32
    %dma_wait3A_11 = tpu.memref_slice %arg4[%dma_wait3A, %dma_wait3A_10] : memref<1000000x32xf32, #tpu.memory_space<hbm>> -> memref<1000000x32xf32, #tpu.memory_space<hbm>>
    tpu.wait_indirect_dma semaphore(%arg14 : memref<!tpu.dma_semaphore, #tpu.memory_space<semaphore_mem>>) src(%dma_wait3A_11 : memref<1000000x32xf32, #tpu.memory_space<hbm>>) dst(%arg10 : memref<512x32xf32, #tpu.memory_space<vmem>>)
    %dma_wait3A_12 = arith.constant 0 : i32
    %dma_wait3A_13 = arith.constant 0 : i32
    %dma_wait3A_14 = tpu.memref_slice %arg5[%dma_wait3A_12, %dma_wait3A_13] : memref<1000000x32xf32, #tpu.memory_space<hbm>> -> memref<1000000x32xf32, #tpu.memory_space<hbm>>
    tpu.wait_indirect_dma semaphore(%arg15 : memref<!tpu.dma_semaphore, #tpu.memory_space<semaphore_mem>>) src(%dma_wait3A_14 : memref<1000000x32xf32, #tpu.memory_space<hbm>>) dst(%arg11 : memref<512x32xf32, #tpu.memory_space<vmem>>)
    %dma_wait3A_15 = arith.constant 0 : i32
    %dma_wait3A_16 = tpu.memref_slice %arg6[%dma_wait3A_15] : memref<1000000xf32, #tpu.memory_space<hbm>> -> memref<1000000xf32, #tpu.memory_space<hbm>>
    tpu.wait_indirect_dma semaphore(%arg16 : memref<!tpu.dma_semaphore, #tpu.memory_space<semaphore_mem>>) src(%dma_wait3A_16 : memref<1000000xf32, #tpu.memory_space<hbm>>) dst(%arg12 : memref<512xf32, #tpu.memory_space<vmem>>)
    %iota3A = tpu.iota {dimensions = array<i32: 0>} : vector<16xi32>
    %scan3A = arith.constant 0 : i32
    %scan3A_17 = arith.constant 0 : i32
    %scan3A_18 = arith.constant 32 : i32
    %scan3A_19 = arith.addi %scan3A_17, %scan3A_18 : i32
    %scan3A_20 = arith.constant 1 : i32
    scf.for %scan3A_22 = %scan3A_17 to %scan3A_19 step %scan3A_20  : i32 {
      %broadcast_in_dim3A = arith.constant 0.000000e+00 : f32
      %broadcast_in_dim3A_23 = vector.broadcast %broadcast_in_dim3A : f32 to vector<16xf32>
      %mul3A_24 = arith.constant 16 : i32
      %mul3A_25 = arith.muli %scan3A_22, %mul3A_24 : i32
      %add3A_26 = arith.constant 0 : i32
      %add3A_27 = arith.addi %mul3A_25, %add3A_26 : i32
      %get3A = arith.index_cast %add3A_27 : i32 to index
      %get3A_28 = arith.constant 0 : index
      %get3A_29 = tpu.vector_load %arg10[%get3A, %get3A_28] {strides = array<i32>} : memref<512x32xf32, #tpu.memory_space<vmem>>, vector<1x16xf32>,
      %get3A_30 = vector.shape_cast %get3A_29 : vector<1x16xf32> to vector<16xf32>
      %get3A_31 = arith.index_cast %add3A_27 : i32 to index
      %get3A_32 = arith.constant 16 : index
      %get3A_33 = tpu.vector_load %arg10[%get3A_31, %get3A_32] {strides = array<i32>} : memref<512x32xf32, #tpu.memory_space<vmem>>, vector<1x16xf32>,
      %get3A_34 = vector.shape_cast %get3A_33 : vector<1x16xf32> to vector<16xf32>
      %get3A_35 = arith.index_cast %add3A_27 : i32 to index
      %get3A_36 = arith.constant 0 : index
      %get3A_37 = tpu.vector_load %arg11[%get3A_35, %get3A_36] {strides = array<i32>} : memref<512x32xf32, #tpu.memory_space<vmem>>, vector<1x16xf32>,
      %get3A_38 = vector.shape_cast %get3A_37 : vector<1x16xf32> to vector<16xf32>
      %get3A_39 = arith.index_cast %add3A_27 : i32 to index
      %get3A_40 = arith.constant 16 : index
      %get3A_41 = tpu.vector_load %arg11[%get3A_39, %get3A_40] {strides = array<i32>} : memref<512x32xf32, #tpu.memory_space<vmem>>, vector<1x16xf32>,
      %get3A_42 = vector.shape_cast %get3A_41 : vector<1x16xf32> to vector<16xf32>
      %abs3A = math.absf %get3A_38 : vector<16xf32>
      %neg3A = arith.constant 0.000000e+00 : f32
      %neg3A_43 = vector.broadcast %neg3A : f32 to vector<16xf32>
      %neg3A_44 = arith.subf %neg3A_43, %abs3A : vector<16xf32>
      %exp3A = math.exp %neg3A_44 : vector<16xf32>
      %broadcast_in_dim3A_45 = arith.constant -0.0172080602 : f32
      %broadcast_in_dim3A_46 = vector.broadcast %broadcast_in_dim3A_45 : f32 to vector<16xf32>
      %mul3A_47 = arith.mulf %broadcast_in_dim3A_46, %exp3A : vector<16xf32>
      %add3A_48 = arith.constant 0.0817268118 : f32
      %add3A_49 = vector.broadcast %add3A_48 : f32 to vector<16xf32>
      %add3A_50 = arith.addf %mul3A_47, %add3A_49 : vector<16xf32>
      %mul3A_51 = arith.mulf %add3A_50, %exp3A : vector<16xf32>
      %add3A_52 = arith.constant -0.188782677 : f32
      %add3A_53 = vector.broadcast %add3A_52 : f32 to vector<16xf32>
      %add3A_54 = arith.addf %mul3A_51, %add3A_53 : vector<16xf32>
      %mul3A_55 = arith.mulf %add3A_54, %exp3A : vector<16xf32>
      %add3A_56 = arith.constant 0.314590544 : f32
      %add3A_57 = vector.broadcast %add3A_56 : f32 to vector<16xf32>
      %add3A_58 = arith.addf %mul3A_55, %add3A_57 : vector<16xf32>
      %mul3A_59 = arith.mulf %add3A_58, %exp3A : vector<16xf32>
      %add3A_60 = arith.constant -0.496977925 : f32
      %add3A_61 = vector.broadcast %add3A_60 : f32 to vector<16xf32>
      %add3A_62 = arith.addf %mul3A_59, %add3A_61 : vector<16xf32>
      %mul3A_63 = arith.mulf %add3A_62, %exp3A : vector<16xf32>
      %add3A_64 = arith.constant 0.999792456 : f32
      %add3A_65 = vector.broadcast %add3A_64 : f32 to vector<16xf32>
      %add3A_66 = arith.addf %mul3A_63, %add3A_65 : vector<16xf32>
      %mul3A_67 = arith.mulf %add3A_66, %exp3A : vector<16xf32>
      %add3A_68 = arith.constant 3.50755204E-6 : f32
      %add3A_69 = vector.broadcast %add3A_68 : f32 to vector<16xf32>
      %add3A_70 = arith.addf %mul3A_67, %add3A_69 : vector<16xf32>
      %max3A = arith.constant 0.000000e+00 : f32
      %max3A_71 = vector.broadcast %max3A : f32 to vector<16xf32>
      %max3A_72 = arith.maximumf %get3A_38, %max3A_71 : vector<16xf32>
      %add3A_73 = arith.addf %max3A_72, %add3A_70 : vector<16xf32>
      %mul3A_74 = arith.mulf %add3A_73, %get3A_30 : vector<16xf32>
      %abs3A_75 = math.absf %get3A_42 : vector<16xf32>
      %neg3A_76 = arith.constant 0.000000e+00 : f32
      %neg3A_77 = vector.broadcast %neg3A_76 : f32 to vector<16xf32>
      %neg3A_78 = arith.subf %neg3A_77, %abs3A_75 : vector<16xf32>
      %exp3A_79 = math.exp %neg3A_78 : vector<16xf32>
      %broadcast_in_dim3A_80 = arith.constant -0.0172080602 : f32
      %broadcast_in_dim3A_81 = vector.broadcast %broadcast_in_dim3A_80 : f32 to vector<16xf32>
      %mul3A_82 = arith.mulf %broadcast_in_dim3A_81, %exp3A_79 : vector<16xf32>
      %add3A_83 = arith.constant 0.0817268118 : f32
      %add3A_84 = vector.broadcast %add3A_83 : f32 to vector<16xf32>
      %add3A_85 = arith.addf %mul3A_82, %add3A_84 : vector<16xf32>
      %mul3A_86 = arith.mulf %add3A_85, %exp3A_79 : vector<16xf32>
      %add3A_87 = arith.constant -0.188782677 : f32
      %add3A_88 = vector.broadcast %add3A_87 : f32 to vector<16xf32>
      %add3A_89 = arith.addf %mul3A_86, %add3A_88 : vector<16xf32>
      %mul3A_90 = arith.mulf %add3A_89, %exp3A_79 : vector<16xf32>
      %add3A_91 = arith.constant 0.314590544 : f32
      %add3A_92 = vector.broadcast %add3A_91 : f32 to vector<16xf32>
      %add3A_93 = arith.addf %mul3A_90, %add3A_92 : vector<16xf32>
      %mul3A_94 = arith.mulf %add3A_93, %exp3A_79 : vector<16xf32>
      %add3A_95 = arith.constant -0.496977925 : f32
      %add3A_96 = vector.broadcast %add3A_95 : f32 to vector<16xf32>
      %add3A_97 = arith.addf %mul3A_94, %add3A_96 : vector<16xf32>
      %mul3A_98 = arith.mulf %add3A_97, %exp3A_79 : vector<16xf32>
      %add3A_99 = arith.constant 0.999792456 : f32
      %add3A_100 = vector.broadcast %add3A_99 : f32 to vector<16xf32>
      %add3A_101 = arith.addf %mul3A_98, %add3A_100 : vector<16xf32>
      %mul3A_102 = arith.mulf %add3A_101, %exp3A_79 : vector<16xf32>
      %add3A_103 = arith.constant 3.50755204E-6 : f32
      %add3A_104 = vector.broadcast %add3A_103 : f32 to vector<16xf32>
      %add3A_105 = arith.addf %mul3A_102, %add3A_104 : vector<16xf32>
      %max3A_106 = arith.constant 0.000000e+00 : f32
      %max3A_107 = vector.broadcast %max3A_106 : f32 to vector<16xf32>
      %max3A_108 = arith.maximumf %get3A_42, %max3A_107 : vector<16xf32>
      %add3A_109 = arith.addf %max3A_108, %add3A_105 : vector<16xf32>
      %mul3A_110 = arith.mulf %add3A_109, %get3A_34 : vector<16xf32>
      %add3A_111 = arith.addf %mul3A_74, %mul3A_110 : vector<16xf32>
      %xor3A = arith.constant 1 : i32
      %xor3A_112 = vector.broadcast %xor3A : i32 to vector<16xi32>
      %xor3A_113 = arith.xori %iota3A, %xor3A_112 : vector<16xi32>
      %broadcast_in_dim3A_114 = vector.shape_cast %xor3A_113 : vector<16xi32> to vector<16x1xi32>
      %gather3A = vector.shape_cast %broadcast_in_dim3A_114 : vector<16x1xi32> to vector<16xi32>
      %gather3A_115 = tpu.dynamic_gather %add3A_111[%gather3A] in [0] : vector<16xf32>, vector<16xi32> -> vector<16xf32>
      %add3A_116 = arith.addf %add3A_111, %gather3A_115 : vector<16xf32>
      %xor3A_117 = arith.constant 2 : i32
      %xor3A_118 = vector.broadcast %xor3A_117 : i32 to vector<16xi32>
      %xor3A_119 = arith.xori %iota3A, %xor3A_118 : vector<16xi32>
      %broadcast_in_dim3A_120 = vector.shape_cast %xor3A_119 : vector<16xi32> to vector<16x1xi32>
      %gather3A_121 = vector.shape_cast %broadcast_in_dim3A_120 : vector<16x1xi32> to vector<16xi32>
      %gather3A_122 = tpu.dynamic_gather %add3A_116[%gather3A_121] in [0] : vector<16xf32>, vector<16xi32> -> vector<16xf32>
      %add3A_123 = arith.addf %add3A_116, %gather3A_122 : vector<16xf32>
      %xor3A_124 = arith.constant 4 : i32
      %xor3A_125 = vector.broadcast %xor3A_124 : i32 to vector<16xi32>
      %xor3A_126 = arith.xori %iota3A, %xor3A_125 : vector<16xi32>
      %broadcast_in_dim3A_127 = vector.shape_cast %xor3A_126 : vector<16xi32> to vector<16x1xi32>
      %gather3A_128 = vector.shape_cast %broadcast_in_dim3A_127 : vector<16x1xi32> to vector<16xi32>
      %gather3A_129 = tpu.dynamic_gather %add3A_123[%gather3A_128] in [0] : vector<16xf32>, vector<16xi32> -> vector<16xf32>
      %add3A_130 = arith.addf %add3A_123, %gather3A_129 : vector<16xf32>
      %xor3A_131 = arith.constant 8 : i32
      %xor3A_132 = vector.broadcast %xor3A_131 : i32 to vector<16xi32>
      %xor3A_133 = arith.xori %iota3A, %xor3A_132 : vector<16xi32>
      %broadcast_in_dim3A_134 = vector.shape_cast %xor3A_133 : vector<16xi32> to vector<16x1xi32>
      %gather3A_135 = vector.shape_cast %broadcast_in_dim3A_134 : vector<16x1xi32> to vector<16xi32>
      %gather3A_136 = tpu.dynamic_gather %add3A_130[%gather3A_135] in [0] : vector<16xf32>, vector<16xi32> -> vector<16xf32>
      %add3A_137 = arith.addf %add3A_130, %gather3A_136 : vector<16xf32>
      %eq3A = arith.constant 0 : i32
      %eq3A_138 = vector.broadcast %eq3A : i32 to vector<16xi32>
      %eq3A_139 = arith.cmpi eq, %iota3A, %eq3A_138 : vector<16xi32>
      %select_n3A = arith.select %eq3A_139, %add3A_137, %broadcast_in_dim3A_23 : vector<16xi1>, vector<16xf32>
      %mul3A_140 = arith.constant 16 : i32
      %mul3A_141 = arith.muli %scan3A_22, %mul3A_140 : i32
      %add3A_142 = arith.constant 1 : i32
      %add3A_143 = arith.addi %mul3A_141, %add3A_142 : i32
      %get3A_144 = arith.index_cast %add3A_143 : i32 to index
      %get3A_145 = arith.constant 0 : index
      %get3A_146 = tpu.vector_load %arg10[%get3A_144, %get3A_145] {strides = array<i32>} : memref<512x32xf32, #tpu.memory_space<vmem>>, vector<1x16xf32>,
      %get3A_147 = vector.shape_cast %get3A_146 : vector<1x16xf32> to vector<16xf32>
      %get3A_148 = arith.index_cast %add3A_143 : i32 to index
      %get3A_149 = arith.constant 16 : index
      %get3A_150 = tpu.vector_load %arg10[%get3A_148, %get3A_149] {strides = array<i32>} : memref<512x32xf32, #tpu.memory_space<vmem>>, vector<1x16xf32>,
      %get3A_151 = vector.shape_cast %get3A_150 : vector<1x16xf32> to vector<16xf32>
      %get3A_152 = arith.index_cast %add3A_143 : i32 to index
      %get3A_153 = arith.constant 0 : index
      %get3A_154 = tpu.vector_load %arg11[%get3A_152, %get3A_153] {strides = array<i32>} : memref<512x32xf32, #tpu.memory_space<vmem>>, vector<1x16xf32>,
      %get3A_155 = vector.shape_cast %get3A_154 : vector<1x16xf32> to vector<16xf32>
      %get3A_156 = arith.index_cast %add3A_143 : i32 to index
      %get3A_157 = arith.constant 16 : index
      %get3A_158 = tpu.vector_load %arg11[%get3A_156, %get3A_157] {strides = array<i32>} : memref<512x32xf32, #tpu.memory_space<vmem>>, vector<1x16xf32>,
      %get3A_159 = vector.shape_cast %get3A_158 : vector<1x16xf32> to vector<16xf32>
      %abs3A_160 = math.absf %get3A_155 : vector<16xf32>
      %neg3A_161 = arith.constant 0.000000e+00 : f32
      %neg3A_162 = vector.broadcast %neg3A_161 : f32 to vector<16xf32>
      %neg3A_163 = arith.subf %neg3A_162, %abs3A_160 : vector<16xf32>
      %exp3A_164 = math.exp %neg3A_163 : vector<16xf32>
      %broadcast_in_dim3A_165 = arith.constant -0.0172080602 : f32
      %broadcast_in_dim3A_166 = vector.broadcast %broadcast_in_dim3A_165 : f32 to vector<16xf32>
      %mul3A_167 = arith.mulf %broadcast_in_dim3A_166, %exp3A_164 : vector<16xf32>
      %add3A_168 = arith.constant 0.0817268118 : f32
      %add3A_169 = vector.broadcast %add3A_168 : f32 to vector<16xf32>
      %add3A_170 = arith.addf %mul3A_167, %add3A_169 : vector<16xf32>
      %mul3A_171 = arith.mulf %add3A_170, %exp3A_164 : vector<16xf32>
      %add3A_172 = arith.constant -0.188782677 : f32
      %add3A_173 = vector.broadcast %add3A_172 : f32 to vector<16xf32>
      %add3A_174 = arith.addf %mul3A_171, %add3A_173 : vector<16xf32>
      %mul3A_175 = arith.mulf %add3A_174, %exp3A_164 : vector<16xf32>
      %add3A_176 = arith.constant 0.314590544 : f32
      %add3A_177 = vector.broadcast %add3A_176 : f32 to vector<16xf32>
      %add3A_178 = arith.addf %mul3A_175, %add3A_177 : vector<16xf32>
      %mul3A_179 = arith.mulf %add3A_178, %exp3A_164 : vector<16xf32>
      %add3A_180 = arith.constant -0.496977925 : f32
      %add3A_181 = vector.broadcast %add3A_180 : f32 to vector<16xf32>
      %add3A_182 = arith.addf %mul3A_179, %add3A_181 : vector<16xf32>
      %mul3A_183 = arith.mulf %add3A_182, %exp3A_164 : vector<16xf32>
      %add3A_184 = arith.constant 0.999792456 : f32
      %add3A_185 = vector.broadcast %add3A_184 : f32 to vector<16xf32>
      %add3A_186 = arith.addf %mul3A_183, %add3A_185 : vector<16xf32>
      %mul3A_187 = arith.mulf %add3A_186, %exp3A_164 : vector<16xf32>
      %add3A_188 = arith.constant 3.50755204E-6 : f32
      %add3A_189 = vector.broadcast %add3A_188 : f32 to vector<16xf32>
      %add3A_190 = arith.addf %mul3A_187, %add3A_189 : vector<16xf32>
      %max3A_191 = arith.constant 0.000000e+00 : f32
      %max3A_192 = vector.broadcast %max3A_191 : f32 to vector<16xf32>
      %max3A_193 = arith.maximumf %get3A_155, %max3A_192 : vector<16xf32>
      %add3A_194 = arith.addf %max3A_193, %add3A_190 : vector<16xf32>
      %mul3A_195 = arith.mulf %add3A_194, %get3A_147 : vector<16xf32>
      %abs3A_196 = math.absf %get3A_159 : vector<16xf32>
      %neg3A_197 = arith.constant 0.000000e+00 : f32
      %neg3A_198 = vector.broadcast %neg3A_197 : f32 to vector<16xf32>
      %neg3A_199 = arith.subf %neg3A_198, %abs3A_196 : vector<16xf32>
      %exp3A_200 = math.exp %neg3A_199 : vector<16xf32>
      %broadcast_in_dim3A_201 = arith.constant -0.0172080602 : f32
      %broadcast_in_dim3A_202 = vector.broadcast %broadcast_in_dim3A_201 : f32 to vector<16xf32>
      %mul3A_203 = arith.mulf %broadcast_in_dim3A_202, %exp3A_200 : vector<16xf32>
      %add3A_204 = arith.constant 0.0817268118 : f32
      %add3A_205 = vector.broadcast %add3A_204 : f32 to vector<16xf32>
      %add3A_206 = arith.addf %mul3A_203, %add3A_205 : vector<16xf32>
      %mul3A_207 = arith.mulf %add3A_206, %exp3A_200 : vector<16xf32>
      %add3A_208 = arith.constant -0.188782677 : f32
      %add3A_209 = vector.broadcast %add3A_208 : f32 to vector<16xf32>
      %add3A_210 = arith.addf %mul3A_207, %add3A_209 : vector<16xf32>
      %mul3A_211 = arith.mulf %add3A_210, %exp3A_200 : vector<16xf32>
      %add3A_212 = arith.constant 0.314590544 : f32
      %add3A_213 = vector.broadcast %add3A_212 : f32 to vector<16xf32>
      %add3A_214 = arith.addf %mul3A_211, %add3A_213 : vector<16xf32>
      %mul3A_215 = arith.mulf %add3A_214, %exp3A_200 : vector<16xf32>
      %add3A_216 = arith.constant -0.496977925 : f32
      %add3A_217 = vector.broadcast %add3A_216 : f32 to vector<16xf32>
      %add3A_218 = arith.addf %mul3A_215, %add3A_217 : vector<16xf32>
      %mul3A_219 = arith.mulf %add3A_218, %exp3A_200 : vector<16xf32>
      %add3A_220 = arith.constant 0.999792456 : f32
      %add3A_221 = vector.broadcast %add3A_220 : f32 to vector<16xf32>
      %add3A_222 = arith.addf %mul3A_219, %add3A_221 : vector<16xf32>
      %mul3A_223 = arith.mulf %add3A_222, %exp3A_200 : vector<16xf32>
      %add3A_224 = arith.constant 3.50755204E-6 : f32
      %add3A_225 = vector.broadcast %add3A_224 : f32 to vector<16xf32>
      %add3A_226 = arith.addf %mul3A_223, %add3A_225 : vector<16xf32>
      %max3A_227 = arith.constant 0.000000e+00 : f32
      %max3A_228 = vector.broadcast %max3A_227 : f32 to vector<16xf32>
      %max3A_229 = arith.maximumf %get3A_159, %max3A_228 : vector<16xf32>
      %add3A_230 = arith.addf %max3A_229, %add3A_226 : vector<16xf32>
      %mul3A_231 = arith.mulf %add3A_230, %get3A_151 : vector<16xf32>
      %add3A_232 = arith.addf %mul3A_195, %mul3A_231 : vector<16xf32>
      %xor3A_233 = arith.constant 1 : i32
      %xor3A_234 = vector.broadcast %xor3A_233 : i32 to vector<16xi32>
      %xor3A_235 = arith.xori %iota3A, %xor3A_234 : vector<16xi32>
      %broadcast_in_dim3A_236 = vector.shape_cast %xor3A_235 : vector<16xi32> to vector<16x1xi32>
      %gather3A_237 = vector.shape_cast %broadcast_in_dim3A_236 : vector<16x1xi32> to vector<16xi32>
      %gather3A_238 = tpu.dynamic_gather %add3A_232[%gather3A_237] in [0] : vector<16xf32>, vector<16xi32> -> vector<16xf32>
      %add3A_239 = arith.addf %add3A_232, %gather3A_238 : vector<16xf32>
      %xor3A_240 = arith.constant 2 : i32
      %xor3A_241 = vector.broadcast %xor3A_240 : i32 to vector<16xi32>
      %xor3A_242 = arith.xori %iota3A, %xor3A_241 : vector<16xi32>
      %broadcast_in_dim3A_243 = vector.shape_cast %xor3A_242 : vector<16xi32> to vector<16x1xi32>
      %gather3A_244 = vector.shape_cast %broadcast_in_dim3A_243 : vector<16x1xi32> to vector<16xi32>
      %gather3A_245 = tpu.dynamic_gather %add3A_239[%gather3A_244] in [0] : vector<16xf32>, vector<16xi32> -> vector<16xf32>
      %add3A_246 = arith.addf %add3A_239, %gather3A_245 : vector<16xf32>
      %xor3A_247 = arith.constant 4 : i32
      %xor3A_248 = vector.broadcast %xor3A_247 : i32 to vector<16xi32>
      %xor3A_249 = arith.xori %iota3A, %xor3A_248 : vector<16xi32>
      %broadcast_in_dim3A_250 = vector.shape_cast %xor3A_249 : vector<16xi32> to vector<16x1xi32>
      %gather3A_251 = vector.shape_cast %broadcast_in_dim3A_250 : vector<16x1xi32> to vector<16xi32>
      %gather3A_252 = tpu.dynamic_gather %add3A_246[%gather3A_251] in [0] : vector<16xf32>, vector<16xi32> -> vector<16xf32>
      %add3A_253 = arith.addf %add3A_246, %gather3A_252 : vector<16xf32>
      %xor3A_254 = arith.constant 8 : i32
      %xor3A_255 = vector.broadcast %xor3A_254 : i32 to vector<16xi32>
      %xor3A_256 = arith.xori %iota3A, %xor3A_255 : vector<16xi32>
      %broadcast_in_dim3A_257 = vector.shape_cast %xor3A_256 : vector<16xi32> to vector<16x1xi32>
      %gather3A_258 = vector.shape_cast %broadcast_in_dim3A_257 : vector<16x1xi32> to vector<16xi32>
      %gather3A_259 = tpu.dynamic_gather %add3A_253[%gather3A_258] in [0] : vector<16xf32>, vector<16xi32> -> vector<16xf32>
      %add3A_260 = arith.addf %add3A_253, %gather3A_259 : vector<16xf32>
      %eq3A_261 = arith.constant 1 : i32
      %eq3A_262 = vector.broadcast %eq3A_261 : i32 to vector<16xi32>
      %eq3A_263 = arith.cmpi eq, %iota3A, %eq3A_262 : vector<16xi32>
      %select_n3A_264 = arith.select %eq3A_263, %add3A_260, %select_n3A : vector<16xi1>, vector<16xf32>
      %mul3A_265 = arith.constant 16 : i32
      %mul3A_266 = arith.muli %scan3A_22, %mul3A_265 : i32
      %add3A_267 = arith.constant 2 : i32
      %add3A_268 = arith.addi %mul3A_266, %add3A_267 : i32
      %get3A_269 = arith.index_cast %add3A_268 : i32 to index
      %get3A_270 = arith.constant 0 : index
      %get3A_271 = tpu.vector_load %arg10[%get3A_269, %get3A_270] {strides = array<i32>} : memref<512x32xf32, #tpu.memory_space<vmem>>, vector<1x16xf32>,
      %get3A_272 = vector.shape_cast %get3A_271 : vector<1x16xf32> to vector<16xf32>
      %get3A_273 = arith.index_cast %add3A_268 : i32 to index
      %get3A_274 = arith.constant 16 : index
      %get3A_275 = tpu.vector_load %arg10[%get3A_273, %get3A_274] {strides = array<i32>} : memref<512x32xf32, #tpu.memory_space<vmem>>, vector<1x16xf32>,
      %get3A_276 = vector.shape_cast %get3A_275 : vector<1x16xf32> to vector<16xf32>
      %get3A_277 = arith.index_cast %add3A_268 : i32 to index
      %get3A_278 = arith.constant 0 : index
      %get3A_279 = tpu.vector_load %arg11[%get3A_277, %get3A_278] {strides = array<i32>} : memref<512x32xf32, #tpu.memory_space<vmem>>, vector<1x16xf32>,
      %get3A_280 = vector.shape_cast %get3A_279 : vector<1x16xf32> to vector<16xf32>
      %get3A_281 = arith.index_cast %add3A_268 : i32 to index
      %get3A_282 = arith.constant 16 : index
      %get3A_283 = tpu.vector_load %arg11[%get3A_281, %get3A_282] {strides = array<i32>} : memref<512x32xf32, #tpu.memory_space<vmem>>, vector<1x16xf32>,
      %get3A_284 = vector.shape_cast %get3A_283 : vector<1x16xf32> to vector<16xf32>
      %abs3A_285 = math.absf %get3A_280 : vector<16xf32>
      %neg3A_286 = arith.constant 0.000000e+00 : f32
      %neg3A_287 = vector.broadcast %neg3A_286 : f32 to vector<16xf32>
      %neg3A_288 = arith.subf %neg3A_287, %abs3A_285 : vector<16xf32>
      %exp3A_289 = math.exp %neg3A_288 : vector<16xf32>
      %broadcast_in_dim3A_290 = arith.constant -0.0172080602 : f32
      %broadcast_in_dim3A_291 = vector.broadcast %broadcast_in_dim3A_290 : f32 to vector<16xf32>
      %mul3A_292 = arith.mulf %broadcast_in_dim3A_291, %exp3A_289 : vector<16xf32>
      %add3A_293 = arith.constant 0.0817268118 : f32
      %add3A_294 = vector.broadcast %add3A_293 : f32 to vector<16xf32>
      %add3A_295 = arith.addf %mul3A_292, %add3A_294 : vector<16xf32>
      %mul3A_296 = arith.mulf %add3A_295, %exp3A_289 : vector<16xf32>
      %add3A_297 = arith.constant -0.188782677 : f32
      %add3A_298 = vector.broadcast %add3A_297 : f32 to vector<16xf32>
      %add3A_299 = arith.addf %mul3A_296, %add3A_298 : vector<16xf32>
      %mul3A_300 = arith.mulf %add3A_299, %exp3A_289 : vector<16xf32>
      %add3A_301 = arith.constant 0.314590544 : f32
      %add3A_302 = vector.broadcast %add3A_301 : f32 to vector<16xf32>
      %add3A_303 = arith.addf %mul3A_300, %add3A_302 : vector<16xf32>
      %mul3A_304 = arith.mulf %add3A_303, %exp3A_289 : vector<16xf32>
      %add3A_305 = arith.constant -0.496977925 : f32
      %add3A_306 = vector.broadcast %add3A_305 : f32 to vector<16xf32>
      %add3A_307 = arith.addf %mul3A_304, %add3A_306 : vector<16xf32>
      %mul3A_308 = arith.mulf %add3A_307, %exp3A_289 : vector<16xf32>
      %add3A_309 = arith.constant 0.999792456 : f32
      %add3A_310 = vector.broadcast %add3A_309 : f32 to vector<16xf32>
      %add3A_311 = arith.addf %mul3A_308, %add3A_310 : vector<16xf32>
      %mul3A_312 = arith.mulf %add3A_311, %exp3A_289 : vector<16xf32>
      %add3A_313 = arith.constant 3.50755204E-6 : f32
      %add3A_314 = vector.broadcast %add3A_313 : f32 to vector<16xf32>
      %add3A_315 = arith.addf %mul3A_312, %add3A_314 : vector<16xf32>
      %max3A_316 = arith.constant 0.000000e+00 : f32
      %max3A_317 = vector.broadcast %max3A_316 : f32 to vector<16xf32>
      %max3A_318 = arith.maximumf %get3A_280, %max3A_317 : vector<16xf32>
      %add3A_319 = arith.addf %max3A_318, %add3A_315 : vector<16xf32>
      %mul3A_320 = arith.mulf %add3A_319, %get3A_272 : vector<16xf32>
      %abs3A_321 = math.absf %get3A_284 : vector<16xf32>
      %neg3A_322 = arith.constant 0.000000e+00 : f32
      %neg3A_323 = vector.broadcast %neg3A_322 : f32 to vector<16xf32>
      %neg3A_324 = arith.subf %neg3A_323, %abs3A_321 : vector<16xf32>
      %exp3A_325 = math.exp %neg3A_324 : vector<16xf32>
      %broadcast_in_dim3A_326 = arith.constant -0.0172080602 : f32
      %broadcast_in_dim3A_327 = vector.broadcast %broadcast_in_dim3A_326 : f32 to vector<16xf32>
      %mul3A_328 = arith.mulf %broadcast_in_dim3A_327, %exp3A_325 : vector<16xf32>
      %add3A_329 = arith.constant 0.0817268118 : f32
      %add3A_330 = vector.broadcast %add3A_329 : f32 to vector<16xf32>
      %add3A_331 = arith.addf %mul3A_328, %add3A_330 : vector<16xf32>
      %mul3A_332 = arith.mulf %add3A_331, %exp3A_325 : vector<16xf32>
      %add3A_333 = arith.constant -0.188782677 : f32
      %add3A_334 = vector.broadcast %add3A_333 : f32 to vector<16xf32>
      %add3A_335 = arith.addf %mul3A_332, %add3A_334 : vector<16xf32>
      %mul3A_336 = arith.mulf %add3A_335, %exp3A_325 : vector<16xf32>
      %add3A_337 = arith.constant 0.314590544 : f32
      %add3A_338 = vector.broadcast %add3A_337 : f32 to vector<16xf32>
      %add3A_339 = arith.addf %mul3A_336, %add3A_338 : vector<16xf32>
      %mul3A_340 = arith.mulf %add3A_339, %exp3A_325 : vector<16xf32>
      %add3A_341 = arith.constant -0.496977925 : f32
      %add3A_342 = vector.broadcast %add3A_341 : f32 to vector<16xf32>
      %add3A_343 = arith.addf %mul3A_340, %add3A_342 : vector<16xf32>
      %mul3A_344 = arith.mulf %add3A_343, %exp3A_325 : vector<16xf32>
      %add3A_345 = arith.constant 0.999792456 : f32
      %add3A_346 = vector.broadcast %add3A_345 : f32 to vector<16xf32>
      %add3A_347 = arith.addf %mul3A_344, %add3A_346 : vector<16xf32>
      %mul3A_348 = arith.mulf %add3A_347, %exp3A_325 : vector<16xf32>
      %add3A_349 = arith.constant 3.50755204E-6 : f32
      %add3A_350 = vector.broadcast %add3A_349 : f32 to vector<16xf32>
      %add3A_351 = arith.addf %mul3A_348, %add3A_350 : vector<16xf32>
      %max3A_352 = arith.constant 0.000000e+00 : f32
      %max3A_353 = vector.broadcast %max3A_352 : f32 to vector<16xf32>
      %max3A_354 = arith.maximumf %get3A_284, %max3A_353 : vector<16xf32>
      %add3A_355 = arith.addf %max3A_354, %add3A_351 : vector<16xf32>
      %mul3A_356 = arith.mulf %add3A_355, %get3A_276 : vector<16xf32>
      %add3A_357 = arith.addf %mul3A_320, %mul3A_356 : vector<16xf32>
      %xor3A_358 = arith.constant 1 : i32
      %xor3A_359 = vector.broadcast %xor3A_358 : i32 to vector<16xi32>
      %xor3A_360 = arith.xori %iota3A, %xor3A_359 : vector<16xi32>
      %broadcast_in_dim3A_361 = vector.shape_cast %xor3A_360 : vector<16xi32> to vector<16x1xi32>
      %gather3A_362 = vector.shape_cast %broadcast_in_dim3A_361 : vector<16x1xi32> to vector<16xi32>
      %gather3A_363 = tpu.dynamic_gather %add3A_357[%gather3A_362] in [0] : vector<16xf32>, vector<16xi32> -> vector<16xf32>
      %add3A_364 = arith.addf %add3A_357, %gather3A_363 : vector<16xf32>
      %xor3A_365 = arith.constant 2 : i32
      %xor3A_366 = vector.broadcast %xor3A_365 : i32 to vector<16xi32>
      %xor3A_367 = arith.xori %iota3A, %xor3A_366 : vector<16xi32>
      %broadcast_in_dim3A_368 = vector.shape_cast %xor3A_367 : vector<16xi32> to vector<16x1xi32>
      %gather3A_369 = vector.shape_cast %broadcast_in_dim3A_368 : vector<16x1xi32> to vector<16xi32>
      %gather3A_370 = tpu.dynamic_gather %add3A_364[%gather3A_369] in [0] : vector<16xf32>, vector<16xi32> -> vector<16xf32>
      %add3A_371 = arith.addf %add3A_364, %gather3A_370 : vector<16xf32>
      %xor3A_372 = arith.constant 4 : i32
      %xor3A_373 = vector.broadcast %xor3A_372 : i32 to vector<16xi32>
      %xor3A_374 = arith.xori %iota3A, %xor3A_373 : vector<16xi32>
      %broadcast_in_dim3A_375 = vector.shape_cast %xor3A_374 : vector<16xi32> to vector<16x1xi32>
      %gather3A_376 = vector.shape_cast %broadcast_in_dim3A_375 : vector<16x1xi32> to vector<16xi32>
      %gather3A_377 = tpu.dynamic_gather %add3A_371[%gather3A_376] in [0] : vector<16xf32>, vector<16xi32> -> vector<16xf32>
      %add3A_378 = arith.addf %add3A_371, %gather3A_377 : vector<16xf32>
      %xor3A_379 = arith.constant 8 : i32
      %xor3A_380 = vector.broadcast %xor3A_379 : i32 to vector<16xi32>
      %xor3A_381 = arith.xori %iota3A, %xor3A_380 : vector<16xi32>
      %broadcast_in_dim3A_382 = vector.shape_cast %xor3A_381 : vector<16xi32> to vector<16x1xi32>
      %gather3A_383 = vector.shape_cast %broadcast_in_dim3A_382 : vector<16x1xi32> to vector<16xi32>
      %gather3A_384 = tpu.dynamic_gather %add3A_378[%gather3A_383] in [0] : vector<16xf32>, vector<16xi32> -> vector<16xf32>
      %add3A_385 = arith.addf %add3A_378, %gather3A_384 : vector<16xf32>
      %eq3A_386 = arith.constant 2 : i32
      %eq3A_387 = vector.broadcast %eq3A_386 : i32 to vector<16xi32>
      %eq3A_388 = arith.cmpi eq, %iota3A, %eq3A_387 : vector<16xi32>
      %select_n3A_389 = arith.select %eq3A_388, %add3A_385, %select_n3A_264 : vector<16xi1>, vector<16xf32>
      %mul3A_390 = arith.constant 16 : i32
      %mul3A_391 = arith.muli %scan3A_22, %mul3A_390 : i32
      %add3A_392 = arith.constant 3 : i32
      %add3A_393 = arith.addi %mul3A_391, %add3A_392 : i32
      %get3A_394 = arith.index_cast %add3A_393 : i32 to index
      %get3A_395 = arith.constant 0 : index
      %get3A_396 = tpu.vector_load %arg10[%get3A_394, %get3A_395] {strides = array<i32>} : memref<512x32xf32, #tpu.memory_space<vmem>>, vector<1x16xf32>,
      %get3A_397 = vector.shape_cast %get3A_396 : vector<1x16xf32> to vector<16xf32>
      %get3A_398 = arith.index_cast %add3A_393 : i32 to index
      %get3A_399 = arith.constant 16 : index
      %get3A_400 = tpu.vector_load %arg10[%get3A_398, %get3A_399] {strides = array<i32>} : memref<512x32xf32, #tpu.memory_space<vmem>>, vector<1x16xf32>,
      %get3A_401 = vector.shape_cast %get3A_400 : vector<1x16xf32> to vector<16xf32>
      %get3A_402 = arith.index_cast %add3A_393 : i32 to index
      %get3A_403 = arith.constant 0 : index
      %get3A_404 = tpu.vector_load %arg11[%get3A_402, %get3A_403] {strides = array<i32>} : memref<512x32xf32, #tpu.memory_space<vmem>>, vector<1x16xf32>,
      %get3A_405 = vector.shape_cast %get3A_404 : vector<1x16xf32> to vector<16xf32>
      %get3A_406 = arith.index_cast %add3A_393 : i32 to index
      %get3A_407 = arith.constant 16 : index
      %get3A_408 = tpu.vector_load %arg11[%get3A_406, %get3A_407] {strides = array<i32>} : memref<512x32xf32, #tpu.memory_space<vmem>>, vector<1x16xf32>,
      %get3A_409 = vector.shape_cast %get3A_408 : vector<1x16xf32> to vector<16xf32>
      %abs3A_410 = math.absf %get3A_405 : vector<16xf32>
      %neg3A_411 = arith.constant 0.000000e+00 : f32
      %neg3A_412 = vector.broadcast %neg3A_411 : f32 to vector<16xf32>
      %neg3A_413 = arith.subf %neg3A_412, %abs3A_410 : vector<16xf32>
      %exp3A_414 = math.exp %neg3A_413 : vector<16xf32>
      %broadcast_in_dim3A_415 = arith.constant -0.0172080602 : f32
      %broadcast_in_dim3A_416 = vector.broadcast %broadcast_in_dim3A_415 : f32 to vector<16xf32>
      %mul3A_417 = arith.mulf %broadcast_in_dim3A_416, %exp3A_414 : vector<16xf32>
      %add3A_418 = arith.constant 0.0817268118 : f32
      %add3A_419 = vector.broadcast %add3A_418 : f32 to vector<16xf32>
      %add3A_420 = arith.addf %mul3A_417, %add3A_419 : vector<16xf32>
      %mul3A_421 = arith.mulf %add3A_420, %exp3A_414 : vector<16xf32>
      %add3A_422 = arith.constant -0.188782677 : f32
      %add3A_423 = vector.broadcast %add3A_422 : f32 to vector<16xf32>
      %add3A_424 = arith.addf %mul3A_421, %add3A_423 : vector<16xf32>
      %mul3A_425 = arith.mulf %add3A_424, %exp3A_414 : vector<16xf32>
      %add3A_426 = arith.constant 0.314590544 : f32
      %add3A_427 = vector.broadcast %add3A_426 : f32 to vector<16xf32>
      %add3A_428 = arith.addf %mul3A_425, %add3A_427 : vector<16xf32>
      %mul3A_429 = arith.mulf %add3A_428, %exp3A_414 : vector<16xf32>
      %add3A_430 = arith.constant -0.496977925 : f32
      %add3A_431 = vector.broadcast %add3A_430 : f32 to vector<16xf32>
      %add3A_432 = arith.addf %mul3A_429, %add3A_431 : vector<16xf32>
      %mul3A_433 = arith.mulf %add3A_432, %exp3A_414 : vector<16xf32>
      %add3A_434 = arith.constant 0.999792456 : f32
      %add3A_435 = vector.broadcast %add3A_434 : f32 to vector<16xf32>
      %add3A_436 = arith.addf %mul3A_433, %add3A_435 : vector<16xf32>
      %mul3A_437 = arith.mulf %add3A_436, %exp3A_414 : vector<16xf32>
      %add3A_438 = arith.constant 3.50755204E-6 : f32
      %add3A_439 = vector.broadcast %add3A_438 : f32 to vector<16xf32>
      %add3A_440 = arith.addf %mul3A_437, %add3A_439 : vector<16xf32>
      %max3A_441 = arith.constant 0.000000e+00 : f32
      %max3A_442 = vector.broadcast %max3A_441 : f32 to vector<16xf32>
      %max3A_443 = arith.maximumf %get3A_405, %max3A_442 : vector<16xf32>
      %add3A_444 = arith.addf %max3A_443, %add3A_440 : vector<16xf32>
      %mul3A_445 = arith.mulf %add3A_444, %get3A_397 : vector<16xf32>
      %abs3A_446 = math.absf %get3A_409 : vector<16xf32>
      %neg3A_447 = arith.constant 0.000000e+00 : f32
      %neg3A_448 = vector.broadcast %neg3A_447 : f32 to vector<16xf32>
      %neg3A_449 = arith.subf %neg3A_448, %abs3A_446 : vector<16xf32>
      %exp3A_450 = math.exp %neg3A_449 : vector<16xf32>
      %broadcast_in_dim3A_451 = arith.constant -0.0172080602 : f32
      %broadcast_in_dim3A_452 = vector.broadcast %broadcast_in_dim3A_451 : f32 to vector<16xf32>
      %mul3A_453 = arith.mulf %broadcast_in_dim3A_452, %exp3A_450 : vector<16xf32>
      %add3A_454 = arith.constant 0.0817268118 : f32
      %add3A_455 = vector.broadcast %add3A_454 : f32 to vector<16xf32>
      %add3A_456 = arith.addf %mul3A_453, %add3A_455 : vector<16xf32>
      %mul3A_457 = arith.mulf %add3A_456, %exp3A_450 : vector<16xf32>
      %add3A_458 = arith.constant -0.188782677 : f32
      %add3A_459 = vector.broadcast %add3A_458 : f32 to vector<16xf32>
      %add3A_460 = arith.addf %mul3A_457, %add3A_459 : vector<16xf32>
      %mul3A_461 = arith.mulf %add3A_460, %exp3A_450 : vector<16xf32>
      %add3A_462 = arith.constant 0.314590544 : f32
      %add3A_463 = vector.broadcast %add3A_462 : f32 to vector<16xf32>
      %add3A_464 = arith.addf %mul3A_461, %add3A_463 : vector<16xf32>
      %mul3A_465 = arith.mulf %add3A_464, %exp3A_450 : vector<16xf32>
      %add3A_466 = arith.constant -0.496977925 : f32
      %add3A_467 = vector.broadcast %add3A_466 : f32 to vector<16xf32>
      %add3A_468 = arith.addf %mul3A_465, %add3A_467 : vector<16xf32>
      %mul3A_469 = arith.mulf %add3A_468, %exp3A_450 : vector<16xf32>
      %add3A_470 = arith.constant 0.999792456 : f32
      %add3A_471 = vector.broadcast %add3A_470 : f32 to vector<16xf32>
      %add3A_472 = arith.addf %mul3A_469, %add3A_471 : vector<16xf32>
      %mul3A_473 = arith.mulf %add3A_472, %exp3A_450 : vector<16xf32>
      %add3A_474 = arith.constant 3.50755204E-6 : f32
      %add3A_475 = vector.broadcast %add3A_474 : f32 to vector<16xf32>
      %add3A_476 = arith.addf %mul3A_473, %add3A_475 : vector<16xf32>
      %max3A_477 = arith.constant 0.000000e+00 : f32
      %max3A_478 = vector.broadcast %max3A_477 : f32 to vector<16xf32>
      %max3A_479 = arith.maximumf %get3A_409, %max3A_478 : vector<16xf32>
      %add3A_480 = arith.addf %max3A_479, %add3A_476 : vector<16xf32>
      %mul3A_481 = arith.mulf %add3A_480, %get3A_401 : vector<16xf32>
      %add3A_482 = arith.addf %mul3A_445, %mul3A_481 : vector<16xf32>
      %xor3A_483 = arith.constant 1 : i32
      %xor3A_484 = vector.broadcast %xor3A_483 : i32 to vector<16xi32>
      %xor3A_485 = arith.xori %iota3A, %xor3A_484 : vector<16xi32>
      %broadcast_in_dim3A_486 = vector.shape_cast %xor3A_485 : vector<16xi32> to vector<16x1xi32>
      %gather3A_487 = vector.shape_cast %broadcast_in_dim3A_486 : vector<16x1xi32> to vector<16xi32>
      %gather3A_488 = tpu.dynamic_gather %add3A_482[%gather3A_487] in [0] : vector<16xf32>, vector<16xi32> -> vector<16xf32>
      %add3A_489 = arith.addf %add3A_482, %gather3A_488 : vector<16xf32>
      %xor3A_490 = arith.constant 2 : i32
      %xor3A_491 = vector.broadcast %xor3A_490 : i32 to vector<16xi32>
      %xor3A_492 = arith.xori %iota3A, %xor3A_491 : vector<16xi32>
      %broadcast_in_dim3A_493 = vector.shape_cast %xor3A_492 : vector<16xi32> to vector<16x1xi32>
      %gather3A_494 = vector.shape_cast %broadcast_in_dim3A_493 : vector<16x1xi32> to vector<16xi32>
      %gather3A_495 = tpu.dynamic_gather %add3A_489[%gather3A_494] in [0] : vector<16xf32>, vector<16xi32> -> vector<16xf32>
      %add3A_496 = arith.addf %add3A_489, %gather3A_495 : vector<16xf32>
      %xor3A_497 = arith.constant 4 : i32
      %xor3A_498 = vector.broadcast %xor3A_497 : i32 to vector<16xi32>
      %xor3A_499 = arith.xori %iota3A, %xor3A_498 : vector<16xi32>
      %broadcast_in_dim3A_500 = vector.shape_cast %xor3A_499 : vector<16xi32> to vector<16x1xi32>
      %gather3A_501 = vector.shape_cast %broadcast_in_dim3A_500 : vector<16x1xi32> to vector<16xi32>
      %gather3A_502 = tpu.dynamic_gather %add3A_496[%gather3A_501] in [0] : vector<16xf32>, vector<16xi32> -> vector<16xf32>
      %add3A_503 = arith.addf %add3A_496, %gather3A_502 : vector<16xf32>
      %xor3A_504 = arith.constant 8 : i32
      %xor3A_505 = vector.broadcast %xor3A_504 : i32 to vector<16xi32>
      %xor3A_506 = arith.xori %iota3A, %xor3A_505 : vector<16xi32>
      %broadcast_in_dim3A_507 = vector.shape_cast %xor3A_506 : vector<16xi32> to vector<16x1xi32>
      %gather3A_508 = vector.shape_cast %broadcast_in_dim3A_507 : vector<16x1xi32> to vector<16xi32>
      %gather3A_509 = tpu.dynamic_gather %add3A_503[%gather3A_508] in [0] : vector<16xf32>, vector<16xi32> -> vector<16xf32>
      %add3A_510 = arith.addf %add3A_503, %gather3A_509 : vector<16xf32>
      %eq3A_511 = arith.constant 3 : i32
      %eq3A_512 = vector.broadcast %eq3A_511 : i32 to vector<16xi32>
      %eq3A_513 = arith.cmpi eq, %iota3A, %eq3A_512 : vector<16xi32>
      %select_n3A_514 = arith.select %eq3A_513, %add3A_510, %select_n3A_389 : vector<16xi1>, vector<16xf32>
      %mul3A_515 = arith.constant 16 : i32
      %mul3A_516 = arith.muli %scan3A_22, %mul3A_515 : i32
      %add3A_517 = arith.constant 4 : i32
      %add3A_518 = arith.addi %mul3A_516, %add3A_517 : i32
      %get3A_519 = arith.index_cast %add3A_518 : i32 to index
      %get3A_520 = arith.constant 0 : index
      %get3A_521 = tpu.vector_load %arg10[%get3A_519, %get3A_520] {strides = array<i32>} : memref<512x32xf32, #tpu.memory_space<vmem>>, vector<1x16xf32>,
      %get3A_522 = vector.shape_cast %get3A_521 : vector<1x16xf32> to vector<16xf32>
      %get3A_523 = arith.index_cast %add3A_518 : i32 to index
      %get3A_524 = arith.constant 16 : index
      %get3A_525 = tpu.vector_load %arg10[%get3A_523, %get3A_524] {strides = array<i32>} : memref<512x32xf32, #tpu.memory_space<vmem>>, vector<1x16xf32>,
      %get3A_526 = vector.shape_cast %get3A_525 : vector<1x16xf32> to vector<16xf32>
      %get3A_527 = arith.index_cast %add3A_518 : i32 to index
      %get3A_528 = arith.constant 0 : index
      %get3A_529 = tpu.vector_load %arg11[%get3A_527, %get3A_528] {strides = array<i32>} : memref<512x32xf32, #tpu.memory_space<vmem>>, vector<1x16xf32>,
      %get3A_530 = vector.shape_cast %get3A_529 : vector<1x16xf32> to vector<16xf32>
      %get3A_531 = arith.index_cast %add3A_518 : i32 to index
      %get3A_532 = arith.constant 16 : index
      %get3A_533 = tpu.vector_load %arg11[%get3A_531, %get3A_532] {strides = array<i32>} : memref<512x32xf32, #tpu.memory_space<vmem>>, vector<1x16xf32>,
      %get3A_534 = vector.shape_cast %get3A_533 : vector<1x16xf32> to vector<16xf32>
      %abs3A_535 = math.absf %get3A_530 : vector<16xf32>
      %neg3A_536 = arith.constant 0.000000e+00 : f32
      %neg3A_537 = vector.broadcast %neg3A_536 : f32 to vector<16xf32>
      %neg3A_538 = arith.subf %neg3A_537, %abs3A_535 : vector<16xf32>
      %exp3A_539 = math.exp %neg3A_538 : vector<16xf32>
      %broadcast_in_dim3A_540 = arith.constant -0.0172080602 : f32
      %broadcast_in_dim3A_541 = vector.broadcast %broadcast_in_dim3A_540 : f32 to vector<16xf32>
      %mul3A_542 = arith.mulf %broadcast_in_dim3A_541, %exp3A_539 : vector<16xf32>
      %add3A_543 = arith.constant 0.0817268118 : f32
      %add3A_544 = vector.broadcast %add3A_543 : f32 to vector<16xf32>
      %add3A_545 = arith.addf %mul3A_542, %add3A_544 : vector<16xf32>
      %mul3A_546 = arith.mulf %add3A_545, %exp3A_539 : vector<16xf32>
      %add3A_547 = arith.constant -0.188782677 : f32
      %add3A_548 = vector.broadcast %add3A_547 : f32 to vector<16xf32>
      %add3A_549 = arith.addf %mul3A_546, %add3A_548 : vector<16xf32>
      %mul3A_550 = arith.mulf %add3A_549, %exp3A_539 : vector<16xf32>
      %add3A_551 = arith.constant 0.314590544 : f32
      %add3A_552 = vector.broadcast %add3A_551 : f32 to vector<16xf32>
      %add3A_553 = arith.addf %mul3A_550, %add3A_552 : vector<16xf32>
      %mul3A_554 = arith.mulf %add3A_553, %exp3A_539 : vector<16xf32>
      %add3A_555 = arith.constant -0.496977925 : f32
      %add3A_556 = vector.broadcast %add3A_555 : f32 to vector<16xf32>
      %add3A_557 = arith.addf %mul3A_554, %add3A_556 : vector<16xf32>
      %mul3A_558 = arith.mulf %add3A_557, %exp3A_539 : vector<16xf32>
      %add3A_559 = arith.constant 0.999792456 : f32
      %add3A_560 = vector.broadcast %add3A_559 : f32 to vector<16xf32>
      %add3A_561 = arith.addf %mul3A_558, %add3A_560 : vector<16xf32>
      %mul3A_562 = arith.mulf %add3A_561, %exp3A_539 : vector<16xf32>
      %add3A_563 = arith.constant 3.50755204E-6 : f32
      %add3A_564 = vector.broadcast %add3A_563 : f32 to vector<16xf32>
      %add3A_565 = arith.addf %mul3A_562, %add3A_564 : vector<16xf32>
      %max3A_566 = arith.constant 0.000000e+00 : f32
      %max3A_567 = vector.broadcast %max3A_566 : f32 to vector<16xf32>
      %max3A_568 = arith.maximumf %get3A_530, %max3A_567 : vector<16xf32>
      %add3A_569 = arith.addf %max3A_568, %add3A_565 : vector<16xf32>
      %mul3A_570 = arith.mulf %add3A_569, %get3A_522 : vector<16xf32>
      %abs3A_571 = math.absf %get3A_534 : vector<16xf32>
      %neg3A_572 = arith.constant 0.000000e+00 : f32
      %neg3A_573 = vector.broadcast %neg3A_572 : f32 to vector<16xf32>
      %neg3A_574 = arith.subf %neg3A_573, %abs3A_571 : vector<16xf32>
      %exp3A_575 = math.exp %neg3A_574 : vector<16xf32>
      %broadcast_in_dim3A_576 = arith.constant -0.0172080602 : f32
      %broadcast_in_dim3A_577 = vector.broadcast %broadcast_in_dim3A_576 : f32 to vector<16xf32>
      %mul3A_578 = arith.mulf %broadcast_in_dim3A_577, %exp3A_575 : vector<16xf32>
      %add3A_579 = arith.constant 0.0817268118 : f32
      %add3A_580 = vector.broadcast %add3A_579 : f32 to vector<16xf32>
      %add3A_581 = arith.addf %mul3A_578, %add3A_580 : vector<16xf32>
      %mul3A_582 = arith.mulf %add3A_581, %exp3A_575 : vector<16xf32>
      %add3A_583 = arith.constant -0.188782677 : f32
      %add3A_584 = vector.broadcast %add3A_583 : f32 to vector<16xf32>
      %add3A_585 = arith.addf %mul3A_582, %add3A_584 : vector<16xf32>
      %mul3A_586 = arith.mulf %add3A_585, %exp3A_575 : vector<16xf32>
      %add3A_587 = arith.constant 0.314590544 : f32
      %add3A_588 = vector.broadcast %add3A_587 : f32 to vector<16xf32>
      %add3A_589 = arith.addf %mul3A_586, %add3A_588 : vector<16xf32>
      %mul3A_590 = arith.mulf %add3A_589, %exp3A_575 : vector<16xf32>
      %add3A_591 = arith.constant -0.496977925 : f32
      %add3A_592 = vector.broadcast %add3A_591 : f32 to vector<16xf32>
      %add3A_593 = arith.addf %mul3A_590, %add3A_592 : vector<16xf32>
      %mul3A_594 = arith.mulf %add3A_593, %exp3A_575 : vector<16xf32>
      %add3A_595 = arith.constant 0.999792456 : f32
      %add3A_596 = vector.broadcast %add3A_595 : f32 to vector<16xf32>
      %add3A_597 = arith.addf %mul3A_594, %add3A_596 : vector<16xf32>
      %mul3A_598 = arith.mulf %add3A_597, %exp3A_575 : vector<16xf32>
      %add3A_599 = arith.constant 3.50755204E-6 : f32
      %add3A_600 = vector.broadcast %add3A_599 : f32 to vector<16xf32>
      %add3A_601 = arith.addf %mul3A_598, %add3A_600 : vector<16xf32>
      %max3A_602 = arith.constant 0.000000e+00 : f32
      %max3A_603 = vector.broadcast %max3A_602 : f32 to vector<16xf32>
      %max3A_604 = arith.maximumf %get3A_534, %max3A_603 : vector<16xf32>
      %add3A_605 = arith.addf %max3A_604, %add3A_601 : vector<16xf32>
      %mul3A_606 = arith.mulf %add3A_605, %get3A_526 : vector<16xf32>
      %add3A_607 = arith.addf %mul3A_570, %mul3A_606 : vector<16xf32>
      %xor3A_608 = arith.constant 1 : i32
      %xor3A_609 = vector.broadcast %xor3A_608 : i32 to vector<16xi32>
      %xor3A_610 = arith.xori %iota3A, %xor3A_609 : vector<16xi32>
      %broadcast_in_dim3A_611 = vector.shape_cast %xor3A_610 : vector<16xi32> to vector<16x1xi32>
      %gather3A_612 = vector.shape_cast %broadcast_in_dim3A_611 : vector<16x1xi32> to vector<16xi32>
      %gather3A_613 = tpu.dynamic_gather %add3A_607[%gather3A_612] in [0] : vector<16xf32>, vector<16xi32> -> vector<16xf32>
      %add3A_614 = arith.addf %add3A_607, %gather3A_613 : vector<16xf32>
      %xor3A_615 = arith.constant 2 : i32
      %xor3A_616 = vector.broadcast %xor3A_615 : i32 to vector<16xi32>
      %xor3A_617 = arith.xori %iota3A, %xor3A_616 : vector<16xi32>
      %broadcast_in_dim3A_618 = vector.shape_cast %xor3A_617 : vector<16xi32> to vector<16x1xi32>
      %gather3A_619 = vector.shape_cast %broadcast_in_dim3A_618 : vector<16x1xi32> to vector<16xi32>
      %gather3A_620 = tpu.dynamic_gather %add3A_614[%gather3A_619] in [0] : vector<16xf32>, vector<16xi32> -> vector<16xf32>
      %add3A_621 = arith.addf %add3A_614, %gather3A_620 : vector<16xf32>
      %xor3A_622 = arith.constant 4 : i32
      %xor3A_623 = vector.broadcast %xor3A_622 : i32 to vector<16xi32>
      %xor3A_624 = arith.xori %iota3A, %xor3A_623 : vector<16xi32>
      %broadcast_in_dim3A_625 = vector.shape_cast %xor3A_624 : vector<16xi32> to vector<16x1xi32>
      %gather3A_626 = vector.shape_cast %broadcast_in_dim3A_625 : vector<16x1xi32> to vector<16xi32>
      %gather3A_627 = tpu.dynamic_gather %add3A_621[%gather3A_626] in [0] : vector<16xf32>, vector<16xi32> -> vector<16xf32>
      %add3A_628 = arith.addf %add3A_621, %gather3A_627 : vector<16xf32>
      %xor3A_629 = arith.constant 8 : i32
      %xor3A_630 = vector.broadcast %xor3A_629 : i32 to vector<16xi32>
      %xor3A_631 = arith.xori %iota3A, %xor3A_630 : vector<16xi32>
      %broadcast_in_dim3A_632 = vector.shape_cast %xor3A_631 : vector<16xi32> to vector<16x1xi32>
      %gather3A_633 = vector.shape_cast %broadcast_in_dim3A_632 : vector<16x1xi32> to vector<16xi32>
      %gather3A_634 = tpu.dynamic_gather %add3A_628[%gather3A_633] in [0] : vector<16xf32>, vector<16xi32> -> vector<16xf32>
      %add3A_635 = arith.addf %add3A_628, %gather3A_634 : vector<16xf32>
      %eq3A_636 = arith.constant 4 : i32
      %eq3A_637 = vector.broadcast %eq3A_636 : i32 to vector<16xi32>
      %eq3A_638 = arith.cmpi eq, %iota3A, %eq3A_637 : vector<16xi32>
      %select_n3A_639 = arith.select %eq3A_638, %add3A_635, %select_n3A_514 : vector<16xi1>, vector<16xf32>
      %mul3A_640 = arith.constant 16 : i32
      %mul3A_641 = arith.muli %scan3A_22, %mul3A_640 : i32
      %add3A_642 = arith.constant 5 : i32
      %add3A_643 = arith.addi %mul3A_641, %add3A_642 : i32
      %get3A_644 = arith.index_cast %add3A_643 : i32 to index
      %get3A_645 = arith.constant 0 : index
      %get3A_646 = tpu.vector_load %arg10[%get3A_644, %get3A_645] {strides = array<i32>} : memref<512x32xf32, #tpu.memory_space<vmem>>, vector<1x16xf32>,
      %get3A_647 = vector.shape_cast %get3A_646 : vector<1x16xf32> to vector<16xf32>
      %get3A_648 = arith.index_cast %add3A_643 : i32 to index
      %get3A_649 = arith.constant 16 : index
      %get3A_650 = tpu.vector_load %arg10[%get3A_648, %get3A_649] {strides = array<i32>} : memref<512x32xf32, #tpu.memory_space<vmem>>, vector<1x16xf32>,
      %get3A_651 = vector.shape_cast %get3A_650 : vector<1x16xf32> to vector<16xf32>
      %get3A_652 = arith.index_cast %add3A_643 : i32 to index
      %get3A_653 = arith.constant 0 : index
      %get3A_654 = tpu.vector_load %arg11[%get3A_652, %get3A_653] {strides = array<i32>} : memref<512x32xf32, #tpu.memory_space<vmem>>, vector<1x16xf32>,
      %get3A_655 = vector.shape_cast %get3A_654 : vector<1x16xf32> to vector<16xf32>
      %get3A_656 = arith.index_cast %add3A_643 : i32 to index
      %get3A_657 = arith.constant 16 : index
      %get3A_658 = tpu.vector_load %arg11[%get3A_656, %get3A_657] {strides = array<i32>} : memref<512x32xf32, #tpu.memory_space<vmem>>, vector<1x16xf32>,
      %get3A_659 = vector.shape_cast %get3A_658 : vector<1x16xf32> to vector<16xf32>
      %abs3A_660 = math.absf %get3A_655 : vector<16xf32>
      %neg3A_661 = arith.constant 0.000000e+00 : f32
      %neg3A_662 = vector.broadcast %neg3A_661 : f32 to vector<16xf32>
      %neg3A_663 = arith.subf %neg3A_662, %abs3A_660 : vector<16xf32>
      %exp3A_664 = math.exp %neg3A_663 : vector<16xf32>
      %broadcast_in_dim3A_665 = arith.constant -0.0172080602 : f32
      %broadcast_in_dim3A_666 = vector.broadcast %broadcast_in_dim3A_665 : f32 to vector<16xf32>
      %mul3A_667 = arith.mulf %broadcast_in_dim3A_666, %exp3A_664 : vector<16xf32>
      %add3A_668 = arith.constant 0.0817268118 : f32
      %add3A_669 = vector.broadcast %add3A_668 : f32 to vector<16xf32>
      %add3A_670 = arith.addf %mul3A_667, %add3A_669 : vector<16xf32>
      %mul3A_671 = arith.mulf %add3A_670, %exp3A_664 : vector<16xf32>
      %add3A_672 = arith.constant -0.188782677 : f32
      %add3A_673 = vector.broadcast %add3A_672 : f32 to vector<16xf32>
      %add3A_674 = arith.addf %mul3A_671, %add3A_673 : vector<16xf32>
      %mul3A_675 = arith.mulf %add3A_674, %exp3A_664 : vector<16xf32>
      %add3A_676 = arith.constant 0.314590544 : f32
      %add3A_677 = vector.broadcast %add3A_676 : f32 to vector<16xf32>
      %add3A_678 = arith.addf %mul3A_675, %add3A_677 : vector<16xf32>
      %mul3A_679 = arith.mulf %add3A_678, %exp3A_664 : vector<16xf32>
      %add3A_680 = arith.constant -0.496977925 : f32
      %add3A_681 = vector.broadcast %add3A_680 : f32 to vector<16xf32>
      %add3A_682 = arith.addf %mul3A_679, %add3A_681 : vector<16xf32>
      %mul3A_683 = arith.mulf %add3A_682, %exp3A_664 : vector<16xf32>
      %add3A_684 = arith.constant 0.999792456 : f32
      %add3A_685 = vector.broadcast %add3A_684 : f32 to vector<16xf32>
      %add3A_686 = arith.addf %mul3A_683, %add3A_685 : vector<16xf32>
      %mul3A_687 = arith.mulf %add3A_686, %exp3A_664 : vector<16xf32>
      %add3A_688 = arith.constant 3.50755204E-6 : f32
      %add3A_689 = vector.broadcast %add3A_688 : f32 to vector<16xf32>
      %add3A_690 = arith.addf %mul3A_687, %add3A_689 : vector<16xf32>
      %max3A_691 = arith.constant 0.000000e+00 : f32
      %max3A_692 = vector.broadcast %max3A_691 : f32 to vector<16xf32>
      %max3A_693 = arith.maximumf %get3A_655, %max3A_692 : vector<16xf32>
      %add3A_694 = arith.addf %max3A_693, %add3A_690 : vector<16xf32>
      %mul3A_695 = arith.mulf %add3A_694, %get3A_647 : vector<16xf32>
      %abs3A_696 = math.absf %get3A_659 : vector<16xf32>
      %neg3A_697 = arith.constant 0.000000e+00 : f32
      %neg3A_698 = vector.broadcast %neg3A_697 : f32 to vector<16xf32>
      %neg3A_699 = arith.subf %neg3A_698, %abs3A_696 : vector<16xf32>
      %exp3A_700 = math.exp %neg3A_699 : vector<16xf32>
      %broadcast_in_dim3A_701 = arith.constant -0.0172080602 : f32
      %broadcast_in_dim3A_702 = vector.broadcast %broadcast_in_dim3A_701 : f32 to vector<16xf32>
      %mul3A_703 = arith.mulf %broadcast_in_dim3A_702, %exp3A_700 : vector<16xf32>
      %add3A_704 = arith.constant 0.0817268118 : f32
      %add3A_705 = vector.broadcast %add3A_704 : f32 to vector<16xf32>
      %add3A_706 = arith.addf %mul3A_703, %add3A_705 : vector<16xf32>
      %mul3A_707 = arith.mulf %add3A_706, %exp3A_700 : vector<16xf32>
      %add3A_708 = arith.constant -0.188782677 : f32
      %add3A_709 = vector.broadcast %add3A_708 : f32 to vector<16xf32>
      %add3A_710 = arith.addf %mul3A_707, %add3A_709 : vector<16xf32>
      %mul3A_711 = arith.mulf %add3A_710, %exp3A_700 : vector<16xf32>
      %add3A_712 = arith.constant 0.314590544 : f32
      %add3A_713 = vector.broadcast %add3A_712 : f32 to vector<16xf32>
      %add3A_714 = arith.addf %mul3A_711, %add3A_713 : vector<16xf32>
      %mul3A_715 = arith.mulf %add3A_714, %exp3A_700 : vector<16xf32>
      %add3A_716 = arith.constant -0.496977925 : f32
      %add3A_717 = vector.broadcast %add3A_716 : f32 to vector<16xf32>
      %add3A_718 = arith.addf %mul3A_715, %add3A_717 : vector<16xf32>
      %mul3A_719 = arith.mulf %add3A_718, %exp3A_700 : vector<16xf32>
      %add3A_720 = arith.constant 0.999792456 : f32
      %add3A_721 = vector.broadcast %add3A_720 : f32 to vector<16xf32>
      %add3A_722 = arith.addf %mul3A_719, %add3A_721 : vector<16xf32>
      %mul3A_723 = arith.mulf %add3A_722, %exp3A_700 : vector<16xf32>
      %add3A_724 = arith.constant 3.50755204E-6 : f32
      %add3A_725 = vector.broadcast %add3A_724 : f32 to vector<16xf32>
      %add3A_726 = arith.addf %mul3A_723, %add3A_725 : vector<16xf32>
      %max3A_727 = arith.constant 0.000000e+00 : f32
      %max3A_728 = vector.broadcast %max3A_727 : f32 to vector<16xf32>
      %max3A_729 = arith.maximumf %get3A_659, %max3A_728 : vector<16xf32>
      %add3A_730 = arith.addf %max3A_729, %add3A_726 : vector<16xf32>
      %mul3A_731 = arith.mulf %add3A_730, %get3A_651 : vector<16xf32>
      %add3A_732 = arith.addf %mul3A_695, %mul3A_731 : vector<16xf32>
      %xor3A_733 = arith.constant 1 : i32
      %xor3A_734 = vector.broadcast %xor3A_733 : i32 to vector<16xi32>
      %xor3A_735 = arith.xori %iota3A, %xor3A_734 : vector<16xi32>
      %broadcast_in_dim3A_736 = vector.shape_cast %xor3A_735 : vector<16xi32> to vector<16x1xi32>
      %gather3A_737 = vector.shape_cast %broadcast_in_dim3A_736 : vector<16x1xi32> to vector<16xi32>
      %gather3A_738 = tpu.dynamic_gather %add3A_732[%gather3A_737] in [0] : vector<16xf32>, vector<16xi32> -> vector<16xf32>
      %add3A_739 = arith.addf %add3A_732, %gather3A_738 : vector<16xf32>
      %xor3A_740 = arith.constant 2 : i32
      %xor3A_741 = vector.broadcast %xor3A_740 : i32 to vector<16xi32>
      %xor3A_742 = arith.xori %iota3A, %xor3A_741 : vector<16xi32>
      %broadcast_in_dim3A_743 = vector.shape_cast %xor3A_742 : vector<16xi32> to vector<16x1xi32>
      %gather3A_744 = vector.shape_cast %broadcast_in_dim3A_743 : vector<16x1xi32> to vector<16xi32>
      %gather3A_745 = tpu.dynamic_gather %add3A_739[%gather3A_744] in [0] : vector<16xf32>, vector<16xi32> -> vector<16xf32>
      %add3A_746 = arith.addf %add3A_739, %gather3A_745 : vector<16xf32>
      %xor3A_747 = arith.constant 4 : i32
      %xor3A_748 = vector.broadcast %xor3A_747 : i32 to vector<16xi32>
      %xor3A_749 = arith.xori %iota3A, %xor3A_748 : vector<16xi32>
      %broadcast_in_dim3A_750 = vector.shape_cast %xor3A_749 : vector<16xi32> to vector<16x1xi32>
      %gather3A_751 = vector.shape_cast %broadcast_in_dim3A_750 : vector<16x1xi32> to vector<16xi32>
      %gather3A_752 = tpu.dynamic_gather %add3A_746[%gather3A_751] in [0] : vector<16xf32>, vector<16xi32> -> vector<16xf32>
      %add3A_753 = arith.addf %add3A_746, %gather3A_752 : vector<16xf32>
      %xor3A_754 = arith.constant 8 : i32
      %xor3A_755 = vector.broadcast %xor3A_754 : i32 to vector<16xi32>
      %xor3A_756 = arith.xori %iota3A, %xor3A_755 : vector<16xi32>
      %broadcast_in_dim3A_757 = vector.shape_cast %xor3A_756 : vector<16xi32> to vector<16x1xi32>
      %gather3A_758 = vector.shape_cast %broadcast_in_dim3A_757 : vector<16x1xi32> to vector<16xi32>
      %gather3A_759 = tpu.dynamic_gather %add3A_753[%gather3A_758] in [0] : vector<16xf32>, vector<16xi32> -> vector<16xf32>
      %add3A_760 = arith.addf %add3A_753, %gather3A_759 : vector<16xf32>
      %eq3A_761 = arith.constant 5 : i32
      %eq3A_762 = vector.broadcast %eq3A_761 : i32 to vector<16xi32>
      %eq3A_763 = arith.cmpi eq, %iota3A, %eq3A_762 : vector<16xi32>
      %select_n3A_764 = arith.select %eq3A_763, %add3A_760, %select_n3A_639 : vector<16xi1>, vector<16xf32>
      %mul3A_765 = arith.constant 16 : i32
      %mul3A_766 = arith.muli %scan3A_22, %mul3A_765 : i32
      %add3A_767 = arith.constant 6 : i32
      %add3A_768 = arith.addi %mul3A_766, %add3A_767 : i32
      %get3A_769 = arith.index_cast %add3A_768 : i32 to index
      %get3A_770 = arith.constant 0 : index
      %get3A_771 = tpu.vector_load %arg10[%get3A_769, %get3A_770] {strides = array<i32>} : memref<512x32xf32, #tpu.memory_space<vmem>>, vector<1x16xf32>,
      %get3A_772 = vector.shape_cast %get3A_771 : vector<1x16xf32> to vector<16xf32>
      %get3A_773 = arith.index_cast %add3A_768 : i32 to index
      %get3A_774 = arith.constant 16 : index
      %get3A_775 = tpu.vector_load %arg10[%get3A_773, %get3A_774] {strides = array<i32>} : memref<512x32xf32, #tpu.memory_space<vmem>>, vector<1x16xf32>,
      %get3A_776 = vector.shape_cast %get3A_775 : vector<1x16xf32> to vector<16xf32>
      %get3A_777 = arith.index_cast %add3A_768 : i32 to index
      %get3A_778 = arith.constant 0 : index
      %get3A_779 = tpu.vector_load %arg11[%get3A_777, %get3A_778] {strides = array<i32>} : memref<512x32xf32, #tpu.memory_space<vmem>>, vector<1x16xf32>,
      %get3A_780 = vector.shape_cast %get3A_779 : vector<1x16xf32> to vector<16xf32>
      %get3A_781 = arith.index_cast %add3A_768 : i32 to index
      %get3A_782 = arith.constant 16 : index
      %get3A_783 = tpu.vector_load %arg11[%get3A_781, %get3A_782] {strides = array<i32>} : memref<512x32xf32, #tpu.memory_space<vmem>>, vector<1x16xf32>,
      %get3A_784 = vector.shape_cast %get3A_783 : vector<1x16xf32> to vector<16xf32>
      %abs3A_785 = math.absf %get3A_780 : vector<16xf32>
      %neg3A_786 = arith.constant 0.000000e+00 : f32
      %neg3A_787 = vector.broadcast %neg3A_786 : f32 to vector<16xf32>
      %neg3A_788 = arith.subf %neg3A_787, %abs3A_785 : vector<16xf32>
      %exp3A_789 = math.exp %neg3A_788 : vector<16xf32>
      %broadcast_in_dim3A_790 = arith.constant -0.0172080602 : f32
      %broadcast_in_dim3A_791 = vector.broadcast %broadcast_in_dim3A_790 : f32 to vector<16xf32>
      %mul3A_792 = arith.mulf %broadcast_in_dim3A_791, %exp3A_789 : vector<16xf32>
      %add3A_793 = arith.constant 0.0817268118 : f32
      %add3A_794 = vector.broadcast %add3A_793 : f32 to vector<16xf32>
      %add3A_795 = arith.addf %mul3A_792, %add3A_794 : vector<16xf32>
      %mul3A_796 = arith.mulf %add3A_795, %exp3A_789 : vector<16xf32>
      %add3A_797 = arith.constant -0.188782677 : f32
      %add3A_798 = vector.broadcast %add3A_797 : f32 to vector<16xf32>
      %add3A_799 = arith.addf %mul3A_796, %add3A_798 : vector<16xf32>
      %mul3A_800 = arith.mulf %add3A_799, %exp3A_789 : vector<16xf32>
      %add3A_801 = arith.constant 0.314590544 : f32
      %add3A_802 = vector.broadcast %add3A_801 : f32 to vector<16xf32>
      %add3A_803 = arith.addf %mul3A_800, %add3A_802 : vector<16xf32>
      %mul3A_804 = arith.mulf %add3A_803, %exp3A_789 : vector<16xf32>
      %add3A_805 = arith.constant -0.496977925 : f32
      %add3A_806 = vector.broadcast %add3A_805 : f32 to vector<16xf32>
      %add3A_807 = arith.addf %mul3A_804, %add3A_806 : vector<16xf32>
      %mul3A_808 = arith.mulf %add3A_807, %exp3A_789 : vector<16xf32>
      %add3A_809 = arith.constant 0.999792456 : f32
      %add3A_810 = vector.broadcast %add3A_809 : f32 to vector<16xf32>
      %add3A_811 = arith.addf %mul3A_808, %add3A_810 : vector<16xf32>
      %mul3A_812 = arith.mulf %add3A_811, %exp3A_789 : vector<16xf32>
      %add3A_813 = arith.constant 3.50755204E-6 : f32
      %add3A_814 = vector.broadcast %add3A_813 : f32 to vector<16xf32>
      %add3A_815 = arith.addf %mul3A_812, %add3A_814 : vector<16xf32>
      %max3A_816 = arith.constant 0.000000e+00 : f32
      %max3A_817 = vector.broadcast %max3A_816 : f32 to vector<16xf32>
      %max3A_818 = arith.maximumf %get3A_780, %max3A_817 : vector<16xf32>
      %add3A_819 = arith.addf %max3A_818, %add3A_815 : vector<16xf32>
      %mul3A_820 = arith.mulf %add3A_819, %get3A_772 : vector<16xf32>
      %abs3A_821 = math.absf %get3A_784 : vector<16xf32>
      %neg3A_822 = arith.constant 0.000000e+00 : f32
      %neg3A_823 = vector.broadcast %neg3A_822 : f32 to vector<16xf32>
      %neg3A_824 = arith.subf %neg3A_823, %abs3A_821 : vector<16xf32>
      %exp3A_825 = math.exp %neg3A_824 : vector<16xf32>
      %broadcast_in_dim3A_826 = arith.constant -0.0172080602 : f32
      %broadcast_in_dim3A_827 = vector.broadcast %broadcast_in_dim3A_826 : f32 to vector<16xf32>
      %mul3A_828 = arith.mulf %broadcast_in_dim3A_827, %exp3A_825 : vector<16xf32>
      %add3A_829 = arith.constant 0.0817268118 : f32
      %add3A_830 = vector.broadcast %add3A_829 : f32 to vector<16xf32>
      %add3A_831 = arith.addf %mul3A_828, %add3A_830 : vector<16xf32>
      %mul3A_832 = arith.mulf %add3A_831, %exp3A_825 : vector<16xf32>
      %add3A_833 = arith.constant -0.188782677 : f32
      %add3A_834 = vector.broadcast %add3A_833 : f32 to vector<16xf32>
      %add3A_835 = arith.addf %mul3A_832, %add3A_834 : vector<16xf32>
      %mul3A_836 = arith.mulf %add3A_835, %exp3A_825 : vector<16xf32>
      %add3A_837 = arith.constant 0.314590544 : f32
      %add3A_838 = vector.broadcast %add3A_837 : f32 to vector<16xf32>
      %add3A_839 = arith.addf %mul3A_836, %add3A_838 : vector<16xf32>
      %mul3A_840 = arith.mulf %add3A_839, %exp3A_825 : vector<16xf32>
      %add3A_841 = arith.constant -0.496977925 : f32
      %add3A_842 = vector.broadcast %add3A_841 : f32 to vector<16xf32>
      %add3A_843 = arith.addf %mul3A_840, %add3A_842 : vector<16xf32>
      %mul3A_844 = arith.mulf %add3A_843, %exp3A_825 : vector<16xf32>
      %add3A_845 = arith.constant 0.999792456 : f32
      %add3A_846 = vector.broadcast %add3A_845 : f32 to vector<16xf32>
      %add3A_847 = arith.addf %mul3A_844, %add3A_846 : vector<16xf32>
      %mul3A_848 = arith.mulf %add3A_847, %exp3A_825 : vector<16xf32>
      %add3A_849 = arith.constant 3.50755204E-6 : f32
      %add3A_850 = vector.broadcast %add3A_849 : f32 to vector<16xf32>
      %add3A_851 = arith.addf %mul3A_848, %add3A_850 : vector<16xf32>
      %max3A_852 = arith.constant 0.000000e+00 : f32
      %max3A_853 = vector.broadcast %max3A_852 : f32 to vector<16xf32>
      %max3A_854 = arith.maximumf %get3A_784, %max3A_853 : vector<16xf32>
      %add3A_855 = arith.addf %max3A_854, %add3A_851 : vector<16xf32>
      %mul3A_856 = arith.mulf %add3A_855, %get3A_776 : vector<16xf32>
      %add3A_857 = arith.addf %mul3A_820, %mul3A_856 : vector<16xf32>
      %xor3A_858 = arith.constant 1 : i32
      %xor3A_859 = vector.broadcast %xor3A_858 : i32 to vector<16xi32>
      %xor3A_860 = arith.xori %iota3A, %xor3A_859 : vector<16xi32>
      %broadcast_in_dim3A_861 = vector.shape_cast %xor3A_860 : vector<16xi32> to vector<16x1xi32>
      %gather3A_862 = vector.shape_cast %broadcast_in_dim3A_861 : vector<16x1xi32> to vector<16xi32>
      %gather3A_863 = tpu.dynamic_gather %add3A_857[%gather3A_862] in [0] : vector<16xf32>, vector<16xi32> -> vector<16xf32>
      %add3A_864 = arith.addf %add3A_857, %gather3A_863 : vector<16xf32>
      %xor3A_865 = arith.constant 2 : i32
      %xor3A_866 = vector.broadcast %xor3A_865 : i32 to vector<16xi32>
      %xor3A_867 = arith.xori %iota3A, %xor3A_866 : vector<16xi32>
      %broadcast_in_dim3A_868 = vector.shape_cast %xor3A_867 : vector<16xi32> to vector<16x1xi32>
      %gather3A_869 = vector.shape_cast %broadcast_in_dim3A_868 : vector<16x1xi32> to vector<16xi32>
      %gather3A_870 = tpu.dynamic_gather %add3A_864[%gather3A_869] in [0] : vector<16xf32>, vector<16xi32> -> vector<16xf32>
      %add3A_871 = arith.addf %add3A_864, %gather3A_870 : vector<16xf32>
      %xor3A_872 = arith.constant 4 : i32
      %xor3A_873 = vector.broadcast %xor3A_872 : i32 to vector<16xi32>
      %xor3A_874 = arith.xori %iota3A, %xor3A_873 : vector<16xi32>
      %broadcast_in_dim3A_875 = vector.shape_cast %xor3A_874 : vector<16xi32> to vector<16x1xi32>
      %gather3A_876 = vector.shape_cast %broadcast_in_dim3A_875 : vector<16x1xi32> to vector<16xi32>
      %gather3A_877 = tpu.dynamic_gather %add3A_871[%gather3A_876] in [0] : vector<16xf32>, vector<16xi32> -> vector<16xf32>
      %add3A_878 = arith.addf %add3A_871, %gather3A_877 : vector<16xf32>
      %xor3A_879 = arith.constant 8 : i32
      %xor3A_880 = vector.broadcast %xor3A_879 : i32 to vector<16xi32>
      %xor3A_881 = arith.xori %iota3A, %xor3A_880 : vector<16xi32>
      %broadcast_in_dim3A_882 = vector.shape_cast %xor3A_881 : vector<16xi32> to vector<16x1xi32>
      %gather3A_883 = vector.shape_cast %broadcast_in_dim3A_882 : vector<16x1xi32> to vector<16xi32>
      %gather3A_884 = tpu.dynamic_gather %add3A_878[%gather3A_883] in [0] : vector<16xf32>, vector<16xi32> -> vector<16xf32>
      %add3A_885 = arith.addf %add3A_878, %gather3A_884 : vector<16xf32>
      %eq3A_886 = arith.constant 6 : i32
      %eq3A_887 = vector.broadcast %eq3A_886 : i32 to vector<16xi32>
      %eq3A_888 = arith.cmpi eq, %iota3A, %eq3A_887 : vector<16xi32>
      %select_n3A_889 = arith.select %eq3A_888, %add3A_885, %select_n3A_764 : vector<16xi1>, vector<16xf32>
      %mul3A_890 = arith.constant 16 : i32
      %mul3A_891 = arith.muli %scan3A_22, %mul3A_890 : i32
      %add3A_892 = arith.constant 7 : i32
      %add3A_893 = arith.addi %mul3A_891, %add3A_892 : i32
      %get3A_894 = arith.index_cast %add3A_893 : i32 to index
      %get3A_895 = arith.constant 0 : index
      %get3A_896 = tpu.vector_load %arg10[%get3A_894, %get3A_895] {strides = array<i32>} : memref<512x32xf32, #tpu.memory_space<vmem>>, vector<1x16xf32>,
      %get3A_897 = vector.shape_cast %get3A_896 : vector<1x16xf32> to vector<16xf32>
      %get3A_898 = arith.index_cast %add3A_893 : i32 to index
      %get3A_899 = arith.constant 16 : index
      %get3A_900 = tpu.vector_load %arg10[%get3A_898, %get3A_899] {strides = array<i32>} : memref<512x32xf32, #tpu.memory_space<vmem>>, vector<1x16xf32>,
      %get3A_901 = vector.shape_cast %get3A_900 : vector<1x16xf32> to vector<16xf32>
      %get3A_902 = arith.index_cast %add3A_893 : i32 to index
      %get3A_903 = arith.constant 0 : index
      %get3A_904 = tpu.vector_load %arg11[%get3A_902, %get3A_903] {strides = array<i32>} : memref<512x32xf32, #tpu.memory_space<vmem>>, vector<1x16xf32>,
      %get3A_905 = vector.shape_cast %get3A_904 : vector<1x16xf32> to vector<16xf32>
      %get3A_906 = arith.index_cast %add3A_893 : i32 to index
      %get3A_907 = arith.constant 16 : index
      %get3A_908 = tpu.vector_load %arg11[%get3A_906, %get3A_907] {strides = array<i32>} : memref<512x32xf32, #tpu.memory_space<vmem>>, vector<1x16xf32>,
      %get3A_909 = vector.shape_cast %get3A_908 : vector<1x16xf32> to vector<16xf32>
      %abs3A_910 = math.absf %get3A_905 : vector<16xf32>
      %neg3A_911 = arith.constant 0.000000e+00 : f32
      %neg3A_912 = vector.broadcast %neg3A_911 : f32 to vector<16xf32>
      %neg3A_913 = arith.subf %neg3A_912, %abs3A_910 : vector<16xf32>
      %exp3A_914 = math.exp %neg3A_913 : vector<16xf32>
      %broadcast_in_dim3A_915 = arith.constant -0.0172080602 : f32
      %broadcast_in_dim3A_916 = vector.broadcast %broadcast_in_dim3A_915 : f32 to vector<16xf32>
      %mul3A_917 = arith.mulf %broadcast_in_dim3A_916, %exp3A_914 : vector<16xf32>
      %add3A_918 = arith.constant 0.0817268118 : f32
      %add3A_919 = vector.broadcast %add3A_918 : f32 to vector<16xf32>
      %add3A_920 = arith.addf %mul3A_917, %add3A_919 : vector<16xf32>
      %mul3A_921 = arith.mulf %add3A_920, %exp3A_914 : vector<16xf32>
      %add3A_922 = arith.constant -0.188782677 : f32
      %add3A_923 = vector.broadcast %add3A_922 : f32 to vector<16xf32>
      %add3A_924 = arith.addf %mul3A_921, %add3A_923 : vector<16xf32>
      %mul3A_925 = arith.mulf %add3A_924, %exp3A_914 : vector<16xf32>
      %add3A_926 = arith.constant 0.314590544 : f32
      %add3A_927 = vector.broadcast %add3A_926 : f32 to vector<16xf32>
      %add3A_928 = arith.addf %mul3A_925, %add3A_927 : vector<16xf32>
      %mul3A_929 = arith.mulf %add3A_928, %exp3A_914 : vector<16xf32>
      %add3A_930 = arith.constant -0.496977925 : f32
      %add3A_931 = vector.broadcast %add3A_930 : f32 to vector<16xf32>
      %add3A_932 = arith.addf %mul3A_929, %add3A_931 : vector<16xf32>
      %mul3A_933 = arith.mulf %add3A_932, %exp3A_914 : vector<16xf32>
      %add3A_934 = arith.constant 0.999792456 : f32
      %add3A_935 = vector.broadcast %add3A_934 : f32 to vector<16xf32>
      %add3A_936 = arith.addf %mul3A_933, %add3A_935 : vector<16xf32>
      %mul3A_937 = arith.mulf %add3A_936, %exp3A_914 : vector<16xf32>
      %add3A_938 = arith.constant 3.50755204E-6 : f32
      %add3A_939 = vector.broadcast %add3A_938 : f32 to vector<16xf32>
      %add3A_940 = arith.addf %mul3A_937, %add3A_939 : vector<16xf32>
      %max3A_941 = arith.constant 0.000000e+00 : f32
      %max3A_942 = vector.broadcast %max3A_941 : f32 to vector<16xf32>
      %max3A_943 = arith.maximumf %get3A_905, %max3A_942 : vector<16xf32>
      %add3A_944 = arith.addf %max3A_943, %add3A_940 : vector<16xf32>
      %mul3A_945 = arith.mulf %add3A_944, %get3A_897 : vector<16xf32>
      %abs3A_946 = math.absf %get3A_909 : vector<16xf32>
      %neg3A_947 = arith.constant 0.000000e+00 : f32
      %neg3A_948 = vector.broadcast %neg3A_947 : f32 to vector<16xf32>
      %neg3A_949 = arith.subf %neg3A_948, %abs3A_946 : vector<16xf32>
      %exp3A_950 = math.exp %neg3A_949 : vector<16xf32>
      %broadcast_in_dim3A_951 = arith.constant -0.0172080602 : f32
      %broadcast_in_dim3A_952 = vector.broadcast %broadcast_in_dim3A_951 : f32 to vector<16xf32>
      %mul3A_953 = arith.mulf %broadcast_in_dim3A_952, %exp3A_950 : vector<16xf32>
      %add3A_954 = arith.constant 0.0817268118 : f32
      %add3A_955 = vector.broadcast %add3A_954 : f32 to vector<16xf32>
      %add3A_956 = arith.addf %mul3A_953, %add3A_955 : vector<16xf32>
      %mul3A_957 = arith.mulf %add3A_956, %exp3A_950 : vector<16xf32>
      %add3A_958 = arith.constant -0.188782677 : f32
      %add3A_959 = vector.broadcast %add3A_958 : f32 to vector<16xf32>
      %add3A_960 = arith.addf %mul3A_957, %add3A_959 : vector<16xf32>
      %mul3A_961 = arith.mulf %add3A_960, %exp3A_950 : vector<16xf32>
      %add3A_962 = arith.constant 0.314590544 : f32
      %add3A_963 = vector.broadcast %add3A_962 : f32 to vector<16xf32>
      %add3A_964 = arith.addf %mul3A_961, %add3A_963 : vector<16xf32>
      %mul3A_965 = arith.mulf %add3A_964, %exp3A_950 : vector<16xf32>
      %add3A_966 = arith.constant -0.496977925 : f32
      %add3A_967 = vector.broadcast %add3A_966 : f32 to vector<16xf32>
      %add3A_968 = arith.addf %mul3A_965, %add3A_967 : vector<16xf32>
      %mul3A_969 = arith.mulf %add3A_968, %exp3A_950 : vector<16xf32>
      %add3A_970 = arith.constant 0.999792456 : f32
      %add3A_971 = vector.broadcast %add3A_970 : f32 to vector<16xf32>
      %add3A_972 = arith.addf %mul3A_969, %add3A_971 : vector<16xf32>
      %mul3A_973 = arith.mulf %add3A_972, %exp3A_950 : vector<16xf32>
      %add3A_974 = arith.constant 3.50755204E-6 : f32
      %add3A_975 = vector.broadcast %add3A_974 : f32 to vector<16xf32>
      %add3A_976 = arith.addf %mul3A_973, %add3A_975 : vector<16xf32>
      %max3A_977 = arith.constant 0.000000e+00 : f32
      %max3A_978 = vector.broadcast %max3A_977 : f32 to vector<16xf32>
      %max3A_979 = arith.maximumf %get3A_909, %max3A_978 : vector<16xf32>
      %add3A_980 = arith.addf %max3A_979, %add3A_976 : vector<16xf32>
      %mul3A_981 = arith.mulf %add3A_980, %get3A_901 : vector<16xf32>
      %add3A_982 = arith.addf %mul3A_945, %mul3A_981 : vector<16xf32>
      %xor3A_983 = arith.constant 1 : i32
      %xor3A_984 = vector.broadcast %xor3A_983 : i32 to vector<16xi32>
      %xor3A_985 = arith.xori %iota3A, %xor3A_984 : vector<16xi32>
      %broadcast_in_dim3A_986 = vector.shape_cast %xor3A_985 : vector<16xi32> to vector<16x1xi32>
      %gather3A_987 = vector.shape_cast %broadcast_in_dim3A_986 : vector<16x1xi32> to vector<16xi32>
      %gather3A_988 = tpu.dynamic_gather %add3A_982[%gather3A_987] in [0] : vector<16xf32>, vector<16xi32> -> vector<16xf32>
      %add3A_989 = arith.addf %add3A_982, %gather3A_988 : vector<16xf32>
      %xor3A_990 = arith.constant 2 : i32
      %xor3A_991 = vector.broadcast %xor3A_990 : i32 to vector<16xi32>
      %xor3A_992 = arith.xori %iota3A, %xor3A_991 : vector<16xi32>
      %broadcast_in_dim3A_993 = vector.shape_cast %xor3A_992 : vector<16xi32> to vector<16x1xi32>
      %gather3A_994 = vector.shape_cast %broadcast_in_dim3A_993 : vector<16x1xi32> to vector<16xi32>
      %gather3A_995 = tpu.dynamic_gather %add3A_989[%gather3A_994] in [0] : vector<16xf32>, vector<16xi32> -> vector<16xf32>
      %add3A_996 = arith.addf %add3A_989, %gather3A_995 : vector<16xf32>
      %xor3A_997 = arith.constant 4 : i32
      %xor3A_998 = vector.broadcast %xor3A_997 : i32 to vector<16xi32>
      %xor3A_999 = arith.xori %iota3A, %xor3A_998 : vector<16xi32>
      %broadcast_in_dim3A_1000 = vector.shape_cast %xor3A_999 : vector<16xi32> to vector<16x1xi32>
      %gather3A_1001 = vector.shape_cast %broadcast_in_dim3A_1000 : vector<16x1xi32> to vector<16xi32>
      %gather3A_1002 = tpu.dynamic_gather %add3A_996[%gather3A_1001] in [0] : vector<16xf32>, vector<16xi32> -> vector<16xf32>
      %add3A_1003 = arith.addf %add3A_996, %gather3A_1002 : vector<16xf32>
      %xor3A_1004 = arith.constant 8 : i32
      %xor3A_1005 = vector.broadcast %xor3A_1004 : i32 to vector<16xi32>
      %xor3A_1006 = arith.xori %iota3A, %xor3A_1005 : vector<16xi32>
      %broadcast_in_dim3A_1007 = vector.shape_cast %xor3A_1006 : vector<16xi32> to vector<16x1xi32>
      %gather3A_1008 = vector.shape_cast %broadcast_in_dim3A_1007 : vector<16x1xi32> to vector<16xi32>
      %gather3A_1009 = tpu.dynamic_gather %add3A_1003[%gather3A_1008] in [0] : vector<16xf32>, vector<16xi32> -> vector<16xf32>
      %add3A_1010 = arith.addf %add3A_1003, %gather3A_1009 : vector<16xf32>
      %eq3A_1011 = arith.constant 7 : i32
      %eq3A_1012 = vector.broadcast %eq3A_1011 : i32 to vector<16xi32>
      %eq3A_1013 = arith.cmpi eq, %iota3A, %eq3A_1012 : vector<16xi32>
      %select_n3A_1014 = arith.select %eq3A_1013, %add3A_1010, %select_n3A_889 : vector<16xi1>, vector<16xf32>
      %mul3A_1015 = arith.constant 16 : i32
      %mul3A_1016 = arith.muli %scan3A_22, %mul3A_1015 : i32
      %add3A_1017 = arith.constant 8 : i32
      %add3A_1018 = arith.addi %mul3A_1016, %add3A_1017 : i32
      %get3A_1019 = arith.index_cast %add3A_1018 : i32 to index
      %get3A_1020 = arith.constant 0 : index
      %get3A_1021 = tpu.vector_load %arg10[%get3A_1019, %get3A_1020] {strides = array<i32>} : memref<512x32xf32, #tpu.memory_space<vmem>>, vector<1x16xf32>,
      %get3A_1022 = vector.shape_cast %get3A_1021 : vector<1x16xf32> to vector<16xf32>
      %get3A_1023 = arith.index_cast %add3A_1018 : i32 to index
      %get3A_1024 = arith.constant 16 : index
      %get3A_1025 = tpu.vector_load %arg10[%get3A_1023, %get3A_1024] {strides = array<i32>} : memref<512x32xf32, #tpu.memory_space<vmem>>, vector<1x16xf32>,
      %get3A_1026 = vector.shape_cast %get3A_1025 : vector<1x16xf32> to vector<16xf32>
      %get3A_1027 = arith.index_cast %add3A_1018 : i32 to index
      %get3A_1028 = arith.constant 0 : index
      %get3A_1029 = tpu.vector_load %arg11[%get3A_1027, %get3A_1028] {strides = array<i32>} : memref<512x32xf32, #tpu.memory_space<vmem>>, vector<1x16xf32>,
      %get3A_1030 = vector.shape_cast %get3A_1029 : vector<1x16xf32> to vector<16xf32>
      %get3A_1031 = arith.index_cast %add3A_1018 : i32 to index
      %get3A_1032 = arith.constant 16 : index
      %get3A_1033 = tpu.vector_load %arg11[%get3A_1031, %get3A_1032] {strides = array<i32>} : memref<512x32xf32, #tpu.memory_space<vmem>>, vector<1x16xf32>,
      %get3A_1034 = vector.shape_cast %get3A_1033 : vector<1x16xf32> to vector<16xf32>
      %abs3A_1035 = math.absf %get3A_1030 : vector<16xf32>
      %neg3A_1036 = arith.constant 0.000000e+00 : f32
      %neg3A_1037 = vector.broadcast %neg3A_1036 : f32 to vector<16xf32>
      %neg3A_1038 = arith.subf %neg3A_1037, %abs3A_1035 : vector<16xf32>
      %exp3A_1039 = math.exp %neg3A_1038 : vector<16xf32>
      %broadcast_in_dim3A_1040 = arith.constant -0.0172080602 : f32
      %broadcast_in_dim3A_1041 = vector.broadcast %broadcast_in_dim3A_1040 : f32 to vector<16xf32>
      %mul3A_1042 = arith.mulf %broadcast_in_dim3A_1041, %exp3A_1039 : vector<16xf32>
      %add3A_1043 = arith.constant 0.0817268118 : f32
      %add3A_1044 = vector.broadcast %add3A_1043 : f32 to vector<16xf32>
      %add3A_1045 = arith.addf %mul3A_1042, %add3A_1044 : vector<16xf32>
      %mul3A_1046 = arith.mulf %add3A_1045, %exp3A_1039 : vector<16xf32>
      %add3A_1047 = arith.constant -0.188782677 : f32
      %add3A_1048 = vector.broadcast %add3A_1047 : f32 to vector<16xf32>
      %add3A_1049 = arith.addf %mul3A_1046, %add3A_1048 : vector<16xf32>
      %mul3A_1050 = arith.mulf %add3A_1049, %exp3A_1039 : vector<16xf32>
      %add3A_1051 = arith.constant 0.314590544 : f32
      %add3A_1052 = vector.broadcast %add3A_1051 : f32 to vector<16xf32>
      %add3A_1053 = arith.addf %mul3A_1050, %add3A_1052 : vector<16xf32>
      %mul3A_1054 = arith.mulf %add3A_1053, %exp3A_1039 : vector<16xf32>
      %add3A_1055 = arith.constant -0.496977925 : f32
      %add3A_1056 = vector.broadcast %add3A_1055 : f32 to vector<16xf32>
      %add3A_1057 = arith.addf %mul3A_1054, %add3A_1056 : vector<16xf32>
      %mul3A_1058 = arith.mulf %add3A_1057, %exp3A_1039 : vector<16xf32>
      %add3A_1059 = arith.constant 0.999792456 : f32
      %add3A_1060 = vector.broadcast %add3A_1059 : f32 to vector<16xf32>
      %add3A_1061 = arith.addf %mul3A_1058, %add3A_1060 : vector<16xf32>
      %mul3A_1062 = arith.mulf %add3A_1061, %exp3A_1039 : vector<16xf32>
      %add3A_1063 = arith.constant 3.50755204E-6 : f32
      %add3A_1064 = vector.broadcast %add3A_1063 : f32 to vector<16xf32>
      %add3A_1065 = arith.addf %mul3A_1062, %add3A_1064 : vector<16xf32>
      %max3A_1066 = arith.constant 0.000000e+00 : f32
      %max3A_1067 = vector.broadcast %max3A_1066 : f32 to vector<16xf32>
      %max3A_1068 = arith.maximumf %get3A_1030, %max3A_1067 : vector<16xf32>
      %add3A_1069 = arith.addf %max3A_1068, %add3A_1065 : vector<16xf32>
      %mul3A_1070 = arith.mulf %add3A_1069, %get3A_1022 : vector<16xf32>
      %abs3A_1071 = math.absf %get3A_1034 : vector<16xf32>
      %neg3A_1072 = arith.constant 0.000000e+00 : f32
      %neg3A_1073 = vector.broadcast %neg3A_1072 : f32 to vector<16xf32>
      %neg3A_1074 = arith.subf %neg3A_1073, %abs3A_1071 : vector<16xf32>
      %exp3A_1075 = math.exp %neg3A_1074 : vector<16xf32>
      %broadcast_in_dim3A_1076 = arith.constant -0.0172080602 : f32
      %broadcast_in_dim3A_1077 = vector.broadcast %broadcast_in_dim3A_1076 : f32 to vector<16xf32>
      %mul3A_1078 = arith.mulf %broadcast_in_dim3A_1077, %exp3A_1075 : vector<16xf32>
      %add3A_1079 = arith.constant 0.0817268118 : f32
      %add3A_1080 = vector.broadcast %add3A_1079 : f32 to vector<16xf32>
      %add3A_1081 = arith.addf %mul3A_1078, %add3A_1080 : vector<16xf32>
      %mul3A_1082 = arith.mulf %add3A_1081, %exp3A_1075 : vector<16xf32>
      %add3A_1083 = arith.constant -0.188782677 : f32
      %add3A_1084 = vector.broadcast %add3A_1083 : f32 to vector<16xf32>
      %add3A_1085 = arith.addf %mul3A_1082, %add3A_1084 : vector<16xf32>
      %mul3A_1086 = arith.mulf %add3A_1085, %exp3A_1075 : vector<16xf32>
      %add3A_1087 = arith.constant 0.314590544 : f32
      %add3A_1088 = vector.broadcast %add3A_1087 : f32 to vector<16xf32>
      %add3A_1089 = arith.addf %mul3A_1086, %add3A_1088 : vector<16xf32>
      %mul3A_1090 = arith.mulf %add3A_1089, %exp3A_1075 : vector<16xf32>
      %add3A_1091 = arith.constant -0.496977925 : f32
      %add3A_1092 = vector.broadcast %add3A_1091 : f32 to vector<16xf32>
      %add3A_1093 = arith.addf %mul3A_1090, %add3A_1092 : vector<16xf32>
      %mul3A_1094 = arith.mulf %add3A_1093, %exp3A_1075 : vector<16xf32>
      %add3A_1095 = arith.constant 0.999792456 : f32
      %add3A_1096 = vector.broadcast %add3A_1095 : f32 to vector<16xf32>
      %add3A_1097 = arith.addf %mul3A_1094, %add3A_1096 : vector<16xf32>
      %mul3A_1098 = arith.mulf %add3A_1097, %exp3A_1075 : vector<16xf32>
      %add3A_1099 = arith.constant 3.50755204E-6 : f32
      %add3A_1100 = vector.broadcast %add3A_1099 : f32 to vector<16xf32>
      %add3A_1101 = arith.addf %mul3A_1098, %add3A_1100 : vector<16xf32>
      %max3A_1102 = arith.constant 0.000000e+00 : f32
      %max3A_1103 = vector.broadcast %max3A_1102 : f32 to vector<16xf32>
      %max3A_1104 = arith.maximumf %get3A_1034, %max3A_1103 : vector<16xf32>
      %add3A_1105 = arith.addf %max3A_1104, %add3A_1101 : vector<16xf32>
      %mul3A_1106 = arith.mulf %add3A_1105, %get3A_1026 : vector<16xf32>
      %add3A_1107 = arith.addf %mul3A_1070, %mul3A_1106 : vector<16xf32>
      %xor3A_1108 = arith.constant 1 : i32
      %xor3A_1109 = vector.broadcast %xor3A_1108 : i32 to vector<16xi32>
      %xor3A_1110 = arith.xori %iota3A, %xor3A_1109 : vector<16xi32>
      %broadcast_in_dim3A_1111 = vector.shape_cast %xor3A_1110 : vector<16xi32> to vector<16x1xi32>
      %gather3A_1112 = vector.shape_cast %broadcast_in_dim3A_1111 : vector<16x1xi32> to vector<16xi32>
      %gather3A_1113 = tpu.dynamic_gather %add3A_1107[%gather3A_1112] in [0] : vector<16xf32>, vector<16xi32> -> vector<16xf32>
      %add3A_1114 = arith.addf %add3A_1107, %gather3A_1113 : vector<16xf32>
      %xor3A_1115 = arith.constant 2 : i32
      %xor3A_1116 = vector.broadcast %xor3A_1115 : i32 to vector<16xi32>
      %xor3A_1117 = arith.xori %iota3A, %xor3A_1116 : vector<16xi32>
      %broadcast_in_dim3A_1118 = vector.shape_cast %xor3A_1117 : vector<16xi32> to vector<16x1xi32>
      %gather3A_1119 = vector.shape_cast %broadcast_in_dim3A_1118 : vector<16x1xi32> to vector<16xi32>
      %gather3A_1120 = tpu.dynamic_gather %add3A_1114[%gather3A_1119] in [0] : vector<16xf32>, vector<16xi32> -> vector<16xf32>
      %add3A_1121 = arith.addf %add3A_1114, %gather3A_1120 : vector<16xf32>
      %xor3A_1122 = arith.constant 4 : i32
      %xor3A_1123 = vector.broadcast %xor3A_1122 : i32 to vector<16xi32>
      %xor3A_1124 = arith.xori %iota3A, %xor3A_1123 : vector<16xi32>
      %broadcast_in_dim3A_1125 = vector.shape_cast %xor3A_1124 : vector<16xi32> to vector<16x1xi32>
      %gather3A_1126 = vector.shape_cast %broadcast_in_dim3A_1125 : vector<16x1xi32> to vector<16xi32>
      %gather3A_1127 = tpu.dynamic_gather %add3A_1121[%gather3A_1126] in [0] : vector<16xf32>, vector<16xi32> -> vector<16xf32>
      %add3A_1128 = arith.addf %add3A_1121, %gather3A_1127 : vector<16xf32>
      %xor3A_1129 = arith.constant 8 : i32
      %xor3A_1130 = vector.broadcast %xor3A_1129 : i32 to vector<16xi32>
      %xor3A_1131 = arith.xori %iota3A, %xor3A_1130 : vector<16xi32>
      %broadcast_in_dim3A_1132 = vector.shape_cast %xor3A_1131 : vector<16xi32> to vector<16x1xi32>
      %gather3A_1133 = vector.shape_cast %broadcast_in_dim3A_1132 : vector<16x1xi32> to vector<16xi32>
      %gather3A_1134 = tpu.dynamic_gather %add3A_1128[%gather3A_1133] in [0] : vector<16xf32>, vector<16xi32> -> vector<16xf32>
      %add3A_1135 = arith.addf %add3A_1128, %gather3A_1134 : vector<16xf32>
      %eq3A_1136 = arith.constant 8 : i32
      %eq3A_1137 = vector.broadcast %eq3A_1136 : i32 to vector<16xi32>
      %eq3A_1138 = arith.cmpi eq, %iota3A, %eq3A_1137 : vector<16xi32>
      %select_n3A_1139 = arith.select %eq3A_1138, %add3A_1135, %select_n3A_1014 : vector<16xi1>, vector<16xf32>
      %mul3A_1140 = arith.constant 16 : i32
      %mul3A_1141 = arith.muli %scan3A_22, %mul3A_1140 : i32
      %add3A_1142 = arith.constant 9 : i32
      %add3A_1143 = arith.addi %mul3A_1141, %add3A_1142 : i32
      %get3A_1144 = arith.index_cast %add3A_1143 : i32 to index
      %get3A_1145 = arith.constant 0 : index
      %get3A_1146 = tpu.vector_load %arg10[%get3A_1144, %get3A_1145] {strides = array<i32>} : memref<512x32xf32, #tpu.memory_space<vmem>>, vector<1x16xf32>,
      %get3A_1147 = vector.shape_cast %get3A_1146 : vector<1x16xf32> to vector<16xf32>
      %get3A_1148 = arith.index_cast %add3A_1143 : i32 to index
      %get3A_1149 = arith.constant 16 : index
      %get3A_1150 = tpu.vector_load %arg10[%get3A_1148, %get3A_1149] {strides = array<i32>} : memref<512x32xf32, #tpu.memory_space<vmem>>, vector<1x16xf32>,
      %get3A_1151 = vector.shape_cast %get3A_1150 : vector<1x16xf32> to vector<16xf32>
      %get3A_1152 = arith.index_cast %add3A_1143 : i32 to index
      %get3A_1153 = arith.constant 0 : index
      %get3A_1154 = tpu.vector_load %arg11[%get3A_1152, %get3A_1153] {strides = array<i32>} : memref<512x32xf32, #tpu.memory_space<vmem>>, vector<1x16xf32>,
      %get3A_1155 = vector.shape_cast %get3A_1154 : vector<1x16xf32> to vector<16xf32>
      %get3A_1156 = arith.index_cast %add3A_1143 : i32 to index
      %get3A_1157 = arith.constant 16 : index
      %get3A_1158 = tpu.vector_load %arg11[%get3A_1156, %get3A_1157] {strides = array<i32>} : memref<512x32xf32, #tpu.memory_space<vmem>>, vector<1x16xf32>,
      %get3A_1159 = vector.shape_cast %get3A_1158 : vector<1x16xf32> to vector<16xf32>
      %abs3A_1160 = math.absf %get3A_1155 : vector<16xf32>
      %neg3A_1161 = arith.constant 0.000000e+00 : f32
      %neg3A_1162 = vector.broadcast %neg3A_1161 : f32 to vector<16xf32>
      %neg3A_1163 = arith.subf %neg3A_1162, %abs3A_1160 : vector<16xf32>
      %exp3A_1164 = math.exp %neg3A_1163 : vector<16xf32>
      %broadcast_in_dim3A_1165 = arith.constant -0.0172080602 : f32
      %broadcast_in_dim3A_1166 = vector.broadcast %broadcast_in_dim3A_1165 : f32 to vector<16xf32>
      %mul3A_1167 = arith.mulf %broadcast_in_dim3A_1166, %exp3A_1164 : vector<16xf32>
      %add3A_1168 = arith.constant 0.0817268118 : f32
      %add3A_1169 = vector.broadcast %add3A_1168 : f32 to vector<16xf32>
      %add3A_1170 = arith.addf %mul3A_1167, %add3A_1169 : vector<16xf32>
      %mul3A_1171 = arith.mulf %add3A_1170, %exp3A_1164 : vector<16xf32>
      %add3A_1172 = arith.constant -0.188782677 : f32
      %add3A_1173 = vector.broadcast %add3A_1172 : f32 to vector<16xf32>
      %add3A_1174 = arith.addf %mul3A_1171, %add3A_1173 : vector<16xf32>
      %mul3A_1175 = arith.mulf %add3A_1174, %exp3A_1164 : vector<16xf32>
      %add3A_1176 = arith.constant 0.314590544 : f32
      %add3A_1177 = vector.broadcast %add3A_1176 : f32 to vector<16xf32>
      %add3A_1178 = arith.addf %mul3A_1175, %add3A_1177 : vector<16xf32>
      %mul3A_1179 = arith.mulf %add3A_1178, %exp3A_1164 : vector<16xf32>
      %add3A_1180 = arith.constant -0.496977925 : f32
      %add3A_1181 = vector.broadcast %add3A_1180 : f32 to vector<16xf32>
      %add3A_1182 = arith.addf %mul3A_1179, %add3A_1181 : vector<16xf32>
      %mul3A_1183 = arith.mulf %add3A_1182, %exp3A_1164 : vector<16xf32>
      %add3A_1184 = arith.constant 0.999792456 : f32
      %add3A_1185 = vector.broadcast %add3A_1184 : f32 to vector<16xf32>
      %add3A_1186 = arith.addf %mul3A_1183, %add3A_1185 : vector<16xf32>
      %mul3A_1187 = arith.mulf %add3A_1186, %exp3A_1164 : vector<16xf32>
      %add3A_1188 = arith.constant 3.50755204E-6 : f32
      %add3A_1189 = vector.broadcast %add3A_1188 : f32 to vector<16xf32>
      %add3A_1190 = arith.addf %mul3A_1187, %add3A_1189 : vector<16xf32>
      %max3A_1191 = arith.constant 0.000000e+00 : f32
      %max3A_1192 = vector.broadcast %max3A_1191 : f32 to vector<16xf32>
      %max3A_1193 = arith.maximumf %get3A_1155, %max3A_1192 : vector<16xf32>
      %add3A_1194 = arith.addf %max3A_1193, %add3A_1190 : vector<16xf32>
      %mul3A_1195 = arith.mulf %add3A_1194, %get3A_1147 : vector<16xf32>
      %abs3A_1196 = math.absf %get3A_1159 : vector<16xf32>
      %neg3A_1197 = arith.constant 0.000000e+00 : f32
      %neg3A_1198 = vector.broadcast %neg3A_1197 : f32 to vector<16xf32>
      %neg3A_1199 = arith.subf %neg3A_1198, %abs3A_1196 : vector<16xf32>
      %exp3A_1200 = math.exp %neg3A_1199 : vector<16xf32>
      %broadcast_in_dim3A_1201 = arith.constant -0.0172080602 : f32
      %broadcast_in_dim3A_1202 = vector.broadcast %broadcast_in_dim3A_1201 : f32 to vector<16xf32>
      %mul3A_1203 = arith.mulf %broadcast_in_dim3A_1202, %exp3A_1200 : vector<16xf32>
      %add3A_1204 = arith.constant 0.0817268118 : f32
      %add3A_1205 = vector.broadcast %add3A_1204 : f32 to vector<16xf32>
      %add3A_1206 = arith.addf %mul3A_1203, %add3A_1205 : vector<16xf32>
      %mul3A_1207 = arith.mulf %add3A_1206, %exp3A_1200 : vector<16xf32>
      %add3A_1208 = arith.constant -0.188782677 : f32
      %add3A_1209 = vector.broadcast %add3A_1208 : f32 to vector<16xf32>
      %add3A_1210 = arith.addf %mul3A_1207, %add3A_1209 : vector<16xf32>
      %mul3A_1211 = arith.mulf %add3A_1210, %exp3A_1200 : vector<16xf32>
      %add3A_1212 = arith.constant 0.314590544 : f32
      %add3A_1213 = vector.broadcast %add3A_1212 : f32 to vector<16xf32>
      %add3A_1214 = arith.addf %mul3A_1211, %add3A_1213 : vector<16xf32>
      %mul3A_1215 = arith.mulf %add3A_1214, %exp3A_1200 : vector<16xf32>
      %add3A_1216 = arith.constant -0.496977925 : f32
      %add3A_1217 = vector.broadcast %add3A_1216 : f32 to vector<16xf32>
      %add3A_1218 = arith.addf %mul3A_1215, %add3A_1217 : vector<16xf32>
      %mul3A_1219 = arith.mulf %add3A_1218, %exp3A_1200 : vector<16xf32>
      %add3A_1220 = arith.constant 0.999792456 : f32
      %add3A_1221 = vector.broadcast %add3A_1220 : f32 to vector<16xf32>
      %add3A_1222 = arith.addf %mul3A_1219, %add3A_1221 : vector<16xf32>
      %mul3A_1223 = arith.mulf %add3A_1222, %exp3A_1200 : vector<16xf32>
      %add3A_1224 = arith.constant 3.50755204E-6 : f32
      %add3A_1225 = vector.broadcast %add3A_1224 : f32 to vector<16xf32>
      %add3A_1226 = arith.addf %mul3A_1223, %add3A_1225 : vector<16xf32>
      %max3A_1227 = arith.constant 0.000000e+00 : f32
      %max3A_1228 = vector.broadcast %max3A_1227 : f32 to vector<16xf32>
      %max3A_1229 = arith.maximumf %get3A_1159, %max3A_1228 : vector<16xf32>
      %add3A_1230 = arith.addf %max3A_1229, %add3A_1226 : vector<16xf32>
      %mul3A_1231 = arith.mulf %add3A_1230, %get3A_1151 : vector<16xf32>
      %add3A_1232 = arith.addf %mul3A_1195, %mul3A_1231 : vector<16xf32>
      %xor3A_1233 = arith.constant 1 : i32
      %xor3A_1234 = vector.broadcast %xor3A_1233 : i32 to vector<16xi32>
      %xor3A_1235 = arith.xori %iota3A, %xor3A_1234 : vector<16xi32>
      %broadcast_in_dim3A_1236 = vector.shape_cast %xor3A_1235 : vector<16xi32> to vector<16x1xi32>
      %gather3A_1237 = vector.shape_cast %broadcast_in_dim3A_1236 : vector<16x1xi32> to vector<16xi32>
      %gather3A_1238 = tpu.dynamic_gather %add3A_1232[%gather3A_1237] in [0] : vector<16xf32>, vector<16xi32> -> vector<16xf32>
      %add3A_1239 = arith.addf %add3A_1232, %gather3A_1238 : vector<16xf32>
      %xor3A_1240 = arith.constant 2 : i32
      %xor3A_1241 = vector.broadcast %xor3A_1240 : i32 to vector<16xi32>
      %xor3A_1242 = arith.xori %iota3A, %xor3A_1241 : vector<16xi32>
      %broadcast_in_dim3A_1243 = vector.shape_cast %xor3A_1242 : vector<16xi32> to vector<16x1xi32>
      %gather3A_1244 = vector.shape_cast %broadcast_in_dim3A_1243 : vector<16x1xi32> to vector<16xi32>
      %gather3A_1245 = tpu.dynamic_gather %add3A_1239[%gather3A_1244] in [0] : vector<16xf32>, vector<16xi32> -> vector<16xf32>
      %add3A_1246 = arith.addf %add3A_1239, %gather3A_1245 : vector<16xf32>
      %xor3A_1247 = arith.constant 4 : i32
      %xor3A_1248 = vector.broadcast %xor3A_1247 : i32 to vector<16xi32>
      %xor3A_1249 = arith.xori %iota3A, %xor3A_1248 : vector<16xi32>
      %broadcast_in_dim3A_1250 = vector.shape_cast %xor3A_1249 : vector<16xi32> to vector<16x1xi32>
      %gather3A_1251 = vector.shape_cast %broadcast_in_dim3A_1250 : vector<16x1xi32> to vector<16xi32>
      %gather3A_1252 = tpu.dynamic_gather %add3A_1246[%gather3A_1251] in [0] : vector<16xf32>, vector<16xi32> -> vector<16xf32>
      %add3A_1253 = arith.addf %add3A_1246, %gather3A_1252 : vector<16xf32>
      %xor3A_1254 = arith.constant 8 : i32
      %xor3A_1255 = vector.broadcast %xor3A_1254 : i32 to vector<16xi32>
      %xor3A_1256 = arith.xori %iota3A, %xor3A_1255 : vector<16xi32>
      %broadcast_in_dim3A_1257 = vector.shape_cast %xor3A_1256 : vector<16xi32> to vector<16x1xi32>
      %gather3A_1258 = vector.shape_cast %broadcast_in_dim3A_1257 : vector<16x1xi32> to vector<16xi32>
      %gather3A_1259 = tpu.dynamic_gather %add3A_1253[%gather3A_1258] in [0] : vector<16xf32>, vector<16xi32> -> vector<16xf32>
      %add3A_1260 = arith.addf %add3A_1253, %gather3A_1259 : vector<16xf32>
      %eq3A_1261 = arith.constant 9 : i32
      %eq3A_1262 = vector.broadcast %eq3A_1261 : i32 to vector<16xi32>
      %eq3A_1263 = arith.cmpi eq, %iota3A, %eq3A_1262 : vector<16xi32>
      %select_n3A_1264 = arith.select %eq3A_1263, %add3A_1260, %select_n3A_1139 : vector<16xi1>, vector<16xf32>
      %mul3A_1265 = arith.constant 16 : i32
      %mul3A_1266 = arith.muli %scan3A_22, %mul3A_1265 : i32
      %add3A_1267 = arith.constant 10 : i32
      %add3A_1268 = arith.addi %mul3A_1266, %add3A_1267 : i32
      %get3A_1269 = arith.index_cast %add3A_1268 : i32 to index
      %get3A_1270 = arith.constant 0 : index
      %get3A_1271 = tpu.vector_load %arg10[%get3A_1269, %get3A_1270] {strides = array<i32>} : memref<512x32xf32, #tpu.memory_space<vmem>>, vector<1x16xf32>,
      %get3A_1272 = vector.shape_cast %get3A_1271 : vector<1x16xf32> to vector<16xf32>
      %get3A_1273 = arith.index_cast %add3A_1268 : i32 to index
      %get3A_1274 = arith.constant 16 : index
      %get3A_1275 = tpu.vector_load %arg10[%get3A_1273, %get3A_1274] {strides = array<i32>} : memref<512x32xf32, #tpu.memory_space<vmem>>, vector<1x16xf32>,
      %get3A_1276 = vector.shape_cast %get3A_1275 : vector<1x16xf32> to vector<16xf32>
      %get3A_1277 = arith.index_cast %add3A_1268 : i32 to index
      %get3A_1278 = arith.constant 0 : index
      %get3A_1279 = tpu.vector_load %arg11[%get3A_1277, %get3A_1278] {strides = array<i32>} : memref<512x32xf32, #tpu.memory_space<vmem>>, vector<1x16xf32>,
      %get3A_1280 = vector.shape_cast %get3A_1279 : vector<1x16xf32> to vector<16xf32>
      %get3A_1281 = arith.index_cast %add3A_1268 : i32 to index
      %get3A_1282 = arith.constant 16 : index
      %get3A_1283 = tpu.vector_load %arg11[%get3A_1281, %get3A_1282] {strides = array<i32>} : memref<512x32xf32, #tpu.memory_space<vmem>>, vector<1x16xf32>,
      %get3A_1284 = vector.shape_cast %get3A_1283 : vector<1x16xf32> to vector<16xf32>
      %abs3A_1285 = math.absf %get3A_1280 : vector<16xf32>
      %neg3A_1286 = arith.constant 0.000000e+00 : f32
      %neg3A_1287 = vector.broadcast %neg3A_1286 : f32 to vector<16xf32>
      %neg3A_1288 = arith.subf %neg3A_1287, %abs3A_1285 : vector<16xf32>
      %exp3A_1289 = math.exp %neg3A_1288 : vector<16xf32>
      %broadcast_in_dim3A_1290 = arith.constant -0.0172080602 : f32
      %broadcast_in_dim3A_1291 = vector.broadcast %broadcast_in_dim3A_1290 : f32 to vector<16xf32>
      %mul3A_1292 = arith.mulf %broadcast_in_dim3A_1291, %exp3A_1289 : vector<16xf32>
      %add3A_1293 = arith.constant 0.0817268118 : f32
      %add3A_1294 = vector.broadcast %add3A_1293 : f32 to vector<16xf32>
      %add3A_1295 = arith.addf %mul3A_1292, %add3A_1294 : vector<16xf32>
      %mul3A_1296 = arith.mulf %add3A_1295, %exp3A_1289 : vector<16xf32>
      %add3A_1297 = arith.constant -0.188782677 : f32
      %add3A_1298 = vector.broadcast %add3A_1297 : f32 to vector<16xf32>
      %add3A_1299 = arith.addf %mul3A_1296, %add3A_1298 : vector<16xf32>
      %mul3A_1300 = arith.mulf %add3A_1299, %exp3A_1289 : vector<16xf32>
      %add3A_1301 = arith.constant 0.314590544 : f32
      %add3A_1302 = vector.broadcast %add3A_1301 : f32 to vector<16xf32>
      %add3A_1303 = arith.addf %mul3A_1300, %add3A_1302 : vector<16xf32>
      %mul3A_1304 = arith.mulf %add3A_1303, %exp3A_1289 : vector<16xf32>
      %add3A_1305 = arith.constant -0.496977925 : f32
      %add3A_1306 = vector.broadcast %add3A_1305 : f32 to vector<16xf32>
      %add3A_1307 = arith.addf %mul3A_1304, %add3A_1306 : vector<16xf32>
      %mul3A_1308 = arith.mulf %add3A_1307, %exp3A_1289 : vector<16xf32>
      %add3A_1309 = arith.constant 0.999792456 : f32
      %add3A_1310 = vector.broadcast %add3A_1309 : f32 to vector<16xf32>
      %add3A_1311 = arith.addf %mul3A_1308, %add3A_1310 : vector<16xf32>
      %mul3A_1312 = arith.mulf %add3A_1311, %exp3A_1289 : vector<16xf32>
      %add3A_1313 = arith.constant 3.50755204E-6 : f32
      %add3A_1314 = vector.broadcast %add3A_1313 : f32 to vector<16xf32>
      %add3A_1315 = arith.addf %mul3A_1312, %add3A_1314 : vector<16xf32>
      %max3A_1316 = arith.constant 0.000000e+00 : f32
      %max3A_1317 = vector.broadcast %max3A_1316 : f32 to vector<16xf32>
      %max3A_1318 = arith.maximumf %get3A_1280, %max3A_1317 : vector<16xf32>
      %add3A_1319 = arith.addf %max3A_1318, %add3A_1315 : vector<16xf32>
      %mul3A_1320 = arith.mulf %add3A_1319, %get3A_1272 : vector<16xf32>
      %abs3A_1321 = math.absf %get3A_1284 : vector<16xf32>
      %neg3A_1322 = arith.constant 0.000000e+00 : f32
      %neg3A_1323 = vector.broadcast %neg3A_1322 : f32 to vector<16xf32>
      %neg3A_1324 = arith.subf %neg3A_1323, %abs3A_1321 : vector<16xf32>
      %exp3A_1325 = math.exp %neg3A_1324 : vector<16xf32>
      %broadcast_in_dim3A_1326 = arith.constant -0.0172080602 : f32
      %broadcast_in_dim3A_1327 = vector.broadcast %broadcast_in_dim3A_1326 : f32 to vector<16xf32>
      %mul3A_1328 = arith.mulf %broadcast_in_dim3A_1327, %exp3A_1325 : vector<16xf32>
      %add3A_1329 = arith.constant 0.0817268118 : f32
      %add3A_1330 = vector.broadcast %add3A_1329 : f32 to vector<16xf32>
      %add3A_1331 = arith.addf %mul3A_1328, %add3A_1330 : vector<16xf32>
      %mul3A_1332 = arith.mulf %add3A_1331, %exp3A_1325 : vector<16xf32>
      %add3A_1333 = arith.constant -0.188782677 : f32
      %add3A_1334 = vector.broadcast %add3A_1333 : f32 to vector<16xf32>
      %add3A_1335 = arith.addf %mul3A_1332, %add3A_1334 : vector<16xf32>
      %mul3A_1336 = arith.mulf %add3A_1335, %exp3A_1325 : vector<16xf32>
      %add3A_1337 = arith.constant 0.314590544 : f32
      %add3A_1338 = vector.broadcast %add3A_1337 : f32 to vector<16xf32>
      %add3A_1339 = arith.addf %mul3A_1336, %add3A_1338 : vector<16xf32>
      %mul3A_1340 = arith.mulf %add3A_1339, %exp3A_1325 : vector<16xf32>
      %add3A_1341 = arith.constant -0.496977925 : f32
      %add3A_1342 = vector.broadcast %add3A_1341 : f32 to vector<16xf32>
      %add3A_1343 = arith.addf %mul3A_1340, %add3A_1342 : vector<16xf32>
      %mul3A_1344 = arith.mulf %add3A_1343, %exp3A_1325 : vector<16xf32>
      %add3A_1345 = arith.constant 0.999792456 : f32
      %add3A_1346 = vector.broadcast %add3A_1345 : f32 to vector<16xf32>
      %add3A_1347 = arith.addf %mul3A_1344, %add3A_1346 : vector<16xf32>
      %mul3A_1348 = arith.mulf %add3A_1347, %exp3A_1325 : vector<16xf32>
      %add3A_1349 = arith.constant 3.50755204E-6 : f32
      %add3A_1350 = vector.broadcast %add3A_1349 : f32 to vector<16xf32>
      %add3A_1351 = arith.addf %mul3A_1348, %add3A_1350 : vector<16xf32>
      %max3A_1352 = arith.constant 0.000000e+00 : f32
      %max3A_1353 = vector.broadcast %max3A_1352 : f32 to vector<16xf32>
      %max3A_1354 = arith.maximumf %get3A_1284, %max3A_1353 : vector<16xf32>
      %add3A_1355 = arith.addf %max3A_1354, %add3A_1351 : vector<16xf32>
      %mul3A_1356 = arith.mulf %add3A_1355, %get3A_1276 : vector<16xf32>
      %add3A_1357 = arith.addf %mul3A_1320, %mul3A_1356 : vector<16xf32>
      %xor3A_1358 = arith.constant 1 : i32
      %xor3A_1359 = vector.broadcast %xor3A_1358 : i32 to vector<16xi32>
      %xor3A_1360 = arith.xori %iota3A, %xor3A_1359 : vector<16xi32>
      %broadcast_in_dim3A_1361 = vector.shape_cast %xor3A_1360 : vector<16xi32> to vector<16x1xi32>
      %gather3A_1362 = vector.shape_cast %broadcast_in_dim3A_1361 : vector<16x1xi32> to vector<16xi32>
      %gather3A_1363 = tpu.dynamic_gather %add3A_1357[%gather3A_1362] in [0] : vector<16xf32>, vector<16xi32> -> vector<16xf32>
      %add3A_1364 = arith.addf %add3A_1357, %gather3A_1363 : vector<16xf32>
      %xor3A_1365 = arith.constant 2 : i32
      %xor3A_1366 = vector.broadcast %xor3A_1365 : i32 to vector<16xi32>
      %xor3A_1367 = arith.xori %iota3A, %xor3A_1366 : vector<16xi32>
      %broadcast_in_dim3A_1368 = vector.shape_cast %xor3A_1367 : vector<16xi32> to vector<16x1xi32>
      %gather3A_1369 = vector.shape_cast %broadcast_in_dim3A_1368 : vector<16x1xi32> to vector<16xi32>
      %gather3A_1370 = tpu.dynamic_gather %add3A_1364[%gather3A_1369] in [0] : vector<16xf32>, vector<16xi32> -> vector<16xf32>
      %add3A_1371 = arith.addf %add3A_1364, %gather3A_1370 : vector<16xf32>
      %xor3A_1372 = arith.constant 4 : i32
      %xor3A_1373 = vector.broadcast %xor3A_1372 : i32 to vector<16xi32>
      %xor3A_1374 = arith.xori %iota3A, %xor3A_1373 : vector<16xi32>
      %broadcast_in_dim3A_1375 = vector.shape_cast %xor3A_1374 : vector<16xi32> to vector<16x1xi32>
      %gather3A_1376 = vector.shape_cast %broadcast_in_dim3A_1375 : vector<16x1xi32> to vector<16xi32>
      %gather3A_1377 = tpu.dynamic_gather %add3A_1371[%gather3A_1376] in [0] : vector<16xf32>, vector<16xi32> -> vector<16xf32>
      %add3A_1378 = arith.addf %add3A_1371, %gather3A_1377 : vector<16xf32>
      %xor3A_1379 = arith.constant 8 : i32
      %xor3A_1380 = vector.broadcast %xor3A_1379 : i32 to vector<16xi32>
      %xor3A_1381 = arith.xori %iota3A, %xor3A_1380 : vector<16xi32>
      %broadcast_in_dim3A_1382 = vector.shape_cast %xor3A_1381 : vector<16xi32> to vector<16x1xi32>
      %gather3A_1383 = vector.shape_cast %broadcast_in_dim3A_1382 : vector<16x1xi32> to vector<16xi32>
      %gather3A_1384 = tpu.dynamic_gather %add3A_1378[%gather3A_1383] in [0] : vector<16xf32>, vector<16xi32> -> vector<16xf32>
      %add3A_1385 = arith.addf %add3A_1378, %gather3A_1384 : vector<16xf32>
      %eq3A_1386 = arith.constant 10 : i32
      %eq3A_1387 = vector.broadcast %eq3A_1386 : i32 to vector<16xi32>
      %eq3A_1388 = arith.cmpi eq, %iota3A, %eq3A_1387 : vector<16xi32>
      %select_n3A_1389 = arith.select %eq3A_1388, %add3A_1385, %select_n3A_1264 : vector<16xi1>, vector<16xf32>
      %mul3A_1390 = arith.constant 16 : i32
      %mul3A_1391 = arith.muli %scan3A_22, %mul3A_1390 : i32
      %add3A_1392 = arith.constant 11 : i32
      %add3A_1393 = arith.addi %mul3A_1391, %add3A_1392 : i32
      %get3A_1394 = arith.index_cast %add3A_1393 : i32 to index
      %get3A_1395 = arith.constant 0 : index
      %get3A_1396 = tpu.vector_load %arg10[%get3A_1394, %get3A_1395] {strides = array<i32>} : memref<512x32xf32, #tpu.memory_space<vmem>>, vector<1x16xf32>,
      %get3A_1397 = vector.shape_cast %get3A_1396 : vector<1x16xf32> to vector<16xf32>
      %get3A_1398 = arith.index_cast %add3A_1393 : i32 to index
      %get3A_1399 = arith.constant 16 : index
      %get3A_1400 = tpu.vector_load %arg10[%get3A_1398, %get3A_1399] {strides = array<i32>} : memref<512x32xf32, #tpu.memory_space<vmem>>, vector<1x16xf32>,
      %get3A_1401 = vector.shape_cast %get3A_1400 : vector<1x16xf32> to vector<16xf32>
      %get3A_1402 = arith.index_cast %add3A_1393 : i32 to index
      %get3A_1403 = arith.constant 0 : index
      %get3A_1404 = tpu.vector_load %arg11[%get3A_1402, %get3A_1403] {strides = array<i32>} : memref<512x32xf32, #tpu.memory_space<vmem>>, vector<1x16xf32>,
      %get3A_1405 = vector.shape_cast %get3A_1404 : vector<1x16xf32> to vector<16xf32>
      %get3A_1406 = arith.index_cast %add3A_1393 : i32 to index
      %get3A_1407 = arith.constant 16 : index
      %get3A_1408 = tpu.vector_load %arg11[%get3A_1406, %get3A_1407] {strides = array<i32>} : memref<512x32xf32, #tpu.memory_space<vmem>>, vector<1x16xf32>,
      %get3A_1409 = vector.shape_cast %get3A_1408 : vector<1x16xf32> to vector<16xf32>
      %abs3A_1410 = math.absf %get3A_1405 : vector<16xf32>
      %neg3A_1411 = arith.constant 0.000000e+00 : f32
      %neg3A_1412 = vector.broadcast %neg3A_1411 : f32 to vector<16xf32>
      %neg3A_1413 = arith.subf %neg3A_1412, %abs3A_1410 : vector<16xf32>
      %exp3A_1414 = math.exp %neg3A_1413 : vector<16xf32>
      %broadcast_in_dim3A_1415 = arith.constant -0.0172080602 : f32
      %broadcast_in_dim3A_1416 = vector.broadcast %broadcast_in_dim3A_1415 : f32 to vector<16xf32>
      %mul3A_1417 = arith.mulf %broadcast_in_dim3A_1416, %exp3A_1414 : vector<16xf32>
      %add3A_1418 = arith.constant 0.0817268118 : f32
      %add3A_1419 = vector.broadcast %add3A_1418 : f32 to vector<16xf32>
      %add3A_1420 = arith.addf %mul3A_1417, %add3A_1419 : vector<16xf32>
      %mul3A_1421 = arith.mulf %add3A_1420, %exp3A_1414 : vector<16xf32>
      %add3A_1422 = arith.constant -0.188782677 : f32
      %add3A_1423 = vector.broadcast %add3A_1422 : f32 to vector<16xf32>
      %add3A_1424 = arith.addf %mul3A_1421, %add3A_1423 : vector<16xf32>
      %mul3A_1425 = arith.mulf %add3A_1424, %exp3A_1414 : vector<16xf32>
      %add3A_1426 = arith.constant 0.314590544 : f32
      %add3A_1427 = vector.broadcast %add3A_1426 : f32 to vector<16xf32>
      %add3A_1428 = arith.addf %mul3A_1425, %add3A_1427 : vector<16xf32>
      %mul3A_1429 = arith.mulf %add3A_1428, %exp3A_1414 : vector<16xf32>
      %add3A_1430 = arith.constant -0.496977925 : f32
      %add3A_1431 = vector.broadcast %add3A_1430 : f32 to vector<16xf32>
      %add3A_1432 = arith.addf %mul3A_1429, %add3A_1431 : vector<16xf32>
      %mul3A_1433 = arith.mulf %add3A_1432, %exp3A_1414 : vector<16xf32>
      %add3A_1434 = arith.constant 0.999792456 : f32
      %add3A_1435 = vector.broadcast %add3A_1434 : f32 to vector<16xf32>
      %add3A_1436 = arith.addf %mul3A_1433, %add3A_1435 : vector<16xf32>
      %mul3A_1437 = arith.mulf %add3A_1436, %exp3A_1414 : vector<16xf32>
      %add3A_1438 = arith.constant 3.50755204E-6 : f32
      %add3A_1439 = vector.broadcast %add3A_1438 : f32 to vector<16xf32>
      %add3A_1440 = arith.addf %mul3A_1437, %add3A_1439 : vector<16xf32>
      %max3A_1441 = arith.constant 0.000000e+00 : f32
      %max3A_1442 = vector.broadcast %max3A_1441 : f32 to vector<16xf32>
      %max3A_1443 = arith.maximumf %get3A_1405, %max3A_1442 : vector<16xf32>
      %add3A_1444 = arith.addf %max3A_1443, %add3A_1440 : vector<16xf32>
      %mul3A_1445 = arith.mulf %add3A_1444, %get3A_1397 : vector<16xf32>
      %abs3A_1446 = math.absf %get3A_1409 : vector<16xf32>
      %neg3A_1447 = arith.constant 0.000000e+00 : f32
      %neg3A_1448 = vector.broadcast %neg3A_1447 : f32 to vector<16xf32>
      %neg3A_1449 = arith.subf %neg3A_1448, %abs3A_1446 : vector<16xf32>
      %exp3A_1450 = math.exp %neg3A_1449 : vector<16xf32>
      %broadcast_in_dim3A_1451 = arith.constant -0.0172080602 : f32
      %broadcast_in_dim3A_1452 = vector.broadcast %broadcast_in_dim3A_1451 : f32 to vector<16xf32>
      %mul3A_1453 = arith.mulf %broadcast_in_dim3A_1452, %exp3A_1450 : vector<16xf32>
      %add3A_1454 = arith.constant 0.0817268118 : f32
      %add3A_1455 = vector.broadcast %add3A_1454 : f32 to vector<16xf32>
      %add3A_1456 = arith.addf %mul3A_1453, %add3A_1455 : vector<16xf32>
      %mul3A_1457 = arith.mulf %add3A_1456, %exp3A_1450 : vector<16xf32>
      %add3A_1458 = arith.constant -0.188782677 : f32
      %add3A_1459 = vector.broadcast %add3A_1458 : f32 to vector<16xf32>
      %add3A_1460 = arith.addf %mul3A_1457, %add3A_1459 : vector<16xf32>
      %mul3A_1461 = arith.mulf %add3A_1460, %exp3A_1450 : vector<16xf32>
      %add3A_1462 = arith.constant 0.314590544 : f32
      %add3A_1463 = vector.broadcast %add3A_1462 : f32 to vector<16xf32>
      %add3A_1464 = arith.addf %mul3A_1461, %add3A_1463 : vector<16xf32>
      %mul3A_1465 = arith.mulf %add3A_1464, %exp3A_1450 : vector<16xf32>
      %add3A_1466 = arith.constant -0.496977925 : f32
      %add3A_1467 = vector.broadcast %add3A_1466 : f32 to vector<16xf32>
      %add3A_1468 = arith.addf %mul3A_1465, %add3A_1467 : vector<16xf32>
      %mul3A_1469 = arith.mulf %add3A_1468, %exp3A_1450 : vector<16xf32>
      %add3A_1470 = arith.constant 0.999792456 : f32
      %add3A_1471 = vector.broadcast %add3A_1470 : f32 to vector<16xf32>
      %add3A_1472 = arith.addf %mul3A_1469, %add3A_1471 : vector<16xf32>
      %mul3A_1473 = arith.mulf %add3A_1472, %exp3A_1450 : vector<16xf32>
      %add3A_1474 = arith.constant 3.50755204E-6 : f32
      %add3A_1475 = vector.broadcast %add3A_1474 : f32 to vector<16xf32>
      %add3A_1476 = arith.addf %mul3A_1473, %add3A_1475 : vector<16xf32>
      %max3A_1477 = arith.constant 0.000000e+00 : f32
      %max3A_1478 = vector.broadcast %max3A_1477 : f32 to vector<16xf32>
      %max3A_1479 = arith.maximumf %get3A_1409, %max3A_1478 : vector<16xf32>
      %add3A_1480 = arith.addf %max3A_1479, %add3A_1476 : vector<16xf32>
      %mul3A_1481 = arith.mulf %add3A_1480, %get3A_1401 : vector<16xf32>
      %add3A_1482 = arith.addf %mul3A_1445, %mul3A_1481 : vector<16xf32>
      %xor3A_1483 = arith.constant 1 : i32
      %xor3A_1484 = vector.broadcast %xor3A_1483 : i32 to vector<16xi32>
      %xor3A_1485 = arith.xori %iota3A, %xor3A_1484 : vector<16xi32>
      %broadcast_in_dim3A_1486 = vector.shape_cast %xor3A_1485 : vector<16xi32> to vector<16x1xi32>
      %gather3A_1487 = vector.shape_cast %broadcast_in_dim3A_1486 : vector<16x1xi32> to vector<16xi32>
      %gather3A_1488 = tpu.dynamic_gather %add3A_1482[%gather3A_1487] in [0] : vector<16xf32>, vector<16xi32> -> vector<16xf32>
      %add3A_1489 = arith.addf %add3A_1482, %gather3A_1488 : vector<16xf32>
      %xor3A_1490 = arith.constant 2 : i32
      %xor3A_1491 = vector.broadcast %xor3A_1490 : i32 to vector<16xi32>
      %xor3A_1492 = arith.xori %iota3A, %xor3A_1491 : vector<16xi32>
      %broadcast_in_dim3A_1493 = vector.shape_cast %xor3A_1492 : vector<16xi32> to vector<16x1xi32>
      %gather3A_1494 = vector.shape_cast %broadcast_in_dim3A_1493 : vector<16x1xi32> to vector<16xi32>
      %gather3A_1495 = tpu.dynamic_gather %add3A_1489[%gather3A_1494] in [0] : vector<16xf32>, vector<16xi32> -> vector<16xf32>
      %add3A_1496 = arith.addf %add3A_1489, %gather3A_1495 : vector<16xf32>
      %xor3A_1497 = arith.constant 4 : i32
      %xor3A_1498 = vector.broadcast %xor3A_1497 : i32 to vector<16xi32>
      %xor3A_1499 = arith.xori %iota3A, %xor3A_1498 : vector<16xi32>
      %broadcast_in_dim3A_1500 = vector.shape_cast %xor3A_1499 : vector<16xi32> to vector<16x1xi32>
      %gather3A_1501 = vector.shape_cast %broadcast_in_dim3A_1500 : vector<16x1xi32> to vector<16xi32>
      %gather3A_1502 = tpu.dynamic_gather %add3A_1496[%gather3A_1501] in [0] : vector<16xf32>, vector<16xi32> -> vector<16xf32>
      %add3A_1503 = arith.addf %add3A_1496, %gather3A_1502 : vector<16xf32>
      %xor3A_1504 = arith.constant 8 : i32
      %xor3A_1505 = vector.broadcast %xor3A_1504 : i32 to vector<16xi32>
      %xor3A_1506 = arith.xori %iota3A, %xor3A_1505 : vector<16xi32>
      %broadcast_in_dim3A_1507 = vector.shape_cast %xor3A_1506 : vector<16xi32> to vector<16x1xi32>
      %gather3A_1508 = vector.shape_cast %broadcast_in_dim3A_1507 : vector<16x1xi32> to vector<16xi32>
      %gather3A_1509 = tpu.dynamic_gather %add3A_1503[%gather3A_1508] in [0] : vector<16xf32>, vector<16xi32> -> vector<16xf32>
      %add3A_1510 = arith.addf %add3A_1503, %gather3A_1509 : vector<16xf32>
      %eq3A_1511 = arith.constant 11 : i32
      %eq3A_1512 = vector.broadcast %eq3A_1511 : i32 to vector<16xi32>
      %eq3A_1513 = arith.cmpi eq, %iota3A, %eq3A_1512 : vector<16xi32>
      %select_n3A_1514 = arith.select %eq3A_1513, %add3A_1510, %select_n3A_1389 : vector<16xi1>, vector<16xf32>
      %mul3A_1515 = arith.constant 16 : i32
      %mul3A_1516 = arith.muli %scan3A_22, %mul3A_1515 : i32
      %add3A_1517 = arith.constant 12 : i32
      %add3A_1518 = arith.addi %mul3A_1516, %add3A_1517 : i32
      %get3A_1519 = arith.index_cast %add3A_1518 : i32 to index
      %get3A_1520 = arith.constant 0 : index
      %get3A_1521 = tpu.vector_load %arg10[%get3A_1519, %get3A_1520] {strides = array<i32>} : memref<512x32xf32, #tpu.memory_space<vmem>>, vector<1x16xf32>,
      %get3A_1522 = vector.shape_cast %get3A_1521 : vector<1x16xf32> to vector<16xf32>
      %get3A_1523 = arith.index_cast %add3A_1518 : i32 to index
      %get3A_1524 = arith.constant 16 : index
      %get3A_1525 = tpu.vector_load %arg10[%get3A_1523, %get3A_1524] {strides = array<i32>} : memref<512x32xf32, #tpu.memory_space<vmem>>, vector<1x16xf32>,
      %get3A_1526 = vector.shape_cast %get3A_1525 : vector<1x16xf32> to vector<16xf32>
      %get3A_1527 = arith.index_cast %add3A_1518 : i32 to index
      %get3A_1528 = arith.constant 0 : index
      %get3A_1529 = tpu.vector_load %arg11[%get3A_1527, %get3A_1528] {strides = array<i32>} : memref<512x32xf32, #tpu.memory_space<vmem>>, vector<1x16xf32>,
      %get3A_1530 = vector.shape_cast %get3A_1529 : vector<1x16xf32> to vector<16xf32>
      %get3A_1531 = arith.index_cast %add3A_1518 : i32 to index
      %get3A_1532 = arith.constant 16 : index
      %get3A_1533 = tpu.vector_load %arg11[%get3A_1531, %get3A_1532] {strides = array<i32>} : memref<512x32xf32, #tpu.memory_space<vmem>>, vector<1x16xf32>,
      %get3A_1534 = vector.shape_cast %get3A_1533 : vector<1x16xf32> to vector<16xf32>
      %abs3A_1535 = math.absf %get3A_1530 : vector<16xf32>
      %neg3A_1536 = arith.constant 0.000000e+00 : f32
      %neg3A_1537 = vector.broadcast %neg3A_1536 : f32 to vector<16xf32>
      %neg3A_1538 = arith.subf %neg3A_1537, %abs3A_1535 : vector<16xf32>
      %exp3A_1539 = math.exp %neg3A_1538 : vector<16xf32>
      %broadcast_in_dim3A_1540 = arith.constant -0.0172080602 : f32
      %broadcast_in_dim3A_1541 = vector.broadcast %broadcast_in_dim3A_1540 : f32 to vector<16xf32>
      %mul3A_1542 = arith.mulf %broadcast_in_dim3A_1541, %exp3A_1539 : vector<16xf32>
      %add3A_1543 = arith.constant 0.0817268118 : f32
      %add3A_1544 = vector.broadcast %add3A_1543 : f32 to vector<16xf32>
      %add3A_1545 = arith.addf %mul3A_1542, %add3A_1544 : vector<16xf32>
      %mul3A_1546 = arith.mulf %add3A_1545, %exp3A_1539 : vector<16xf32>
      %add3A_1547 = arith.constant -0.188782677 : f32
      %add3A_1548 = vector.broadcast %add3A_1547 : f32 to vector<16xf32>
      %add3A_1549 = arith.addf %mul3A_1546, %add3A_1548 : vector<16xf32>
      %mul3A_1550 = arith.mulf %add3A_1549, %exp3A_1539 : vector<16xf32>
      %add3A_1551 = arith.constant 0.314590544 : f32
      %add3A_1552 = vector.broadcast %add3A_1551 : f32 to vector<16xf32>
      %add3A_1553 = arith.addf %mul3A_1550, %add3A_1552 : vector<16xf32>
      %mul3A_1554 = arith.mulf %add3A_1553, %exp3A_1539 : vector<16xf32>
      %add3A_1555 = arith.constant -0.496977925 : f32
      %add3A_1556 = vector.broadcast %add3A_1555 : f32 to vector<16xf32>
      %add3A_1557 = arith.addf %mul3A_1554, %add3A_1556 : vector<16xf32>
      %mul3A_1558 = arith.mulf %add3A_1557, %exp3A_1539 : vector<16xf32>
      %add3A_1559 = arith.constant 0.999792456 : f32
      %add3A_1560 = vector.broadcast %add3A_1559 : f32 to vector<16xf32>
      %add3A_1561 = arith.addf %mul3A_1558, %add3A_1560 : vector<16xf32>
      %mul3A_1562 = arith.mulf %add3A_1561, %exp3A_1539 : vector<16xf32>
      %add3A_1563 = arith.constant 3.50755204E-6 : f32
      %add3A_1564 = vector.broadcast %add3A_1563 : f32 to vector<16xf32>
      %add3A_1565 = arith.addf %mul3A_1562, %add3A_1564 : vector<16xf32>
      %max3A_1566 = arith.constant 0.000000e+00 : f32
      %max3A_1567 = vector.broadcast %max3A_1566 : f32 to vector<16xf32>
      %max3A_1568 = arith.maximumf %get3A_1530, %max3A_1567 : vector<16xf32>
      %add3A_1569 = arith.addf %max3A_1568, %add3A_1565 : vector<16xf32>
      %mul3A_1570 = arith.mulf %add3A_1569, %get3A_1522 : vector<16xf32>
      %abs3A_1571 = math.absf %get3A_1534 : vector<16xf32>
      %neg3A_1572 = arith.constant 0.000000e+00 : f32
      %neg3A_1573 = vector.broadcast %neg3A_1572 : f32 to vector<16xf32>
      %neg3A_1574 = arith.subf %neg3A_1573, %abs3A_1571 : vector<16xf32>
      %exp3A_1575 = math.exp %neg3A_1574 : vector<16xf32>
      %broadcast_in_dim3A_1576 = arith.constant -0.0172080602 : f32
      %broadcast_in_dim3A_1577 = vector.broadcast %broadcast_in_dim3A_1576 : f32 to vector<16xf32>
      %mul3A_1578 = arith.mulf %broadcast_in_dim3A_1577, %exp3A_1575 : vector<16xf32>
      %add3A_1579 = arith.constant 0.0817268118 : f32
      %add3A_1580 = vector.broadcast %add3A_1579 : f32 to vector<16xf32>
      %add3A_1581 = arith.addf %mul3A_1578, %add3A_1580 : vector<16xf32>
      %mul3A_1582 = arith.mulf %add3A_1581, %exp3A_1575 : vector<16xf32>
      %add3A_1583 = arith.constant -0.188782677 : f32
      %add3A_1584 = vector.broadcast %add3A_1583 : f32 to vector<16xf32>
      %add3A_1585 = arith.addf %mul3A_1582, %add3A_1584 : vector<16xf32>
      %mul3A_1586 = arith.mulf %add3A_1585, %exp3A_1575 : vector<16xf32>
      %add3A_1587 = arith.constant 0.314590544 : f32
      %add3A_1588 = vector.broadcast %add3A_1587 : f32 to vector<16xf32>
      %add3A_1589 = arith.addf %mul3A_1586, %add3A_1588 : vector<16xf32>
      %mul3A_1590 = arith.mulf %add3A_1589, %exp3A_1575 : vector<16xf32>
      %add3A_1591 = arith.constant -0.496977925 : f32
      %add3A_1592 = vector.broadcast %add3A_1591 : f32 to vector<16xf32>
      %add3A_1593 = arith.addf %mul3A_1590, %add3A_1592 : vector<16xf32>
      %mul3A_1594 = arith.mulf %add3A_1593, %exp3A_1575 : vector<16xf32>
      %add3A_1595 = arith.constant 0.999792456 : f32
      %add3A_1596 = vector.broadcast %add3A_1595 : f32 to vector<16xf32>
      %add3A_1597 = arith.addf %mul3A_1594, %add3A_1596 : vector<16xf32>
      %mul3A_1598 = arith.mulf %add3A_1597, %exp3A_1575 : vector<16xf32>
      %add3A_1599 = arith.constant 3.50755204E-6 : f32
      %add3A_1600 = vector.broadcast %add3A_1599 : f32 to vector<16xf32>
      %add3A_1601 = arith.addf %mul3A_1598, %add3A_1600 : vector<16xf32>
      %max3A_1602 = arith.constant 0.000000e+00 : f32
      %max3A_1603 = vector.broadcast %max3A_1602 : f32 to vector<16xf32>
      %max3A_1604 = arith.maximumf %get3A_1534, %max3A_1603 : vector<16xf32>
      %add3A_1605 = arith.addf %max3A_1604, %add3A_1601 : vector<16xf32>
      %mul3A_1606 = arith.mulf %add3A_1605, %get3A_1526 : vector<16xf32>
      %add3A_1607 = arith.addf %mul3A_1570, %mul3A_1606 : vector<16xf32>
      %xor3A_1608 = arith.constant 1 : i32
      %xor3A_1609 = vector.broadcast %xor3A_1608 : i32 to vector<16xi32>
      %xor3A_1610 = arith.xori %iota3A, %xor3A_1609 : vector<16xi32>
      %broadcast_in_dim3A_1611 = vector.shape_cast %xor3A_1610 : vector<16xi32> to vector<16x1xi32>
      %gather3A_1612 = vector.shape_cast %broadcast_in_dim3A_1611 : vector<16x1xi32> to vector<16xi32>
      %gather3A_1613 = tpu.dynamic_gather %add3A_1607[%gather3A_1612] in [0] : vector<16xf32>, vector<16xi32> -> vector<16xf32>
      %add3A_1614 = arith.addf %add3A_1607, %gather3A_1613 : vector<16xf32>
      %xor3A_1615 = arith.constant 2 : i32
      %xor3A_1616 = vector.broadcast %xor3A_1615 : i32 to vector<16xi32>
      %xor3A_1617 = arith.xori %iota3A, %xor3A_1616 : vector<16xi32>
      %broadcast_in_dim3A_1618 = vector.shape_cast %xor3A_1617 : vector<16xi32> to vector<16x1xi32>
      %gather3A_1619 = vector.shape_cast %broadcast_in_dim3A_1618 : vector<16x1xi32> to vector<16xi32>
      %gather3A_1620 = tpu.dynamic_gather %add3A_1614[%gather3A_1619] in [0] : vector<16xf32>, vector<16xi32> -> vector<16xf32>
      %add3A_1621 = arith.addf %add3A_1614, %gather3A_1620 : vector<16xf32>
      %xor3A_1622 = arith.constant 4 : i32
      %xor3A_1623 = vector.broadcast %xor3A_1622 : i32 to vector<16xi32>
      %xor3A_1624 = arith.xori %iota3A, %xor3A_1623 : vector<16xi32>
      %broadcast_in_dim3A_1625 = vector.shape_cast %xor3A_1624 : vector<16xi32> to vector<16x1xi32>
      %gather3A_1626 = vector.shape_cast %broadcast_in_dim3A_1625 : vector<16x1xi32> to vector<16xi32>
      %gather3A_1627 = tpu.dynamic_gather %add3A_1621[%gather3A_1626] in [0] : vector<16xf32>, vector<16xi32> -> vector<16xf32>
      %add3A_1628 = arith.addf %add3A_1621, %gather3A_1627 : vector<16xf32>
      %xor3A_1629 = arith.constant 8 : i32
      %xor3A_1630 = vector.broadcast %xor3A_1629 : i32 to vector<16xi32>
      %xor3A_1631 = arith.xori %iota3A, %xor3A_1630 : vector<16xi32>
      %broadcast_in_dim3A_1632 = vector.shape_cast %xor3A_1631 : vector<16xi32> to vector<16x1xi32>
      %gather3A_1633 = vector.shape_cast %broadcast_in_dim3A_1632 : vector<16x1xi32> to vector<16xi32>
      %gather3A_1634 = tpu.dynamic_gather %add3A_1628[%gather3A_1633] in [0] : vector<16xf32>, vector<16xi32> -> vector<16xf32>
      %add3A_1635 = arith.addf %add3A_1628, %gather3A_1634 : vector<16xf32>
      %eq3A_1636 = arith.constant 12 : i32
      %eq3A_1637 = vector.broadcast %eq3A_1636 : i32 to vector<16xi32>
      %eq3A_1638 = arith.cmpi eq, %iota3A, %eq3A_1637 : vector<16xi32>
      %select_n3A_1639 = arith.select %eq3A_1638, %add3A_1635, %select_n3A_1514 : vector<16xi1>, vector<16xf32>
      %mul3A_1640 = arith.constant 16 : i32
      %mul3A_1641 = arith.muli %scan3A_22, %mul3A_1640 : i32
      %add3A_1642 = arith.constant 13 : i32
      %add3A_1643 = arith.addi %mul3A_1641, %add3A_1642 : i32
      %get3A_1644 = arith.index_cast %add3A_1643 : i32 to index
      %get3A_1645 = arith.constant 0 : index
      %get3A_1646 = tpu.vector_load %arg10[%get3A_1644, %get3A_1645] {strides = array<i32>} : memref<512x32xf32, #tpu.memory_space<vmem>>, vector<1x16xf32>,
      %get3A_1647 = vector.shape_cast %get3A_1646 : vector<1x16xf32> to vector<16xf32>
      %get3A_1648 = arith.index_cast %add3A_1643 : i32 to index
      %get3A_1649 = arith.constant 16 : index
      %get3A_1650 = tpu.vector_load %arg10[%get3A_1648, %get3A_1649] {strides = array<i32>} : memref<512x32xf32, #tpu.memory_space<vmem>>, vector<1x16xf32>,
      %get3A_1651 = vector.shape_cast %get3A_1650 : vector<1x16xf32> to vector<16xf32>
      %get3A_1652 = arith.index_cast %add3A_1643 : i32 to index
      %get3A_1653 = arith.constant 0 : index
      %get3A_1654 = tpu.vector_load %arg11[%get3A_1652, %get3A_1653] {strides = array<i32>} : memref<512x32xf32, #tpu.memory_space<vmem>>, vector<1x16xf32>,
      %get3A_1655 = vector.shape_cast %get3A_1654 : vector<1x16xf32> to vector<16xf32>
      %get3A_1656 = arith.index_cast %add3A_1643 : i32 to index
      %get3A_1657 = arith.constant 16 : index
      %get3A_1658 = tpu.vector_load %arg11[%get3A_1656, %get3A_1657] {strides = array<i32>} : memref<512x32xf32, #tpu.memory_space<vmem>>, vector<1x16xf32>,
      %get3A_1659 = vector.shape_cast %get3A_1658 : vector<1x16xf32> to vector<16xf32>
      %abs3A_1660 = math.absf %get3A_1655 : vector<16xf32>
      %neg3A_1661 = arith.constant 0.000000e+00 : f32
      %neg3A_1662 = vector.broadcast %neg3A_1661 : f32 to vector<16xf32>
      %neg3A_1663 = arith.subf %neg3A_1662, %abs3A_1660 : vector<16xf32>
      %exp3A_1664 = math.exp %neg3A_1663 : vector<16xf32>
      %broadcast_in_dim3A_1665 = arith.constant -0.0172080602 : f32
      %broadcast_in_dim3A_1666 = vector.broadcast %broadcast_in_dim3A_1665 : f32 to vector<16xf32>
      %mul3A_1667 = arith.mulf %broadcast_in_dim3A_1666, %exp3A_1664 : vector<16xf32>
      %add3A_1668 = arith.constant 0.0817268118 : f32
      %add3A_1669 = vector.broadcast %add3A_1668 : f32 to vector<16xf32>
      %add3A_1670 = arith.addf %mul3A_1667, %add3A_1669 : vector<16xf32>
      %mul3A_1671 = arith.mulf %add3A_1670, %exp3A_1664 : vector<16xf32>
      %add3A_1672 = arith.constant -0.188782677 : f32
      %add3A_1673 = vector.broadcast %add3A_1672 : f32 to vector<16xf32>
      %add3A_1674 = arith.addf %mul3A_1671, %add3A_1673 : vector<16xf32>
      %mul3A_1675 = arith.mulf %add3A_1674, %exp3A_1664 : vector<16xf32>
      %add3A_1676 = arith.constant 0.314590544 : f32
      %add3A_1677 = vector.broadcast %add3A_1676 : f32 to vector<16xf32>
      %add3A_1678 = arith.addf %mul3A_1675, %add3A_1677 : vector<16xf32>
      %mul3A_1679 = arith.mulf %add3A_1678, %exp3A_1664 : vector<16xf32>
      %add3A_1680 = arith.constant -0.496977925 : f32
      %add3A_1681 = vector.broadcast %add3A_1680 : f32 to vector<16xf32>
      %add3A_1682 = arith.addf %mul3A_1679, %add3A_1681 : vector<16xf32>
      %mul3A_1683 = arith.mulf %add3A_1682, %exp3A_1664 : vector<16xf32>
      %add3A_1684 = arith.constant 0.999792456 : f32
      %add3A_1685 = vector.broadcast %add3A_1684 : f32 to vector<16xf32>
      %add3A_1686 = arith.addf %mul3A_1683, %add3A_1685 : vector<16xf32>
      %mul3A_1687 = arith.mulf %add3A_1686, %exp3A_1664 : vector<16xf32>
      %add3A_1688 = arith.constant 3.50755204E-6 : f32
      %add3A_1689 = vector.broadcast %add3A_1688 : f32 to vector<16xf32>
      %add3A_1690 = arith.addf %mul3A_1687, %add3A_1689 : vector<16xf32>
      %max3A_1691 = arith.constant 0.000000e+00 : f32
      %max3A_1692 = vector.broadcast %max3A_1691 : f32 to vector<16xf32>
      %max3A_1693 = arith.maximumf %get3A_1655, %max3A_1692 : vector<16xf32>
      %add3A_1694 = arith.addf %max3A_1693, %add3A_1690 : vector<16xf32>
      %mul3A_1695 = arith.mulf %add3A_1694, %get3A_1647 : vector<16xf32>
      %abs3A_1696 = math.absf %get3A_1659 : vector<16xf32>
      %neg3A_1697 = arith.constant 0.000000e+00 : f32
      %neg3A_1698 = vector.broadcast %neg3A_1697 : f32 to vector<16xf32>
      %neg3A_1699 = arith.subf %neg3A_1698, %abs3A_1696 : vector<16xf32>
      %exp3A_1700 = math.exp %neg3A_1699 : vector<16xf32>
      %broadcast_in_dim3A_1701 = arith.constant -0.0172080602 : f32
      %broadcast_in_dim3A_1702 = vector.broadcast %broadcast_in_dim3A_1701 : f32 to vector<16xf32>
      %mul3A_1703 = arith.mulf %broadcast_in_dim3A_1702, %exp3A_1700 : vector<16xf32>
      %add3A_1704 = arith.constant 0.0817268118 : f32
      %add3A_1705 = vector.broadcast %add3A_1704 : f32 to vector<16xf32>
      %add3A_1706 = arith.addf %mul3A_1703, %add3A_1705 : vector<16xf32>
      %mul3A_1707 = arith.mulf %add3A_1706, %exp3A_1700 : vector<16xf32>
      %add3A_1708 = arith.constant -0.188782677 : f32
      %add3A_1709 = vector.broadcast %add3A_1708 : f32 to vector<16xf32>
      %add3A_1710 = arith.addf %mul3A_1707, %add3A_1709 : vector<16xf32>
      %mul3A_1711 = arith.mulf %add3A_1710, %exp3A_1700 : vector<16xf32>
      %add3A_1712 = arith.constant 0.314590544 : f32
      %add3A_1713 = vector.broadcast %add3A_1712 : f32 to vector<16xf32>
      %add3A_1714 = arith.addf %mul3A_1711, %add3A_1713 : vector<16xf32>
      %mul3A_1715 = arith.mulf %add3A_1714, %exp3A_1700 : vector<16xf32>
      %add3A_1716 = arith.constant -0.496977925 : f32
      %add3A_1717 = vector.broadcast %add3A_1716 : f32 to vector<16xf32>
      %add3A_1718 = arith.addf %mul3A_1715, %add3A_1717 : vector<16xf32>
      %mul3A_1719 = arith.mulf %add3A_1718, %exp3A_1700 : vector<16xf32>
      %add3A_1720 = arith.constant 0.999792456 : f32
      %add3A_1721 = vector.broadcast %add3A_1720 : f32 to vector<16xf32>
      %add3A_1722 = arith.addf %mul3A_1719, %add3A_1721 : vector<16xf32>
      %mul3A_1723 = arith.mulf %add3A_1722, %exp3A_1700 : vector<16xf32>
      %add3A_1724 = arith.constant 3.50755204E-6 : f32
      %add3A_1725 = vector.broadcast %add3A_1724 : f32 to vector<16xf32>
      %add3A_1726 = arith.addf %mul3A_1723, %add3A_1725 : vector<16xf32>
      %max3A_1727 = arith.constant 0.000000e+00 : f32
      %max3A_1728 = vector.broadcast %max3A_1727 : f32 to vector<16xf32>
      %max3A_1729 = arith.maximumf %get3A_1659, %max3A_1728 : vector<16xf32>
      %add3A_1730 = arith.addf %max3A_1729, %add3A_1726 : vector<16xf32>
      %mul3A_1731 = arith.mulf %add3A_1730, %get3A_1651 : vector<16xf32>
      %add3A_1732 = arith.addf %mul3A_1695, %mul3A_1731 : vector<16xf32>
      %xor3A_1733 = arith.constant 1 : i32
      %xor3A_1734 = vector.broadcast %xor3A_1733 : i32 to vector<16xi32>
      %xor3A_1735 = arith.xori %iota3A, %xor3A_1734 : vector<16xi32>
      %broadcast_in_dim3A_1736 = vector.shape_cast %xor3A_1735 : vector<16xi32> to vector<16x1xi32>
      %gather3A_1737 = vector.shape_cast %broadcast_in_dim3A_1736 : vector<16x1xi32> to vector<16xi32>
      %gather3A_1738 = tpu.dynamic_gather %add3A_1732[%gather3A_1737] in [0] : vector<16xf32>, vector<16xi32> -> vector<16xf32>
      %add3A_1739 = arith.addf %add3A_1732, %gather3A_1738 : vector<16xf32>
      %xor3A_1740 = arith.constant 2 : i32
      %xor3A_1741 = vector.broadcast %xor3A_1740 : i32 to vector<16xi32>
      %xor3A_1742 = arith.xori %iota3A, %xor3A_1741 : vector<16xi32>
      %broadcast_in_dim3A_1743 = vector.shape_cast %xor3A_1742 : vector<16xi32> to vector<16x1xi32>
      %gather3A_1744 = vector.shape_cast %broadcast_in_dim3A_1743 : vector<16x1xi32> to vector<16xi32>
      %gather3A_1745 = tpu.dynamic_gather %add3A_1739[%gather3A_1744] in [0] : vector<16xf32>, vector<16xi32> -> vector<16xf32>
      %add3A_1746 = arith.addf %add3A_1739, %gather3A_1745 : vector<16xf32>
      %xor3A_1747 = arith.constant 4 : i32
      %xor3A_1748 = vector.broadcast %xor3A_1747 : i32 to vector<16xi32>
      %xor3A_1749 = arith.xori %iota3A, %xor3A_1748 : vector<16xi32>
      %broadcast_in_dim3A_1750 = vector.shape_cast %xor3A_1749 : vector<16xi32> to vector<16x1xi32>
      %gather3A_1751 = vector.shape_cast %broadcast_in_dim3A_1750 : vector<16x1xi32> to vector<16xi32>
      %gather3A_1752 = tpu.dynamic_gather %add3A_1746[%gather3A_1751] in [0] : vector<16xf32>, vector<16xi32> -> vector<16xf32>
      %add3A_1753 = arith.addf %add3A_1746, %gather3A_1752 : vector<16xf32>
      %xor3A_1754 = arith.constant 8 : i32
      %xor3A_1755 = vector.broadcast %xor3A_1754 : i32 to vector<16xi32>
      %xor3A_1756 = arith.xori %iota3A, %xor3A_1755 : vector<16xi32>
      %broadcast_in_dim3A_1757 = vector.shape_cast %xor3A_1756 : vector<16xi32> to vector<16x1xi32>
      %gather3A_1758 = vector.shape_cast %broadcast_in_dim3A_1757 : vector<16x1xi32> to vector<16xi32>
      %gather3A_1759 = tpu.dynamic_gather %add3A_1753[%gather3A_1758] in [0] : vector<16xf32>, vector<16xi32> -> vector<16xf32>
      %add3A_1760 = arith.addf %add3A_1753, %gather3A_1759 : vector<16xf32>
      %eq3A_1761 = arith.constant 13 : i32
      %eq3A_1762 = vector.broadcast %eq3A_1761 : i32 to vector<16xi32>
      %eq3A_1763 = arith.cmpi eq, %iota3A, %eq3A_1762 : vector<16xi32>
      %select_n3A_1764 = arith.select %eq3A_1763, %add3A_1760, %select_n3A_1639 : vector<16xi1>, vector<16xf32>
      %mul3A_1765 = arith.constant 16 : i32
      %mul3A_1766 = arith.muli %scan3A_22, %mul3A_1765 : i32
      %add3A_1767 = arith.constant 14 : i32
      %add3A_1768 = arith.addi %mul3A_1766, %add3A_1767 : i32
      %get3A_1769 = arith.index_cast %add3A_1768 : i32 to index
      %get3A_1770 = arith.constant 0 : index
      %get3A_1771 = tpu.vector_load %arg10[%get3A_1769, %get3A_1770] {strides = array<i32>} : memref<512x32xf32, #tpu.memory_space<vmem>>, vector<1x16xf32>,
      %get3A_1772 = vector.shape_cast %get3A_1771 : vector<1x16xf32> to vector<16xf32>
      %get3A_1773 = arith.index_cast %add3A_1768 : i32 to index
      %get3A_1774 = arith.constant 16 : index
      %get3A_1775 = tpu.vector_load %arg10[%get3A_1773, %get3A_1774] {strides = array<i32>} : memref<512x32xf32, #tpu.memory_space<vmem>>, vector<1x16xf32>,
      %get3A_1776 = vector.shape_cast %get3A_1775 : vector<1x16xf32> to vector<16xf32>
      %get3A_1777 = arith.index_cast %add3A_1768 : i32 to index
      %get3A_1778 = arith.constant 0 : index
      %get3A_1779 = tpu.vector_load %arg11[%get3A_1777, %get3A_1778] {strides = array<i32>} : memref<512x32xf32, #tpu.memory_space<vmem>>, vector<1x16xf32>,
      %get3A_1780 = vector.shape_cast %get3A_1779 : vector<1x16xf32> to vector<16xf32>
      %get3A_1781 = arith.index_cast %add3A_1768 : i32 to index
      %get3A_1782 = arith.constant 16 : index
      %get3A_1783 = tpu.vector_load %arg11[%get3A_1781, %get3A_1782] {strides = array<i32>} : memref<512x32xf32, #tpu.memory_space<vmem>>, vector<1x16xf32>,
      %get3A_1784 = vector.shape_cast %get3A_1783 : vector<1x16xf32> to vector<16xf32>
      %abs3A_1785 = math.absf %get3A_1780 : vector<16xf32>
      %neg3A_1786 = arith.constant 0.000000e+00 : f32
      %neg3A_1787 = vector.broadcast %neg3A_1786 : f32 to vector<16xf32>
      %neg3A_1788 = arith.subf %neg3A_1787, %abs3A_1785 : vector<16xf32>
      %exp3A_1789 = math.exp %neg3A_1788 : vector<16xf32>
      %broadcast_in_dim3A_1790 = arith.constant -0.0172080602 : f32
      %broadcast_in_dim3A_1791 = vector.broadcast %broadcast_in_dim3A_1790 : f32 to vector<16xf32>
      %mul3A_1792 = arith.mulf %broadcast_in_dim3A_1791, %exp3A_1789 : vector<16xf32>
      %add3A_1793 = arith.constant 0.0817268118 : f32
      %add3A_1794 = vector.broadcast %add3A_1793 : f32 to vector<16xf32>
      %add3A_1795 = arith.addf %mul3A_1792, %add3A_1794 : vector<16xf32>
      %mul3A_1796 = arith.mulf %add3A_1795, %exp3A_1789 : vector<16xf32>
      %add3A_1797 = arith.constant -0.188782677 : f32
      %add3A_1798 = vector.broadcast %add3A_1797 : f32 to vector<16xf32>
      %add3A_1799 = arith.addf %mul3A_1796, %add3A_1798 : vector<16xf32>
      %mul3A_1800 = arith.mulf %add3A_1799, %exp3A_1789 : vector<16xf32>
      %add3A_1801 = arith.constant 0.314590544 : f32
      %add3A_1802 = vector.broadcast %add3A_1801 : f32 to vector<16xf32>
      %add3A_1803 = arith.addf %mul3A_1800, %add3A_1802 : vector<16xf32>
      %mul3A_1804 = arith.mulf %add3A_1803, %exp3A_1789 : vector<16xf32>
      %add3A_1805 = arith.constant -0.496977925 : f32
      %add3A_1806 = vector.broadcast %add3A_1805 : f32 to vector<16xf32>
      %add3A_1807 = arith.addf %mul3A_1804, %add3A_1806 : vector<16xf32>
      %mul3A_1808 = arith.mulf %add3A_1807, %exp3A_1789 : vector<16xf32>
      %add3A_1809 = arith.constant 0.999792456 : f32
      %add3A_1810 = vector.broadcast %add3A_1809 : f32 to vector<16xf32>
      %add3A_1811 = arith.addf %mul3A_1808, %add3A_1810 : vector<16xf32>
      %mul3A_1812 = arith.mulf %add3A_1811, %exp3A_1789 : vector<16xf32>
      %add3A_1813 = arith.constant 3.50755204E-6 : f32
      %add3A_1814 = vector.broadcast %add3A_1813 : f32 to vector<16xf32>
      %add3A_1815 = arith.addf %mul3A_1812, %add3A_1814 : vector<16xf32>
      %max3A_1816 = arith.constant 0.000000e+00 : f32
      %max3A_1817 = vector.broadcast %max3A_1816 : f32 to vector<16xf32>
      %max3A_1818 = arith.maximumf %get3A_1780, %max3A_1817 : vector<16xf32>
      %add3A_1819 = arith.addf %max3A_1818, %add3A_1815 : vector<16xf32>
      %mul3A_1820 = arith.mulf %add3A_1819, %get3A_1772 : vector<16xf32>
      %abs3A_1821 = math.absf %get3A_1784 : vector<16xf32>
      %neg3A_1822 = arith.constant 0.000000e+00 : f32
      %neg3A_1823 = vector.broadcast %neg3A_1822 : f32 to vector<16xf32>
      %neg3A_1824 = arith.subf %neg3A_1823, %abs3A_1821 : vector<16xf32>
      %exp3A_1825 = math.exp %neg3A_1824 : vector<16xf32>
      %broadcast_in_dim3A_1826 = arith.constant -0.0172080602 : f32
      %broadcast_in_dim3A_1827 = vector.broadcast %broadcast_in_dim3A_1826 : f32 to vector<16xf32>
      %mul3A_1828 = arith.mulf %broadcast_in_dim3A_1827, %exp3A_1825 : vector<16xf32>
      %add3A_1829 = arith.constant 0.0817268118 : f32
      %add3A_1830 = vector.broadcast %add3A_1829 : f32 to vector<16xf32>
      %add3A_1831 = arith.addf %mul3A_1828, %add3A_1830 : vector<16xf32>
      %mul3A_1832 = arith.mulf %add3A_1831, %exp3A_1825 : vector<16xf32>
      %add3A_1833 = arith.constant -0.188782677 : f32
      %add3A_1834 = vector.broadcast %add3A_1833 : f32 to vector<16xf32>
      %add3A_1835 = arith.addf %mul3A_1832, %add3A_1834 : vector<16xf32>
      %mul3A_1836 = arith.mulf %add3A_1835, %exp3A_1825 : vector<16xf32>
      %add3A_1837 = arith.constant 0.314590544 : f32
      %add3A_1838 = vector.broadcast %add3A_1837 : f32 to vector<16xf32>
      %add3A_1839 = arith.addf %mul3A_1836, %add3A_1838 : vector<16xf32>
      %mul3A_1840 = arith.mulf %add3A_1839, %exp3A_1825 : vector<16xf32>
      %add3A_1841 = arith.constant -0.496977925 : f32
      %add3A_1842 = vector.broadcast %add3A_1841 : f32 to vector<16xf32>
      %add3A_1843 = arith.addf %mul3A_1840, %add3A_1842 : vector<16xf32>
      %mul3A_1844 = arith.mulf %add3A_1843, %exp3A_1825 : vector<16xf32>
      %add3A_1845 = arith.constant 0.999792456 : f32
      %add3A_1846 = vector.broadcast %add3A_1845 : f32 to vector<16xf32>
      %add3A_1847 = arith.addf %mul3A_1844, %add3A_1846 : vector<16xf32>
      %mul3A_1848 = arith.mulf %add3A_1847, %exp3A_1825 : vector<16xf32>
      %add3A_1849 = arith.constant 3.50755204E-6 : f32
      %add3A_1850 = vector.broadcast %add3A_1849 : f32 to vector<16xf32>
      %add3A_1851 = arith.addf %mul3A_1848, %add3A_1850 : vector<16xf32>
      %max3A_1852 = arith.constant 0.000000e+00 : f32
      %max3A_1853 = vector.broadcast %max3A_1852 : f32 to vector<16xf32>
      %max3A_1854 = arith.maximumf %get3A_1784, %max3A_1853 : vector<16xf32>
      %add3A_1855 = arith.addf %max3A_1854, %add3A_1851 : vector<16xf32>
      %mul3A_1856 = arith.mulf %add3A_1855, %get3A_1776 : vector<16xf32>
      %add3A_1857 = arith.addf %mul3A_1820, %mul3A_1856 : vector<16xf32>
      %xor3A_1858 = arith.constant 1 : i32
      %xor3A_1859 = vector.broadcast %xor3A_1858 : i32 to vector<16xi32>
      %xor3A_1860 = arith.xori %iota3A, %xor3A_1859 : vector<16xi32>
      %broadcast_in_dim3A_1861 = vector.shape_cast %xor3A_1860 : vector<16xi32> to vector<16x1xi32>
      %gather3A_1862 = vector.shape_cast %broadcast_in_dim3A_1861 : vector<16x1xi32> to vector<16xi32>
      %gather3A_1863 = tpu.dynamic_gather %add3A_1857[%gather3A_1862] in [0] : vector<16xf32>, vector<16xi32> -> vector<16xf32>
      %add3A_1864 = arith.addf %add3A_1857, %gather3A_1863 : vector<16xf32>
      %xor3A_1865 = arith.constant 2 : i32
      %xor3A_1866 = vector.broadcast %xor3A_1865 : i32 to vector<16xi32>
      %xor3A_1867 = arith.xori %iota3A, %xor3A_1866 : vector<16xi32>
      %broadcast_in_dim3A_1868 = vector.shape_cast %xor3A_1867 : vector<16xi32> to vector<16x1xi32>
      %gather3A_1869 = vector.shape_cast %broadcast_in_dim3A_1868 : vector<16x1xi32> to vector<16xi32>
      %gather3A_1870 = tpu.dynamic_gather %add3A_1864[%gather3A_1869] in [0] : vector<16xf32>, vector<16xi32> -> vector<16xf32>
      %add3A_1871 = arith.addf %add3A_1864, %gather3A_1870 : vector<16xf32>
      %xor3A_1872 = arith.constant 4 : i32
      %xor3A_1873 = vector.broadcast %xor3A_1872 : i32 to vector<16xi32>
      %xor3A_1874 = arith.xori %iota3A, %xor3A_1873 : vector<16xi32>
      %broadcast_in_dim3A_1875 = vector.shape_cast %xor3A_1874 : vector<16xi32> to vector<16x1xi32>
      %gather3A_1876 = vector.shape_cast %broadcast_in_dim3A_1875 : vector<16x1xi32> to vector<16xi32>
      %gather3A_1877 = tpu.dynamic_gather %add3A_1871[%gather3A_1876] in [0] : vector<16xf32>, vector<16xi32> -> vector<16xf32>
      %add3A_1878 = arith.addf %add3A_1871, %gather3A_1877 : vector<16xf32>
      %xor3A_1879 = arith.constant 8 : i32
      %xor3A_1880 = vector.broadcast %xor3A_1879 : i32 to vector<16xi32>
      %xor3A_1881 = arith.xori %iota3A, %xor3A_1880 : vector<16xi32>
      %broadcast_in_dim3A_1882 = vector.shape_cast %xor3A_1881 : vector<16xi32> to vector<16x1xi32>
      %gather3A_1883 = vector.shape_cast %broadcast_in_dim3A_1882 : vector<16x1xi32> to vector<16xi32>
      %gather3A_1884 = tpu.dynamic_gather %add3A_1878[%gather3A_1883] in [0] : vector<16xf32>, vector<16xi32> -> vector<16xf32>
      %add3A_1885 = arith.addf %add3A_1878, %gather3A_1884 : vector<16xf32>
      %eq3A_1886 = arith.constant 14 : i32
      %eq3A_1887 = vector.broadcast %eq3A_1886 : i32 to vector<16xi32>
      %eq3A_1888 = arith.cmpi eq, %iota3A, %eq3A_1887 : vector<16xi32>
      %select_n3A_1889 = arith.select %eq3A_1888, %add3A_1885, %select_n3A_1764 : vector<16xi1>, vector<16xf32>
      %mul3A_1890 = arith.constant 16 : i32
      %mul3A_1891 = arith.muli %scan3A_22, %mul3A_1890 : i32
      %add3A_1892 = arith.constant 15 : i32
      %add3A_1893 = arith.addi %mul3A_1891, %add3A_1892 : i32
      %get3A_1894 = arith.index_cast %add3A_1893 : i32 to index
      %get3A_1895 = arith.constant 0 : index
      %get3A_1896 = tpu.vector_load %arg10[%get3A_1894, %get3A_1895] {strides = array<i32>} : memref<512x32xf32, #tpu.memory_space<vmem>>, vector<1x16xf32>,
      %get3A_1897 = vector.shape_cast %get3A_1896 : vector<1x16xf32> to vector<16xf32>
      %get3A_1898 = arith.index_cast %add3A_1893 : i32 to index
      %get3A_1899 = arith.constant 16 : index
      %get3A_1900 = tpu.vector_load %arg10[%get3A_1898, %get3A_1899] {strides = array<i32>} : memref<512x32xf32, #tpu.memory_space<vmem>>, vector<1x16xf32>,
      %get3A_1901 = vector.shape_cast %get3A_1900 : vector<1x16xf32> to vector<16xf32>
      %get3A_1902 = arith.index_cast %add3A_1893 : i32 to index
      %get3A_1903 = arith.constant 0 : index
      %get3A_1904 = tpu.vector_load %arg11[%get3A_1902, %get3A_1903] {strides = array<i32>} : memref<512x32xf32, #tpu.memory_space<vmem>>, vector<1x16xf32>,
      %get3A_1905 = vector.shape_cast %get3A_1904 : vector<1x16xf32> to vector<16xf32>
      %get3A_1906 = arith.index_cast %add3A_1893 : i32 to index
      %get3A_1907 = arith.constant 16 : index
      %get3A_1908 = tpu.vector_load %arg11[%get3A_1906, %get3A_1907] {strides = array<i32>} : memref<512x32xf32, #tpu.memory_space<vmem>>, vector<1x16xf32>,
      %get3A_1909 = vector.shape_cast %get3A_1908 : vector<1x16xf32> to vector<16xf32>
      %abs3A_1910 = math.absf %get3A_1905 : vector<16xf32>
      %neg3A_1911 = arith.constant 0.000000e+00 : f32
      %neg3A_1912 = vector.broadcast %neg3A_1911 : f32 to vector<16xf32>
      %neg3A_1913 = arith.subf %neg3A_1912, %abs3A_1910 : vector<16xf32>
      %exp3A_1914 = math.exp %neg3A_1913 : vector<16xf32>
      %broadcast_in_dim3A_1915 = arith.constant -0.0172080602 : f32
      %broadcast_in_dim3A_1916 = vector.broadcast %broadcast_in_dim3A_1915 : f32 to vector<16xf32>
      %mul3A_1917 = arith.mulf %broadcast_in_dim3A_1916, %exp3A_1914 : vector<16xf32>
      %add3A_1918 = arith.constant 0.0817268118 : f32
      %add3A_1919 = vector.broadcast %add3A_1918 : f32 to vector<16xf32>
      %add3A_1920 = arith.addf %mul3A_1917, %add3A_1919 : vector<16xf32>
      %mul3A_1921 = arith.mulf %add3A_1920, %exp3A_1914 : vector<16xf32>
      %add3A_1922 = arith.constant -0.188782677 : f32
      %add3A_1923 = vector.broadcast %add3A_1922 : f32 to vector<16xf32>
      %add3A_1924 = arith.addf %mul3A_1921, %add3A_1923 : vector<16xf32>
      %mul3A_1925 = arith.mulf %add3A_1924, %exp3A_1914 : vector<16xf32>
      %add3A_1926 = arith.constant 0.314590544 : f32
      %add3A_1927 = vector.broadcast %add3A_1926 : f32 to vector<16xf32>
      %add3A_1928 = arith.addf %mul3A_1925, %add3A_1927 : vector<16xf32>
      %mul3A_1929 = arith.mulf %add3A_1928, %exp3A_1914 : vector<16xf32>
      %add3A_1930 = arith.constant -0.496977925 : f32
      %add3A_1931 = vector.broadcast %add3A_1930 : f32 to vector<16xf32>
      %add3A_1932 = arith.addf %mul3A_1929, %add3A_1931 : vector<16xf32>
      %mul3A_1933 = arith.mulf %add3A_1932, %exp3A_1914 : vector<16xf32>
      %add3A_1934 = arith.constant 0.999792456 : f32
      %add3A_1935 = vector.broadcast %add3A_1934 : f32 to vector<16xf32>
      %add3A_1936 = arith.addf %mul3A_1933, %add3A_1935 : vector<16xf32>
      %mul3A_1937 = arith.mulf %add3A_1936, %exp3A_1914 : vector<16xf32>
      %add3A_1938 = arith.constant 3.50755204E-6 : f32
      %add3A_1939 = vector.broadcast %add3A_1938 : f32 to vector<16xf32>
      %add3A_1940 = arith.addf %mul3A_1937, %add3A_1939 : vector<16xf32>
      %max3A_1941 = arith.constant 0.000000e+00 : f32
      %max3A_1942 = vector.broadcast %max3A_1941 : f32 to vector<16xf32>
      %max3A_1943 = arith.maximumf %get3A_1905, %max3A_1942 : vector<16xf32>
      %add3A_1944 = arith.addf %max3A_1943, %add3A_1940 : vector<16xf32>
      %mul3A_1945 = arith.mulf %add3A_1944, %get3A_1897 : vector<16xf32>
      %abs3A_1946 = math.absf %get3A_1909 : vector<16xf32>
      %neg3A_1947 = arith.constant 0.000000e+00 : f32
      %neg3A_1948 = vector.broadcast %neg3A_1947 : f32 to vector<16xf32>
      %neg3A_1949 = arith.subf %neg3A_1948, %abs3A_1946 : vector<16xf32>
      %exp3A_1950 = math.exp %neg3A_1949 : vector<16xf32>
      %broadcast_in_dim3A_1951 = arith.constant -0.0172080602 : f32
      %broadcast_in_dim3A_1952 = vector.broadcast %broadcast_in_dim3A_1951 : f32 to vector<16xf32>
      %mul3A_1953 = arith.mulf %broadcast_in_dim3A_1952, %exp3A_1950 : vector<16xf32>
      %add3A_1954 = arith.constant 0.0817268118 : f32
      %add3A_1955 = vector.broadcast %add3A_1954 : f32 to vector<16xf32>
      %add3A_1956 = arith.addf %mul3A_1953, %add3A_1955 : vector<16xf32>
      %mul3A_1957 = arith.mulf %add3A_1956, %exp3A_1950 : vector<16xf32>
      %add3A_1958 = arith.constant -0.188782677 : f32
      %add3A_1959 = vector.broadcast %add3A_1958 : f32 to vector<16xf32>
      %add3A_1960 = arith.addf %mul3A_1957, %add3A_1959 : vector<16xf32>
      %mul3A_1961 = arith.mulf %add3A_1960, %exp3A_1950 : vector<16xf32>
      %add3A_1962 = arith.constant 0.314590544 : f32
      %add3A_1963 = vector.broadcast %add3A_1962 : f32 to vector<16xf32>
      %add3A_1964 = arith.addf %mul3A_1961, %add3A_1963 : vector<16xf32>
      %mul3A_1965 = arith.mulf %add3A_1964, %exp3A_1950 : vector<16xf32>
      %add3A_1966 = arith.constant -0.496977925 : f32
      %add3A_1967 = vector.broadcast %add3A_1966 : f32 to vector<16xf32>
      %add3A_1968 = arith.addf %mul3A_1965, %add3A_1967 : vector<16xf32>
      %mul3A_1969 = arith.mulf %add3A_1968, %exp3A_1950 : vector<16xf32>
      %add3A_1970 = arith.constant 0.999792456 : f32
      %add3A_1971 = vector.broadcast %add3A_1970 : f32 to vector<16xf32>
      %add3A_1972 = arith.addf %mul3A_1969, %add3A_1971 : vector<16xf32>
      %mul3A_1973 = arith.mulf %add3A_1972, %exp3A_1950 : vector<16xf32>
      %add3A_1974 = arith.constant 3.50755204E-6 : f32
      %add3A_1975 = vector.broadcast %add3A_1974 : f32 to vector<16xf32>
      %add3A_1976 = arith.addf %mul3A_1973, %add3A_1975 : vector<16xf32>
      %max3A_1977 = arith.constant 0.000000e+00 : f32
      %max3A_1978 = vector.broadcast %max3A_1977 : f32 to vector<16xf32>
      %max3A_1979 = arith.maximumf %get3A_1909, %max3A_1978 : vector<16xf32>
      %add3A_1980 = arith.addf %max3A_1979, %add3A_1976 : vector<16xf32>
      %mul3A_1981 = arith.mulf %add3A_1980, %get3A_1901 : vector<16xf32>
      %add3A_1982 = arith.addf %mul3A_1945, %mul3A_1981 : vector<16xf32>
      %xor3A_1983 = arith.constant 1 : i32
      %xor3A_1984 = vector.broadcast %xor3A_1983 : i32 to vector<16xi32>
      %xor3A_1985 = arith.xori %iota3A, %xor3A_1984 : vector<16xi32>
      %broadcast_in_dim3A_1986 = vector.shape_cast %xor3A_1985 : vector<16xi32> to vector<16x1xi32>
      %gather3A_1987 = vector.shape_cast %broadcast_in_dim3A_1986 : vector<16x1xi32> to vector<16xi32>
      %gather3A_1988 = tpu.dynamic_gather %add3A_1982[%gather3A_1987] in [0] : vector<16xf32>, vector<16xi32> -> vector<16xf32>
      %add3A_1989 = arith.addf %add3A_1982, %gather3A_1988 : vector<16xf32>
      %xor3A_1990 = arith.constant 2 : i32
      %xor3A_1991 = vector.broadcast %xor3A_1990 : i32 to vector<16xi32>
      %xor3A_1992 = arith.xori %iota3A, %xor3A_1991 : vector<16xi32>
      %broadcast_in_dim3A_1993 = vector.shape_cast %xor3A_1992 : vector<16xi32> to vector<16x1xi32>
      %gather3A_1994 = vector.shape_cast %broadcast_in_dim3A_1993 : vector<16x1xi32> to vector<16xi32>
      %gather3A_1995 = tpu.dynamic_gather %add3A_1989[%gather3A_1994] in [0] : vector<16xf32>, vector<16xi32> -> vector<16xf32>
      %add3A_1996 = arith.addf %add3A_1989, %gather3A_1995 : vector<16xf32>
      %xor3A_1997 = arith.constant 4 : i32
      %xor3A_1998 = vector.broadcast %xor3A_1997 : i32 to vector<16xi32>
      %xor3A_1999 = arith.xori %iota3A, %xor3A_1998 : vector<16xi32>
      %broadcast_in_dim3A_2000 = vector.shape_cast %xor3A_1999 : vector<16xi32> to vector<16x1xi32>
      %gather3A_2001 = vector.shape_cast %broadcast_in_dim3A_2000 : vector<16x1xi32> to vector<16xi32>
      %gather3A_2002 = tpu.dynamic_gather %add3A_1996[%gather3A_2001] in [0] : vector<16xf32>, vector<16xi32> -> vector<16xf32>
      %add3A_2003 = arith.addf %add3A_1996, %gather3A_2002 : vector<16xf32>
      %xor3A_2004 = arith.constant 8 : i32
      %xor3A_2005 = vector.broadcast %xor3A_2004 : i32 to vector<16xi32>
      %xor3A_2006 = arith.xori %iota3A, %xor3A_2005 : vector<16xi32>
      %broadcast_in_dim3A_2007 = vector.shape_cast %xor3A_2006 : vector<16xi32> to vector<16x1xi32>
      %gather3A_2008 = vector.shape_cast %broadcast_in_dim3A_2007 : vector<16x1xi32> to vector<16xi32>
      %gather3A_2009 = tpu.dynamic_gather %add3A_2003[%gather3A_2008] in [0] : vector<16xf32>, vector<16xi32> -> vector<16xf32>
      %add3A_2010 = arith.addf %add3A_2003, %gather3A_2009 : vector<16xf32>
      %eq3A_2011 = arith.constant 15 : i32
      %eq3A_2012 = vector.broadcast %eq3A_2011 : i32 to vector<16xi32>
      %eq3A_2013 = arith.cmpi eq, %iota3A, %eq3A_2012 : vector<16xi32>
      %select_n3A_2014 = arith.select %eq3A_2013, %add3A_2010, %select_n3A_1889 : vector<16xi1>, vector<16xf32>
      %mul3A_2015 = arith.constant 16 : i32
      %mul3A_2016 = arith.muli %scan3A_22, %mul3A_2015 : i32
      %get3A_2017 = arith.index_cast %mul3A_2016 : i32 to index
      %get3A_2018 = tpu.vector_load %arg12[%get3A_2017] {strides = array<i32>} : memref<512xf32, #tpu.memory_space<vmem>>, vector<16xf32>,
      %get3A_2019 = vector.shape_cast %get3A_2018 : vector<16xf32> to vector<16xf32>
      %sub3A = arith.subf %select_n3A_2014, %get3A_2019 : vector<16xf32>
      %neg3A_2020 = arith.constant 0.000000e+00 : f32
      %neg3A_2021 = vector.broadcast %neg3A_2020 : f32 to vector<16xf32>
      %neg3A_2022 = arith.subf %neg3A_2021, %sub3A : vector<16xf32>
      %exp3A_2023 = math.exp %neg3A_2022 : vector<16xf32>
      %add3A_2024 = arith.constant 1.000000e+00 : f32
      %add3A_2025 = vector.broadcast %add3A_2024 : f32 to vector<16xf32>
      %add3A_2026 = arith.addf %add3A_2025, %exp3A_2023 : vector<16xf32>
      %div3A = arith.constant 1.000000e+00 : f32
      %div3A_2027 = vector.broadcast %div3A : f32 to vector<16xf32>
      %div3A_2028 = arith.divf %div3A_2027, %add3A_2026 : vector<16xf32>
      %mul3A_2029 = arith.constant 16 : i32
      %mul3A_2030 = arith.muli %scan3A_22, %mul3A_2029 : i32
      %swap3A = arith.index_cast %mul3A_2030 : i32 to index
      %swap3A_2031 = tpu.vector_load %arg13[%swap3A] {strides = array<i32>} : memref<512xf32, #tpu.memory_space<vmem>>, vector<16xf32>,
      %swap3A_2032 = vector.shape_cast %swap3A_2031 : vector<16xf32> to vector<16xf32>
      %swap3A_2033 = vector.shape_cast %div3A_2028 : vector<16xf32> to vector<16xf32>
      tpu.vector_store %arg13[%swap3A], %swap3A_2033 {strides = array<i32>} : memref<512xf32, #tpu.memory_space<vmem>>, vector<16xf32>,
    }
    %scan3A_21 = arith.constant 32 : i32
    "tpu.region"() ({
      %run_scoped3A = tpu.sem_alloc : memref<!tpu.dma_semaphore, #tpu.memory_space<semaphore_mem>>
      %dma_start3A_22 = tpu.memref_slice %arg7[%mul3A_2] : memref<16384xf32, #tpu.memory_space<hbm>> -> memref<512xf32, #tpu.memory_space<hbm>>
      %dma_start3A_23 = tpu.memref_slice %arg7[%mul3A_2] : memref<16384xf32, #tpu.memory_space<hbm>> -> memref<512xf32, #tpu.memory_space<hbm>>
      tpu.enqueue_dma source(%arg13 : memref<512xf32, #tpu.memory_space<vmem>>) target(%dma_start3A_23 : memref<512xf32, #tpu.memory_space<hbm>>) target_semaphore(%run_scoped3A : memref<!tpu.dma_semaphore, #tpu.memory_space<semaphore_mem>>)
      %dma_wait3A_24 = tpu.memref_slice %arg7[%mul3A_2] : memref<16384xf32, #tpu.memory_space<hbm>> -> memref<512xf32, #tpu.memory_space<hbm>>
      %dma_wait3A_25 = tpu.memref_slice %arg7[%mul3A_2] : memref<16384xf32, #tpu.memory_space<hbm>> -> memref<512xf32, #tpu.memory_space<hbm>>
      tpu.wait_dma2 semaphore(%run_scoped3A : memref<!tpu.dma_semaphore, #tpu.memory_space<semaphore_mem>>) src(%arg13 : memref<512xf32, #tpu.memory_space<vmem>>) dst(%dma_wait3A_25 : memref<512xf32, #tpu.memory_space<hbm>>)
      tpu.yield
    }) : () -> ()
    return
  }
}

</mosaic_0001>

<sc_bundles>
// kernel: kernel.3.cloned.1.call-start
scs
__scs_entry_jumppad:
0x0: {  	(pc) =	sbr.rel $0x88, $3  }
0x1: {  	(tag) =	ssettag $0x0;
	lr =	simm.s32 $0x1  }
0x2: {  	[smem:$0x3F9C] =	sst lr;
	_ =	strace $0xD0000000  }
0x3: {  	_ = 	snop  }
0x4: {  	_ = 	snop  }
0x5: {  	_ = 	snop  }
0x6: {  	_ = 	snop  }
0x7: {  	_ = 	snop  }
__scs_overlays_trampoline_lowered:
0x8: {  	[smem:$0x3FAB] =	sst s0  }
0x9: {  	[smem:$0x3FAC] =	sst s1  }
0xa: {  	[smem:$0x3FAD] =	sst s2  }
0xb: {  	[smem:$0x3FAE] =	sst s3  }
0xc: {  	[smem:$0x3FAF] =	sst s4  }
0xd: {  	[smem:$0x3FB0] =	sst s5  }
0xe: {  	[smem:$0x3FB1] =	sst s6  }
0xf: {  	[smem:$0x3FB2] =	sst s7  }
0x10: {  	[smem:$0x3FB3] =	sst s8  }
0x11: {  	[smem:$0x3FB4] =	sst s9;
	s0 =	simm.s32 @!p0 $0x0  }
0x12: {  	s1 =	sld [smem:$0x3F9A];
	s0 =	simm.s32 @p0 $0x1  }
0x13: {  	[smem:$0x3FB5] =	sst s0;
	s0 =	simm.s32 @!p1 $0x0  }
0x14: {  	s2 =	sld [smem:$0x3F99];
	s0 =	simm.s32 @p1 $0x1  }
0x15: {  	[smem:$0x3FB6] =	sst s0;
	s0 =	simm.s32 @!p2 $0x0  }
0x16: {  	s3 =	sld [smem:$0x3FDB];
	s0 =	simm.s32 @p2 $0x1  }
0x17: {  	s4 =	simm.s32 $0x1BF5;
	[smem:$0x3FB8] =	sst s0  }
0x18: {  	s0 =	sld [smem:$0x3F9B];
	_ =	swait.ge [sflag:s4], $0x0  }
0x19: {  	s7 =	sld [smem:$0x3F9C]  }
0x1a: {  	s8 =	sadd.s32 $0xFFFFE003, lr  }
0x1b: {  	s9 =	sadd.s32 $0xFFFFFEF7, lr;
	s5 =	simm.s32 $0xFFFFFFFF;
	p2 =	slt.u32 s8, $0xFFFFF086  }
0x1c: {  	p1 =	slt.u32 s9, $0xF7A;
	s5 =	simm.s32 @!p2 $0x0  }
0x1d: {  	s5 =	simm.s32 @p1 $0x1;
	p0 =	seq.s32 s7, s2  }
0x1e: {  	s7 =	smul.u32 @!p0 $0xF7A, s2;
	p2 =	seq.s32 @!p0 s5, $0x0  }
0x1f: {  	s9 =	smul.u32 $0xF7A, s1;
	s8 =	simm.s32 @!p0 $0x1BF5;
	p2 =	por !p2, p0  }
0x20: {  	[sflag:s8] =	ssyncset.s32 @!p0 $0xFFFFF086;
	s6 =	sadd.s32 @!p0 s3, s7;
	s7 =	simm.s32 @!p0 $0x108  }
0x21: {  	s3 =	sadd.s32 s3, s9;
	s6 =	sadd.s32 @!p0 $0x88, s6;
	s7 =	simm.s32 @p2 $0x1082  }
0x22: {  	[simem:s7], [sflag:s8] =	dma.local @!p0 [hbm:s6], $0xF7A  }
0x23: {  	s9 =	sor.u32 $0xD0000000, s2;
	s6 =	simm.s32 $0x108;
	_ =	swait.ge @!p0 [sflag:s8], $0x0  }
0x24: {  	s3 =	sadd.s32 $0x88, s3;
	s6 =	simm.s32 @!p1 $0x1082;
	[sflag:s4] =	ssyncset.s32 $0xFFFFF086  }
0x25: {  	[simem:s6], [sflag:s4] =	dma.local [hbm:s3], $0xF7A  }
0x26: {  	[smem:$0x3F9C] =	sst s1;
	(tag) =	ssettag s2;
	_ =	strace s9  }
0x27: {  	s1 =	sld [smem:$0x3FAC]  }
0x28: {  	s2 =	sld [smem:$0x3FAD]  }
0x29: {  	s4 =	sld [smem:$0x3FAF]  }
0x2a: {  	p0 =	seq.s32 s5, $0x0;
	s5 =	sld [smem:$0x3FB0]  }
0x2b: {  	s6 =	sld [smem:$0x3FB1]  }
0x2c: {  	s7 =	sld [smem:$0x3FB2]  }
0x2d: {  	s3 =	simm.s32 $0x108;
	s8 =	sld [smem:$0x3FB3]  }
0x2e: {  	s3 =	simm.s32 @!p0 $0x1082;
	s9 =	sld [smem:$0x3FB4]  }
0x2f: {  	lr =	sadd.s32 s0, s3;
	s0 =	sld [smem:$0x3FAB]  }
0x30: {  	s3 =	sld [smem:$0x3FAE]  }
0x31: {  	[smem:$0x3FB7] =	sst s10  }
0x32: {  	s10 =	sld [smem:$0x3FB5];
	_ =	sdelay $0x3  }
0x33: {  	p0 =	seq.s32 s10, $0x1;
	s10 =	sld [smem:$0x3FB7];
	_ =	sdelay $0x3  }
0x34: {  	[smem:$0x3FB7] =	sst s10  }
0x35: {  	s10 =	sld [smem:$0x3FB6];
	_ =	sdelay $0x3  }
0x36: {  	p1 =	seq.s32 s10, $0x1;
	s10 =	sld [smem:$0x3FB7];
	_ =	sdelay $0x3  }
0x37: {  	[smem:$0x3FB7] =	sst s10  }
0x38: {  	s10 =	sld [smem:$0x3FB8]  }
0x39: {  	_ = 	snop;
	(pc) =	sbr.ind lr, $3  }
0x3a: {  	_ = 	snop  }
0x3b: {  	_ = 	snop  }
0x3c: {  	p2 =	seq.s32 s10, $0x1;
	s10 =	sld [smem:$0x3FB7]  }
0x3d: {  	_ =	shalt  }
0x3e: {  	_ =	shalt  }
0x3f: {  	_ =	shalt  }
0x40: {  	_ =	shalt  }
0x41: {  	_ =	shalt  }
0x42: {  	_ =	shalt  }
0x43: {  	_ =	shalt  }
0x44: {  	_ =	shalt  }
0x45: {  	_ =	shalt  }
0x46: {  	_ =	shalt  }
0x47: {  	_ =	shalt  }
0x48: {  	_ =	shalt  }
0x49: {  	_ =	shalt  }
0x4a: {  	_ =	shalt  }
0x4b: {  	_ =	shalt  }
0x4c: {  	_ =	shalt  }
0x4d: {  	_ =	shalt  }
0x4e: {  	_ =	shalt  }
0x4f: {  	_ =	shalt  }
0x50: {  	_ =	shalt  }
0x51: {  	_ =	shalt  }
0x52: {  	_ =	shalt  }
0x53: {  	_ =	shalt  }
0x54: {  	_ =	shalt  }
0x55: {  	_ =	shalt  }
0x56: {  	_ =	shalt  }
0x57: {  	_ =	shalt  }
0x58: {  	_ =	shalt  }
0x59: {  	_ =	shalt  }
0x5a: {  	_ =	shalt  }
0x5b: {  	_ =	shalt  }
0x5c: {  	_ =	shalt  }
0x5d: {  	_ =	shalt  }
0x5e: {  	_ =	shalt  }
0x5f: {  	_ =	shalt  }
0x60: {  	_ =	shalt  }
0x61: {  	_ =	shalt  }
0x62: {  	_ =	shalt  }
0x63: {  	_ =	shalt  }
0x64: {  	_ =	shalt  }
0x65: {  	_ =	shalt  }
0x66: {  	_ =	shalt  }
0x67: {  	_ =	shalt  }
0x68: {  	_ =	shalt  }
0x69: {  	_ =	shalt  }
0x6a: {  	_ =	shalt  }
0x6b: {  	_ =	shalt  }
0x6c: {  	_ =	shalt  }
0x6d: {  	_ =	shalt  }
0x6e: {  	_ =	shalt  }
0x6f: {  	_ =	shalt  }
0x70: {  	_ =	shalt  }
0x71: {  	_ =	shalt  }
0x72: {  	_ =	shalt  }
0x73: {  	_ =	shalt  }
0x74: {  	_ =	shalt  }
0x75: {  	_ =	shalt  }
0x76: {  	_ =	shalt  }
0x77: {  	_ =	shalt  }
0x78: {  	_ =	shalt  }
0x79: {  	_ =	shalt  }
0x7a: {  	_ =	shalt  }
0x7b: {  	_ =	shalt  }
0x7c: {  	_ =	shalt  }
0x7d: {  	_ =	shalt  }
0x7e: {  	_ =	shalt  }
0x7f: {  	_ =	shalt  }
0x80: {  	_ =	shalt  }
0x81: {  	_ =	shalt  }
0x82: {  	_ =	shalt  }
0x83: {  	_ =	shalt  }
0x84: {  	_ =	shalt  }
0x85: {  	_ =	shalt  }
0x86: {  	_ =	shalt  }
0x87: {  	_ =	shalt  }
.Lfunc_end0:
.L_simem_size_0:
called_computation_lowered:
.L_overlay_start_0:
0x88: {  	s2 =	sld [smem:$0x3FD9]  }
0x89: {  	s3 =	sld [smem:$0x3FFE];
	_ =	sdelay $0x1  }
0x8a: {  	s1 =	srdreg.scid  }
0x8b: {  	s0 =	sand.u32 $0x1, s1  }
0x8c: {  	s17 =	sshll.u32 s0, $0xA;
	s2 =	sadd.s32 s3, s2  }
0x8d: {  	s2 =	sadd.s32 s2, s17  }
0x8e: {  	[smem:$0x3FC3] =	sst s2  }
0x8f: {  	_ = 	snop  }
0x90: {  	s2 =	sld [smem:$0x3FC9]  }
0x91: {  	s18 =	sld [smem:$0x3FC8]  }
0x92: {  	s4 =	sld [smem:$0x3FD0];
	(tm) =	ssettm $0x1  }
0x93: {  	s5 =	sld [smem:$0x3FFB];
	_ =	sdelay $0x3  }
0x94: {  	_ =	strace s5  }
0x95: {  	s5 =	sld [smem:$0x3FFC];
	_ =	sdelay $0x3  }
0x96: {  	_ =	strace s5  }
0x97: {  	s5 =	sld [smem:$0x3FFD];
	_ =	sdelay $0x3  }
0x98: {  	_ =	strace s5  }
0x99: {  	_ =	strace $0x8FFFFFFF  }
0x9a: {  	s19 =	sld [smem:$0x3FDB];
	_ =	sdelay $0x1  }
0x9b: {  	s6 =	simm.s32 $_scs_section_size  }
0x9c: {  	s7 =	simm.s32 $_size__tile_overlayer_lowered;
	s8 =	simm.s32 $_tile_overlayer_lowered  }
0x9d: {  	s22 =	simm.s32 $0x1BFF;
	s21 =	sshll.u32 s8, $0x1;
	s5 =	sadd.s32 s6, s19  }
0x9e: {  	s9 =	simm.s32 $0x0;
	s20 =	sshll.u32 s7, $0x1;
	s7 =	sadd.s32 s21, s5  }
0x9f: {  	[timem:s9], [sflag:s22] =	dma.local [hbm:s7], s20  }
0xa0: {  	_ =	swait.ge [sflag:s22], s20  }
0xa1: {  	s6 =	ssub.s32 $0x0, s20;
	[sflag:s22] =	ssyncset.done $0x0  }
0xa2: {  	[sflag:s22] =	ssyncadd.s32 s6;
	_ =	sdelay $0x1  }
0xa3: {  	s23 =	simm.s32 $0x1B8B  }
0xa4: {  	_ =	swait.ge [sflag:s23], $0x1  }
0xa5: {  	[sflag:s23] =	ssyncset.done $0x0  }
0xa6: {  	s25 =	simm.s32 $0x1B8E;
	s24 =	sld [smem:$0x3FFE];
	[sflag:s23] =	ssyncadd.s32 $0xFFFFFFFF  }
0xa7: {  	s26 =	simm.s32 $execute0_lowered;
	[smem:$0x3FD2] =	sst s25  }
0xa8: {  	s7 =	sshll.u32 s26, $0x1;
	_ =	strace $0x80000046;
	[dreg:$0x1] =	wrdreg $0xFFFFFFFF  }
0xa9: {  	s28 =	simm.s32 $_size_execute0_lowered;
	s5 =	sadd.s32 s5, s7;
	[dreg:$0x0] =	wrdreg $0x0  }
0xaa: {  	s7 =	sshll.u32 s28, $0x1;
	[dreg:$0x2] =	wrdreg s5  }
0xab: {  	[dreg:$0x3] =	wrdreg s7  }
0xac: {  	[dreg:$0x4] =	wrdreg $0xC0  }
0xad: {  	_ =	task [dreg:s9], $0x5FFFF  }
0xae: {  	[dreg:$0x1] =	wrdreg $0xFFFFFFFF  }
0xaf: {  	[dreg:$0x0] =	wrdreg $0x60  }
0xb0: {  	[dreg:$0x2] =	wrdreg s2  }
0xb1: {  	[dreg:$0x3] =	wrdreg s18  }
0xb2: {  	[dreg:$0x4] =	wrdreg s24  }
0xb3: {  	[dreg:$0x5] =	wrdreg s4  }
0xb4: {  	[dreg:$0x6] =	wrdreg $0x9  }
0xb5: {  	_ =	task.clear_ibuf [dreg:s9], $0x7FFFF;
	_ =	strace $0x90000046  }
0xb6: {  	s29 =	simm.s32 $0x9;
	_ =	strace $0x80000048  }
0xb7: {  	_ =	swait.ge [sflag:s29], $0x1  }
0xb8: {  	[sflag:s29] =	ssyncadd.s32 $0xFFFFFFFF  }
0xb9: {  	_ =	strace $0x90000048  }
0xba: {  	_ =	sfence  }
0xbb: {  	s30 =	sld [smem:$0x0];
	_ =	sdelay $0x2  }
0xbc: {  	s31 =	sshll.u32 s1, $0xD;
	s1 =	sshrl.u32 s1, $0x2  }
0xbd: {  	s3 =	sand.u32 $0x4000, s31;
	s1 =	sadd.s32 s1, s30  }
0xbe: {  	s0 =	sor.u32 s3, s0;
	s1 =	sshll.u32 s1, $0x11  }
0xbf: {  	s0 =	sor.u32 s1, s0  }
0xc0: {  	s0 =	sadd.s32 $0x8F2B, s0  }
0xc1: {  	[sflag:s0] =	ssyncadd.remote.s32 $0x1  }
0xc2: {  	_ =	sfence.sel $0xFFFF  }
0xc3: {  	[dreg:$0x0] =	wrdreg $0xFFFFFFFF;
	(pc) =	sbr.abs _section_cstart, $3  }
0xc4: {  	[dreg:$0x1] =	wrdreg $0xFFFFFFFF  }
0xc5: {  	_ =	task.clear_ibuf [dreg:s9], $0x2FFFF;
	_ =	strace $0x9FFFFFFF  }
0xc6: {  	(tm) =	ssettm $0x7FFFFFFF  }
0xc7: {  	_ =	shalt  }
tec
execute0_lowered:
.L_overlay_start_1:
0x0: {  	(tag) =	ssettag $0x1  }
0x1: {  	v0 =	vimm.s32 $0xEFCDAB89;
	v1 =	vimm.s32 $0x67452301  }
0x2: {  	v2 =	vimm.s32 $0xDCFE98BA;
	v3 =	vimm.s32 $0x54761032;
	v4 =	vimm.s32 $0xBA98FEDC  }
0x3: {  	s6 =	rddreg [dreg:$0x0];
	v5 =	vimm.s32 $0x32107654;
	v6 =	vimm.s32 $0xFEDCBA98;
	v7 =	vimm.s32 $0x76543210  }
0x4: {  	s7 =	rddreg [dreg:$0x1];
	vm0 =	vmmov $0x1;
	vm1 =	vmmov $0x3;
	vm2 =	vmmov $0x7  }
0x5: {  	s5 =	rddreg [dreg:$0x2];
	vm3 =	vmmov $0xf;
	vm4 =	vmmov $0x1f;
	vm5 =	vmmov $0x3f  }
0x6: {  	s8 =	rddreg [dreg:$0x3];
	vm6 =	vmmov $0x7f;
	vm7 =	vmmov $0xff;
	vm8 =	vmmov $0x1ff  }
0x7: {  	s0 =	rddreg [dreg:$0x4];
	s1 =	simm.s32 $0x0;
	s9 =	srdreg.scid;
	vm9 =	vmmov $0x3ff;
	vm10 =	vmmov $0x7ff;
	vm11 =	vmmov $0xfff  }
0x8: {  	s3 =	stileid.u32;
	s13 =	simm.s32 $0x4400;
	s14 =	simm.s32 $0x8400;
	vm12 =	vmmov $0x1fff;
	v0 =	vunpack.c.l.s4.s8 v0;
	v1 =	vunpack.c.l.s4.s8 v1  }
0x9: {  	s15 =	simm.s32 $0x1;
	s16 =	simm.s32 $0x2;
	s17 =	simm.s32 $0x3;
	v2 =	vunpack.c.l.s4.s8 v2;
	v3 =	vunpack.c.l.s4.s8 v3;
	v4 =	vunpack.c.l.s4.s8 v4  }
0xa: {  	s18 =	simm.s32 $0x8600;
	s19 =	simm.s32 $0x0;
	v5 =	vunpack.c.l.s4.s8 v5;
	v6 =	vunpack.c.l.s4.s8 v6;
	[smem:$0x7FF] =	sst s1;
	v7 =	vunpack.c.l.s4.s8 v7  }
0xb: {  	s2 =	sadd.s32 $0x1313000, s5;
	s4 =	sadd.s32 $0xF42600, s5;
	s9 =	sand.u32 $0x1, s9;
	v0 =	vunpack.c.0.s8.s32 v0;
	v1 =	vunpack.c.0.s8.s32 v1;
	v2 =	vunpack.c.0.s8.s32 v2  }
0xc: {  	s11 =	sshll.u32 s3, $0x7;
	s5 =	sadd.s32 $0x200, s5;
	s10 =	ssub.s32 $0x2, s9;
	v3 =	vunpack.c.0.s8.s32 v3;
	v4 =	vunpack.c.0.s8.s32 v4;
	v5 =	vunpack.c.0.s8.s32 v5  }
0xd: {  	vm13 =	vmmov $0x3fff;
	_ =	strace $0x80000047;
	s9 =	sshll.u32 s9, $0x6;
	s12 =	sshrl.u32 s10, $0x1;
	v0 =	vcombine.low v1, v0;
	v1 =	vunpack.c.0.s8.s32 v6  }
0xe: {  	s9 =	sor.u32 s9, s11;
	s11 =	simm.s32 $0x200;
	s10 =	ssub.s32 s10, s12;
	v2 =	vcombine.low v3, v2;
	v3 =	vcombine.low v5, v4;
	v4 =	vunpack.c.0.s8.s32 v7  }
0xf: {  	vm14 =	vmmov $0x7fff;
	s6 =	sadd.s32 s6, s9;
	s7 =	sadd.s32 s7, s9;
	s8 =	sadd.s32 s8, s9;
	v0 =	vand.u32 $0xF, v0;
	v5 =	vand.u32 $0xF, v1  }
0x10: {  	s12 =	simm.s32 $0x400;
	s9 =	smax.u32 s10, $0x1;
	s10 =	simm.s32 $0x4;
	v1 =	vand.u32 $0xF, v2;
	v2 =	vand.u32 $0xF, v3;
	v3 =	vcombine.low v5, v4  }
.LBB2_1:
0x11: {  	[tilespmem:s1], [sflag:$0x4] =	stream.linear.gather [hbm4b:s6+s1], $0x200, $0x38;
	[tilespmem:$0x8800] =	vst v63  }
0x12: {  	_ =	swait.ge [sflag:s10], $0x200  }
0x13: {  	[sflag:s10] =	ssyncset.done $0x0  }
0x14: {  	[sflag:s10] =	ssyncadd.s32 $0xFFFFFE00  }
0x15: {  	[tilespmem:s11], [sflag:$0x4] =	stream.linear.gather [hbm4b:s7+s1], $0x200, $0x38;
	[tilespmem:$0x8800] =	vst v63  }
0x16: {  	_ =	swait.ge [sflag:s10], $0x200  }
0x17: {  	[sflag:s10] =	ssyncset.done $0x0  }
0x18: {  	[sflag:s10] =	ssyncadd.s32 $0xFFFFFE00  }
0x19: {  	[tilespmem:s12], [sflag:$0x1] =	stream.indirect.gather [hbm4b:s2+s11], $0x20, s1, s11, $0xb8;
	[tilespmem:$0x8800] =	vst v63  }
0x1a: {  	_ = 	snop  }
0x1b: {  	[tilespmem:s13], [sflag:$0x2] =	stream.indirect.gather [hbm4b:s4+s11], $0x20, s11, s11, $0xb8;
	[tilespmem:$0x8800] =	vst v63  }
0x1c: {  	_ = 	snop  }
0x1d: {  	[tilespmem:s14], [sflag:$0x3] =	stream.indirect.gather [hbm4b:s5+s11], $0x1, s11, s11, $0xb8;
	[tilespmem:$0x8800] =	vst v63  }
0x1e: {  	_ =	swait.ge [sflag:s15], $0x4000  }
0x1f: {  	[sflag:s15] =	ssyncset.done $0x0  }
0x20: {  	[sflag:s15] =	ssyncadd.s32 $0xFFFFC000  }
0x21: {  	_ =	swait.ge [sflag:s16], $0x4000  }
0x22: {  	[sflag:s16] =	ssyncset.done $0x0  }
0x23: {  	[sflag:s16] =	ssyncadd.s32 $0xFFFFC000  }
0x24: {  	_ =	swait.ge [sflag:s17], $0x200  }
0x25: {  	s20 =	simm.s32 $0x500;
	[sflag:s17] =	ssyncset.done $0x0  }
0x26: {  	s21 =	simm.s32 $0x4500;
	s22 =	simm.s32 $0x0;
	[sflag:s17] =	ssyncadd.s32 $0xFFFFFE00  }
.LBB2_2:
0x27: {  	v5 =	vld [tilespmem:s21+$0xFFFFFF00]  }
0x28: {  	v6 =	vld [tilespmem:s21+$0xFFFFFF10];
	_ =	sdelay $0x3  }
0x29: {  	v4 =	vand.u32 $0x7FFFFFFF, v5  }
0x2a: {  	v8 =	vld [tilespmem:s21+$0xFFFFFF20];
	v7 =	vand.u32 $0x7FFFFFFF, v6;
	v4 =	vsub.f32 $0.0e+00, v4  }
0x2b: {  	v7 =	vsub.f32 $0.0e+00, v7  }
0x2c: {  	v10 =	vld [tilespmem:s21+$0xFFFFFF30];
	v4 =	vmul.f32 $1.442695020e+00, v4  }
0x2d: {  	v7 =	vmul.f32 $1.442695020e+00, v7  }
0x2e: {  	(erf) = vpow2.f32 v4  }
0x2f: {  	v4 =	vand.u32 $0x7FFFFFFF, v8;
	(erf) = vpow2.f32 v7  }
0x30: {  	v4 =	vsub.f32 $0.0e+00, v4  }
0x31: {  	v24 =	vand.u32 $0x7FFFFFFF, v10  }
0x32: {  	v7 =	vsub.f32 $0.0e+00, v24;
	v4 =	vmul.f32 $1.442695020e+00, v4;
	_ =	sdelay $0x1  }
0x33: {  	(erf) = vpow2.f32 v4;
	v4 =	vmul.f32 $1.442695020e+00, v7;
	_ =	sdelay $0x1  }
0x34: {  	v26 =	vld [tilespmem:s21+$0xFFFFFF40];
	(erf) = vpow2.f32 v4  }
0x35: {  	v25 =	vpop (erf)  }
0x36: {  	v12 =	vpop (erf)  }
0x37: {  	v9 =	vmul.f32 $1.720806020e-02, v25;
	v4 =	vmul.f32 $1.720806020e-02, v12;
	_ =	sdelay $0x1  }
0x38: {  	v17 =	vand.u32 $0x7FFFFFFF, v26;
	v9 =	vsub.f32 $8.172681180e-02, v9;
	v4 =	vsub.f32 $8.172681180e-02, v4  }
0x39: {  	v27 =	vld [tilespmem:s21+$0xFFFFFF50];
	v17 =	vsub.f32 $0.0e+00, v17  }
0x3a: {  	v11 =	vmul.f32 v9, v25;
	v13 =	vpop (erf);
	v4 =	vmul.f32 v4, v12  }
0x3b: {  	v17 =	vmul.f32 $1.442695020e+00, v17;
	v14 =	vmul.f32 $1.720806020e-02, v13  }
0x3c: {  	v11 =	vadd.f32 $-1.887826770e-01, v11;
	v16 =	vpop (erf);
	v4 =	vadd.f32 $-1.887826770e-01, v4  }
0x3d: {  	(erf) = vpow2.f32 v17;
	v14 =	vsub.f32 $8.172681180e-02, v14;
	v18 =	vmul.f32 $1.720806020e-02, v16  }
0x3e: {  	v43 =	vand.u32 $0x7FFFFFFF, v27;
	v15 =	vmul.f32 v11, v25;
	v4 =	vmul.f32 v4, v12  }
0x3f: {  	v17 =	vsub.f32 $0.0e+00, v43;
	v14 =	vmul.f32 v14, v13;
	v18 =	vsub.f32 $8.172681180e-02, v18  }
0x40: {  	v15 =	vadd.f32 $3.145905440e-01, v15;
	v4 =	vadd.f32 $3.145905440e-01, v4  }
0x41: {  	v17 =	vmul.f32 $1.442695020e+00, v17;
	v14 =	vadd.f32 $-1.887826770e-01, v14;
	v18 =	vmul.f32 v18, v16  }
0x42: {  	v15 =	vmul.f32 v15, v25;
	v4 =	vmul.f32 v4, v12  }
0x43: {  	v14 =	vmul.f32 v14, v13;
	v18 =	vadd.f32 $-1.887826770e-01, v18  }
0x44: {  	(erf) = vpow2.f32 v17;
	v15 =	vadd.f32 $-4.969779250e-01, v15;
	v4 =	vadd.f32 $-4.969779250e-01, v4  }
0x45: {  	v14 =	vadd.f32 $3.145905440e-01, v14;
	v18 =	vmul.f32 v18, v16  }
0x46: {  	v5 =	vmax.f32 v5, $0.0e+00;
	v15 =	vmul.f32 v15, v25;
	v4 =	vmul.f32 v4, v12  }
0x47: {  	v6 =	vmax.f32 v6, $0.0e+00;
	v46 =	vpop (erf);
	v14 =	vmul.f32 v14, v13;
	v18 =	vadd.f32 $3.145905440e-01, v18  }
0x48: {  	v47 =	vmul.f32 $1.720806020e-02, v46;
	v15 =	vadd.f32 $9.997924560e-01, v15;
	v44 =	vadd.f32 $9.997924560e-01, v4;
	v4 =	vld [tilespmem:s21+$0xFFFFFF60]  }
0x49: {  	v10 =	vmax.f32 v10, $0.0e+00;
	v14 =	vadd.f32 $-4.969779250e-01, v14;
	v45 =	vmul.f32 v18, v16  }
0x4a: {  	v18 =	vsub.f32 $8.172681180e-02, v47;
	v7 =	vmul.f32 v15, v25;
	v12 =	vmul.f32 v44, v12  }
0x4b: {  	v20 =	vld [tilespmem:s20+$0xFFFFFF00];
	v8 =	vmax.f32 v8, $0.0e+00;
	v14 =	vmul.f32 v14, v13;
	v15 =	vadd.f32 $-4.969779250e-01, v45  }
0x4c: {  	v50 =	vmul.f32 v18, v46;
	v7 =	vadd.f32 $3.507552040e-06, v7;
	v12 =	vadd.f32 $3.507552040e-06, v12  }
0x4d: {  	v53 =	vld [tilespmem:s20+$0xFFFFFF10];
	v51 =	vpop (erf);
	v14 =	vadd.f32 $9.997924560e-01, v14;
	v15 =	vmul.f32 v15, v16;
	v19 =	vand.u32 $0x7FFFFFFF, v4  }
0x4e: {  	v21 =	vmul.f32 $1.720806020e-02, v51;
	v7 =	vadd.f32 v7, v5;
	v5 =	vld [tilespmem:s21+$0xFFFFFF70];
	v19 =	vsub.f32 $0.0e+00, v19  }
0x4f: {  	v48 =	vmul.f32 v14, v13;
	v49 =	vadd.f32 $9.997924560e-01, v15;
	v14 =	vadd.f32 $-1.887826770e-01, v50  }
0x50: {  	v22 =	vld [tilespmem:s20+$0xFFFFFF20];
	v6 =	vadd.f32 v12, v6;
	v7 =	vmul.f32 v7, v20;
	v52 =	vmul.f32 $1.442695020e+00, v19  }
0x51: {  	v12 =	vadd.f32 $3.507552040e-06, v48;
	v13 =	vmul.f32 v49, v16;
	v14 =	vmul.f32 v14, v46  }
0x52: {  	v54 =	vld [tilespmem:s20+$0xFFFFFF30];
	v55 =	vsub.f32 $8.172681180e-02, v21;
	v6 =	vmul.f32 v6, v53;
	(erf) = vpow2.f32 v52  }
0x53: {  	v8 =	vadd.f32 v12, v8;
	v13 =	vadd.f32 $3.507552040e-06, v13;
	v56 =	vand.u32 $0x7FFFFFFF, v5  }
0x54: {  	v12 =	vmul.f32 v55, v51;
	v57 =	vadd.f32 $3.145905440e-01, v14;
	v6 =	vadd.f32 v6, v7  }
0x55: {  	v18 =	vsub.f32 $0.0e+00, v56;
	v10 =	vadd.f32 v13, v10;
	v8 =	vmul.f32 v8, v22  }
0x56: {  	v12 =	vadd.f32 $-1.887826770e-01, v12;
	v60 =	vmul.f32 v57, v46;
	v61 =	vperm.xlane v6, v0  }
0x57: {  	v58 =	vmul.f32 $1.442695020e+00, v18;
	v59 =	vmul.f32 v10, v54;
	v10 =	vld [tilespmem:s21+$0xFFFFFF80]  }
0x58: {  	v12 =	vmul.f32 v12, v51;
	v62 =	vadd.f32 $-4.969779250e-01, v60;
	v13 =	vadd.f32 v6, v61;
	v6 =	vld [tilespmem:s21+$0xFFFFFF90]  }
0x59: {  	v9 =	vmax.f32 v26, $0.0e+00;
	v11 =	vmax.f32 v27, $0.0e+00;
	(erf) = vpow2.f32 v58  }
0x5a: {  	v7 =	vadd.f32 v59, v8;
	v12 =	vadd.f32 $3.145905440e-01, v12;
	v8 =	vmul.f32 v62, v46  }
0x5b: {  	v4 =	vmax.f32 v4, $0.0e+00;
	v5 =	vmax.f32 v5, $0.0e+00;
	v30 =	vperm.xlane v13, v1  }
0x5c: {  	v28 =	vperm.xlane v7, v0;
	v12 =	vmul.f32 v12, v51;
	v8 =	vadd.f32 $9.997924560e-01, v8  }
0x5d: {  	v13 =	vadd.f32 v13, v30;
	v63 =	vpop (erf);
	v33 =	vand.u32 $0x7FFFFFFF, v10;
	v35 =	vand.u32 $0x7FFFFFFF, v6  }
0x5e: {  	v29 =	vmul.f32 $1.720806020e-02, v63;
	v7 =	vadd.f32 v7, v28;
	v12 =	vadd.f32 $-4.969779250e-01, v12  }
0x5f: {  	v8 =	vmul.f32 v8, v46;
	v17 =	vsub.f32 $0.0e+00, v33;
	v20 =	vsub.f32 $0.0e+00, v35  }
0x60: {  	v42 =	vperm.xlane v13, v2;
	v31 =	vsub.f32 $8.172681180e-02, v29;
	v12 =	vmul.f32 v12, v51  }
0x61: {  	v32 =	vperm.xlane v7, v1;
	v36 =	vadd.f32 $3.507552040e-06, v8;
	v17 =	vmul.f32 $1.442695020e+00, v17  }
0x62: {  	v8 =	vld [tilespmem:s21+$0xFFFFFFA0];
	v13 =	vadd.f32 v13, v42;
	v16 =	vmul.f32 v31, v63;
	v34 =	vpop (erf);
	v12 =	vadd.f32 $9.997924560e-01, v12  }
0x63: {  	v18 =	vadd.f32 v7, v32;
	(erf) = vpow2.f32 v17;
	v7 =	vld [tilespmem:s21+$0xFFFFFFB0];
	v37 =	vmul.f32 $1.720806020e-02, v34  }
0x64: {  	v10 =	vmax.f32 v10, $0.0e+00;
	v20 =	vmul.f32 $1.442695020e+00, v20;
	v16 =	vadd.f32 $-1.887826770e-01, v16  }
0x65: {  	v54 =	vperm.xlane v13, v3;
	v12 =	vmul.f32 v12, v51;
	v38 =	vsub.f32 $8.172681180e-02, v37  }
0x66: {  	v6 =	vmax.f32 v6, $0.0e+00;
	(erf) = vpow2.f32 v20;
	v16 =	vmul.f32 v16, v63  }
0x67: {  	v40 =	vld [tilespmem:s20+$0xFFFFFF40];
	v23 =	vand.u32 $0x7FFFFFFF, v8;
	v12 =	vadd.f32 $3.507552040e-06, v12;
	v41 =	vmul.f32 v38, v34  }
0x68: {  	v23 =	vsub.f32 $0.0e+00, v23;
	v24 =	vand.u32 $0x7FFFFFFF, v7;
	v39 =	vadd.f32 $3.145905440e-01, v16  }
0x69: {  	v43 =	vperm.xlane v18, v2;
	v45 =	vsub.f32 $0.0e+00, v24;
	v17 =	vadd.f32 $-1.887826770e-01, v41  }
0x6a: {  	v44 =	vld [tilespmem:s20+$0xFFFFFF50];
	v9 =	vadd.f32 v36, v9;
	v47 =	vmul.f32 $1.442695020e+00, v23;
	v15 =	vmul.f32 v39, v63  }
0x6b: {  	v11 =	vadd.f32 v12, v11;
	v12 =	vmul.f32 $1.442695020e+00, v45;
	v17 =	vmul.f32 v17, v34  }
0x6c: {  	v9 =	vmul.f32 v9, v40;
	(erf) = vpow2.f32 v47;
	v48 =	vpop (erf);
	v15 =	vadd.f32 $-4.969779250e-01, v15  }
0x6d: {  	v50 =	vmul.f32 $1.720806020e-02, v48;
	(erf) = vpow2.f32 v12;
	v46 =	vadd.f32 $3.145905440e-01, v17  }
0x6e: {  	v13 =	vadd.f32 v13, v54;
	v49 =	vadd.f32 v18, v43;
	v15 =	vmul.f32 v15, v63  }
0x6f: {  	v11 =	vmul.f32 v11, v44;
	v51 =	vpop (erf);
	v18 =	vsub.f32 $8.172681180e-02, v50;
	v16 =	vmul.f32 v46, v34  }
0x70: {  	v8 =	vmax.f32 v8, $0.0e+00;
	v53 =	vmul.f32 $1.720806020e-02, v51;
	v15 =	vadd.f32 $9.997924560e-01, v15  }
0x71: {  	v9 =	vadd.f32 v11, v9;
	v18 =	vmul.f32 v18, v48;
	v16 =	vadd.f32 $-4.969779250e-01, v16  }
0x72: {  	v7 =	vmax.f32 v7, $0.0e+00;
	v12 =	vsub.f32 $8.172681180e-02, v53;
	v52 =	vmul.f32 v15, v63  }
0x73: {  	v55 =	vld [tilespmem:s20+$0xFFFFFF60];
	v56 =	vperm.xlane v9, v0;
	v18 =	vadd.f32 $-1.887826770e-01, v18;
	v16 =	vmul.f32 v16, v34  }
0x74: {  	v58 =	vperm.xlane v49, v3;
	v57 =	vmul.f32 v12, v51;
	v11 =	vadd.f32 $3.507552040e-06, v52  }
0x75: {  	v9 =	vadd.f32 v9, v56;
	v61 =	vpop (erf);
	v60 =	vmul.f32 v18, v48;
	v16 =	vadd.f32 $9.997924560e-01, v16  }
0x76: {  	v63 =	vmul.f32 $1.720806020e-02, v61;
	v28 =	vpop (erf);
	v4 =	vadd.f32 v11, v4;
	v11 =	vadd.f32 $-1.887826770e-01, v57  }
0x77: {  	v12 =	vadd.f32 v49, v58;
	v29 =	vmul.f32 $1.720806020e-02, v28;
	v59 =	vmul.f32 v16, v34  }
0x78: {  	v16 =	vadd.f32 $3.145905440e-01, v60;
	v15 =	vmul.f32 v4, v55;
	v4 =	vld [tilespmem:s21+$0xFFFFFFC0];
	v11 =	vmul.f32 v11, v51  }
0x79: {  	v22 =	vperm.xlane v9, v1;
	v19 =	vsub.f32 $8.172681180e-02, v63;
	v31 =	vsub.f32 $8.172681180e-02, v29  }
0x7a: {  	v14 =	vadd.f32 $3.507552040e-06, v59;
	v30 =	vmul.f32 v16, v48;
	v11 =	vadd.f32 $3.145905440e-01, v11  }
0x7b: {  	v12 =	vsel vm0, v13, v12;
	v19 =	vmul.f32 v19, v61;
	v16 =	vmul.f32 v31, v28  }
0x7c: {  	v62 =	vld [tilespmem:s20+$0xFFFFFF70];
	v5 =	vadd.f32 v14, v5;
	v14 =	vadd.f32 $-4.969779250e-01, v30;
	v11 =	vmul.f32 v11, v51  }
0x7d: {  	v33 =	vadd.f32 $-1.887826770e-01, v19;
	v16 =	vadd.f32 $-1.887826770e-01, v16;
	v32 =	vand.u32 $0x7FFFFFFF, v4  }
0x7e: {  	v14 =	vmul.f32 v14, v48;
	v24 =	vsub.f32 $0.0e+00, v32;
	v11 =	vadd.f32 $-4.969779250e-01, v11  }
0x7f: {  	v22 =	vadd.f32 v9, v22;
	v36 =	vmul.f32 v33, v61;
	v16 =	vmul.f32 v16, v28  }
0x80: {  	v9 =	vld [tilespmem:s21+$0xFFFFFFD0];
	v14 =	vadd.f32 $9.997924560e-01, v14;
	v34 =	vmul.f32 $1.442695020e+00, v24;
	v35 =	vmul.f32 v11, v51  }
0x81: {  	v5 =	vmul.f32 v5, v62;
	v11 =	vadd.f32 $3.145905440e-01, v36;
	v39 =	vadd.f32 $3.145905440e-01, v16  }
0x82: {  	v14 =	vmul.f32 v14, v48;
	(erf) = vpow2.f32 v34;
	v38 =	vadd.f32 $9.997924560e-01, v35  }
0x83: {  	v5 =	vadd.f32 v5, v15;
	v11 =	vmul.f32 v11, v61;
	v15 =	vmul.f32 v39, v28  }
0x84: {  	v40 =	vld [tilespmem:s20+$0xFFFFFF80];
	v37 =	vperm.xlane v22, v2;
	v14 =	vadd.f32 $3.507552040e-06, v14;
	v41 =	vmul.f32 v38, v51  }
0x85: {  	v43 =	vld [tilespmem:s20+$0xFFFFFF90];
	v45 =	vand.u32 $0x7FFFFFFF, v9;
	v11 =	vadd.f32 $-4.969779250e-01, v11;
	v44 =	vadd.f32 $-4.969779250e-01, v15  }
0x86: {  	v42 =	vperm.xlane v5, v0;
	v15 =	vsub.f32 $0.0e+00, v45;
	v16 =	vadd.f32 $3.507552040e-06, v41  }
0x87: {  	v10 =	vadd.f32 v14, v10;
	v11 =	vmul.f32 v11, v61;
	v14 =	vmul.f32 v44, v28  }
0x88: {  	v46 =	vadd.f32 v5, v42;
	v5 =	vld [tilespmem:s21+$0xFFFFFFE0];
	v15 =	vmul.f32 $1.442695020e+00, v15;
	v6 =	vadd.f32 v16, v6  }
0x89: {  	v10 =	vmul.f32 v10, v40;
	v11 =	vadd.f32 $9.997924560e-01, v11;
	v14 =	vadd.f32 $9.997924560e-01, v14  }
0x8a: {  	v60 =	vadd.f32 v22, v37;
	(erf) = vpow2.f32 v15;
	v6 =	vmul.f32 v6, v43  }
0x8b: {  	v50 =	vld [tilespmem:s20+$0xFFFFFFA0];
	v9 =	vmax.f32 v9, $0.0e+00;
	v11 =	vmul.f32 v11, v61;
	v14 =	vmul.f32 v14, v28;
	v47 =	vpop (erf)  }
0x8c: {  	v52 =	vld [tilespmem:s20+$0xFFFFFFB0];
	v24 =	vperm.xlane v60, v3;
	v48 =	vmul.f32 $1.720806020e-02, v47;
	v10 =	vadd.f32 v6, v10  }
0x8d: {  	v53 =	vand.u32 $0x7FFFFFFF, v5;
	v11 =	vadd.f32 $3.507552040e-06, v11;
	v14 =	vadd.f32 $3.507552040e-06, v14  }
0x8e: {  	v49 =	vperm.xlane v46, v1;
	v54 =	vsub.f32 $0.0e+00, v53;
	v6 =	vld [tilespmem:s21+$0xFFFFFFF0];
	v19 =	vsub.f32 $8.172681180e-02, v48  }
0x8f: {  	v51 =	vperm.xlane v10, v0;
	v8 =	vadd.f32 v11, v8;
	v7 =	vadd.f32 v14, v7  }
0x90: {  	v58 =	vadd.f32 v46, v49;
	v11 =	vmul.f32 $1.442695020e+00, v54;
	v19 =	vmul.f32 v19, v47  }
0x91: {  	v4 =	vmax.f32 v4, $0.0e+00;
	v8 =	vmul.f32 v8, v50;
	v7 =	vmul.f32 v7, v52  }
0x92: {  	v62 =	vperm.xlane v58, v2;
	v10 =	vadd.f32 v10, v51;
	(erf) = vpow2.f32 v11  }
0x93: {  	v56 =	vand.u32 $0x7FFFFFFF, v6;
	v63 =	vpop (erf);
	v55 =	vadd.f32 $-1.887826770e-01, v19;
	v7 =	vadd.f32 v7, v8  }
0x94: {  	v57 =	vsub.f32 $0.0e+00, v56;
	v61 =	vperm.xlane v10, v1;
	v23 =	vmul.f32 $1.720806020e-02, v63  }
0x95: {  	v8 =	vadd.f32 v58, v62;
	v14 =	vmul.f32 v55, v47;
	v22 =	vperm.xlane v7, v0  }
0x96: {  	v59 =	vmul.f32 $1.442695020e+00, v57;
	v10 =	vadd.f32 v10, v61;
	v17 =	vsub.f32 $8.172681180e-02, v23  }
0x97: {  	v26 =	vperm.xlane v8, v3;
	v14 =	vadd.f32 $3.145905440e-01, v14;
	v11 =	vadd.f32 v7, v22;
	v7 =	vld [tilespmem:s21+$0x0]  }
0x98: {  	v16 =	vadd.f32 v60, v24;
	(erf) = vpow2.f32 v59;
	v17 =	vmul.f32 v17, v63  }
0x99: {  	v25 =	vperm.xlane v10, v2;
	v28 =	vadd.f32 v8, v26;
	v8 =	vld [tilespmem:s21+$0x10];
	v14 =	vmul.f32 v14, v47  }
0x9a: {  	v5 =	vmax.f32 v5, $0.0e+00;
	v12 =	vsel vm1, v12, v16;
	v31 =	vadd.f32 $-1.887826770e-01, v17  }
0x9b: {  	v15 =	vadd.f32 v10, v25;
	v27 =	vperm.xlane v11, v1;
	v32 =	vpop (erf);
	v14 =	vadd.f32 $-4.969779250e-01, v14  }
0x9c: {  	v34 =	vmul.f32 $1.720806020e-02, v32;
	v10 =	vmul.f32 v31, v63;
	v35 =	vand.u32 $0x7FFFFFFF, v7  }
0x9d: {  	v29 =	vperm.xlane v15, v3;
	v14 =	vmul.f32 v14, v47;
	v21 =	vsub.f32 $0.0e+00, v35  }
0x9e: {  	v40 =	vand.u32 $0x7FFFFFFF, v8;
	v38 =	vsub.f32 $8.172681180e-02, v34;
	v10 =	vadd.f32 $3.145905440e-01, v10  }
0x9f: {  	v24 =	vsub.f32 $0.0e+00, v40;
	v33 =	vadd.f32 $9.997924560e-01, v14;
	v21 =	vmul.f32 $1.442695020e+00, v21  }
0xa0: {  	v6 =	vmax.f32 v6, $0.0e+00;
	v13 =	vmul.f32 v38, v32;
	v10 =	vmul.f32 v10, v63  }
0xa1: {  	v30 =	vadd.f32 v11, v27;
	v42 =	vmul.f32 $1.442695020e+00, v24;
	v37 =	vpop (erf);
	v11 =	vmul.f32 v33, v47  }
0xa2: {  	v12 =	vsel vm2, v12, v28;
	v39 =	vmul.f32 $1.720806020e-02, v37;
	(erf) = vpow2.f32 v21  }
0xa3: {  	v36 =	vperm.xlane v30, v2;
	v13 =	vadd.f32 $-1.887826770e-01, v13;
	v25 =	vadd.f32 $-4.969779250e-01, v10;
	v10 =	vld [tilespmem:s21+$0x30]  }
0xa4: {  	(erf) = vpow2.f32 v42;
	v14 =	vsub.f32 $8.172681180e-02, v39;
	v43 =	vadd.f32 $3.507552040e-06, v11;
	v11 =	vld [tilespmem:s21+$0x20]  }
0xa5: {  	v20 =	vadd.f32 v30, v36;
	v13 =	vmul.f32 v13, v32;
	v44 =	vmul.f32 v25, v63  }
0xa6: {  	v41 =	vld [tilespmem:s20+$0xFFFFFFC0];
	v7 =	vmax.f32 v7, $0.0e+00;
	v8 =	vmax.f32 v8, $0.0e+00;
	v14 =	vmul.f32 v14, v37  }
0xa7: {  	v45 =	vperm.xlane v20, v3;
	v13 =	vadd.f32 $3.145905440e-01, v13;
	v46 =	vadd.f32 $9.997924560e-01, v44  }
0xa8: {  	v4 =	vadd.f32 v43, v4;
	v49 =	vand.u32 $0x7FFFFFFF, v10;
	v14 =	vadd.f32 $-1.887826770e-01, v14  }
0xa9: {  	v13 =	vmul.f32 v13, v32;
	v16 =	vmul.f32 v46, v63;
	v47 =	vand.u32 $0x7FFFFFFF, v11  }
0xaa: {  	v50 =	vld [tilespmem:s20+$0xFFFFFFD0];
	v21 =	vsub.f32 $0.0e+00, v49;
	v14 =	vmul.f32 v14, v37;
	v48 =	vsub.f32 $0.0e+00, v47  }
0xab: {  	v4 =	vmul.f32 v4, v41;
	v13 =	vadd.f32 $-4.969779250e-01, v13;
	v16 =	vadd.f32 $3.507552040e-06, v16;
	v51 =	vpop (erf)  }
0xac: {  	v21 =	vmul.f32 $1.442695020e+00, v21;
	v14 =	vadd.f32 $3.145905440e-01, v14;
	v52 =	vmul.f32 $1.720806020e-02, v51  }
0xad: {  	v18 =	vmul.f32 $1.442695020e+00, v48;
	v13 =	vmul.f32 v13, v32;
	v26 =	vpop (erf);
	v9 =	vadd.f32 v16, v9  }
0xae: {  	v53 =	vmul.f32 $1.720806020e-02, v26;
	v14 =	vmul.f32 v14, v37;
	v25 =	vsub.f32 $8.172681180e-02, v52  }
0xaf: {  	(erf) = vpow2.f32 v18;
	v9 =	vmul.f32 v9, v50;
	v13 =	vadd.f32 $9.997924560e-01, v13  }
0xb0: {  	(erf) = vpow2.f32 v21;
	v16 =	vsub.f32 $8.172681180e-02, v53;
	v14 =	vadd.f32 $-4.969779250e-01, v14  }
0xb1: {  	v55 =	vmul.f32 v25, v51;
	v4 =	vadd.f32 v9, v4;
	v57 =	vmul.f32 v13, v32  }
0xb2: {  	v15 =	vadd.f32 v15, v29;
	v58 =	vmul.f32 v16, v26;
	v14 =	vmul.f32 v14, v37  }
0xb3: {  	v59 =	vld [tilespmem:s20+$0xFFFFFFE0];
	v56 =	vadd.f32 $-1.887826770e-01, v55;
	v60 =	vperm.xlane v4, v0;
	v9 =	vadd.f32 $3.507552040e-06, v57  }
0xb4: {  	v12 =	vsel vm3, v12, v15;
	v13 =	vadd.f32 $-1.887826770e-01, v58;
	v14 =	vadd.f32 $9.997924560e-01, v14  }
0xb5: {  	v54 =	vadd.f32 v20, v45;
	v15 =	vmul.f32 v56, v51;
	v4 =	vadd.f32 v4, v60  }
0xb6: {  	v5 =	vadd.f32 v9, v5;
	v62 =	vmul.f32 v13, v26;
	v14 =	vmul.f32 v14, v37  }
0xb7: {  	v61 =	vld [tilespmem:s20+$0xFFFFFFF0];
	v12 =	vsel vm4, v12, v54;
	v15 =	vadd.f32 $3.145905440e-01, v15;
	v17 =	vperm.xlane v4, v1  }
0xb8: {  	v5 =	vmul.f32 v5, v59;
	v63 =	vpop (erf);
	v9 =	vadd.f32 $3.145905440e-01, v62;
	v14 =	vadd.f32 $3.507552040e-06, v14  }
0xb9: {  	v22 =	vmul.f32 v15, v51;
	v23 =	vmul.f32 $1.720806020e-02, v63;
	v25 =	vpop (erf);
	v17 =	vadd.f32 v4, v17  }
0xba: {  	v27 =	vmul.f32 $1.720806020e-02, v25;
	v9 =	vmul.f32 v9, v26;
	v6 =	vadd.f32 v14, v6  }
0xbb: {  	v14 =	vadd.f32 $-4.969779250e-01, v22;
	v15 =	vsub.f32 $8.172681180e-02, v23;
	v31 =	vperm.xlane v17, v2  }
0xbc: {  	v16 =	vsub.f32 $8.172681180e-02, v27;
	v9 =	vadd.f32 $-4.969779250e-01, v9;
	v6 =	vmul.f32 v6, v61  }
0xbd: {  	v14 =	vmul.f32 v14, v51;
	v15 =	vmul.f32 v15, v63;
	v42 =	vadd.f32 v17, v31  }
0xbe: {  	v16 =	vmul.f32 v16, v25;
	v4 =	vmul.f32 v9, v26;
	v9 =	vld [tilespmem:s21+$0x50];
	v6 =	vadd.f32 v6, v5  }
0xbf: {  	v5 =	vld [tilespmem:s21+$0x40];
	v14 =	vadd.f32 $9.997924560e-01, v14;
	v15 =	vadd.f32 $-1.887826770e-01, v15;
	v44 =	vperm.xlane v42, v3  }
0xc0: {  	v29 =	vadd.f32 $-1.887826770e-01, v16;
	v4 =	vadd.f32 $9.997924560e-01, v4;
	v28 =	vperm.xlane v6, v0  }
0xc1: {  	v10 =	vmax.f32 v10, $0.0e+00;
	v14 =	vmul.f32 v14, v51;
	v15 =	vmul.f32 v15, v63  }
0xc2: {  	v34 =	vld [tilespmem:s20+$0x10];
	v16 =	vmul.f32 v29, v25;
	v4 =	vmul.f32 v4, v26;
	v6 =	vadd.f32 v6, v28  }
0xc3: {  	v32 =	vld [tilespmem:s20+$0x0];
	v15 =	vadd.f32 $3.145905440e-01, v15;
	v14 =	vadd.f32 $3.507552040e-06, v14;
	v36 =	vand.u32 $0x7FFFFFFF, v9  }
0xc4: {  	v30 =	vand.u32 $0x7FFFFFFF, v5;
	v16 =	vadd.f32 $3.145905440e-01, v16;
	v4 =	vadd.f32 $3.507552040e-06, v4  }
0xc5: {  	v18 =	vsub.f32 $0.0e+00, v30;
	v15 =	vmul.f32 v15, v63;
	v33 =	vperm.xlane v6, v1  }
0xc6: {  	v7 =	vadd.f32 v14, v7;
	v35 =	vmul.f32 v16, v25;
	v8 =	vadd.f32 v4, v8  }
0xc7: {  	v16 =	vsub.f32 $0.0e+00, v36;
	v18 =	vmul.f32 $1.442695020e+00, v18;
	v15 =	vadd.f32 $-4.969779250e-01, v15  }
0xc8: {  	v38 =	vmul.f32 v7, v32;
	v14 =	vadd.f32 $-4.969779250e-01, v35;
	v8 =	vmul.f32 v8, v34  }
0xc9: {  	v4 =	vld [tilespmem:s21+$0x60];
	v37 =	vadd.f32 v6, v33;
	v41 =	vmul.f32 $1.442695020e+00, v16;
	(erf) = vpow2.f32 v18  }
0xca: {  	v11 =	vmax.f32 v11, $0.0e+00;
	v6 =	vld [tilespmem:s21+$0x70];
	v15 =	vmul.f32 v15, v63;
	v39 =	vmul.f32 v14, v25  }
0xcb: {  	v56 =	vadd.f32 v42, v44;
	v43 =	vperm.xlane v37, v2;
	(erf) = vpow2.f32 v41  }
0xcc: {  	v9 =	vmax.f32 v9, $0.0e+00;
	v8 =	vadd.f32 v8, v38;
	v7 =	vadd.f32 $9.997924560e-01, v39  }
0xcd: {  	v5 =	vmax.f32 v5, $0.0e+00;
	v40 =	vadd.f32 $9.997924560e-01, v15;
	v45 =	vadd.f32 v37, v43  }
0xce: {  	v49 =	vand.u32 $0x7FFFFFFF, v4;
	v4 =	vmax.f32 v4, $0.0e+00;
	v7 =	vmul.f32 v7, v25  }
0xcf: {  	v48 =	vld [tilespmem:s20+$0x30];
	v47 =	vperm.xlane v8, v0;
	v20 =	vsub.f32 $0.0e+00, v49;
	v53 =	vand.u32 $0x7FFFFFFF, v6  }
0xd0: {  	v6 =	vmax.f32 v6, $0.0e+00;
	v13 =	vmul.f32 v40, v63;
	v7 =	vadd.f32 $3.507552040e-06, v7  }
0xd1: {  	v46 =	vld [tilespmem:s20+$0x20];
	v54 =	vsub.f32 $0.0e+00, v53;
	v58 =	vperm.xlane v45, v3;
	v18 =	vadd.f32 v8, v47  }
0xd2: {  	v52 =	vmul.f32 $1.442695020e+00, v20;
	v13 =	vadd.f32 $3.507552040e-06, v13;
	v50 =	vpop (erf);
	v7 =	vadd.f32 v7, v10  }
0xd3: {  	v8 =	vld [tilespmem:s21+$0x90];
	v57 =	vmul.f32 $1.442695020e+00, v54;
	v62 =	vadd.f32 v45, v58;
	v51 =	vmul.f32 $1.720806020e-02, v50  }
0xd4: {  	v59 =	vperm.xlane v18, v1;
	v11 =	vadd.f32 v13, v11;
	v60 =	vpop (erf);
	v55 =	vmul.f32 v7, v48;
	v7 =	vld [tilespmem:s21+$0x80]  }
0xd5: {  	(erf) = vpow2.f32 v52;
	v61 =	vmul.f32 $1.720806020e-02, v60;
	v13 =	vsub.f32 $8.172681180e-02, v51  }
0xd6: {  	(erf) = vpow2.f32 v57;
	v63 =	vadd.f32 v18, v59;
	v11 =	vmul.f32 v11, v46  }
0xd7: {  	v10 =	vsel vm5, v12, v56;
	v25 =	vsub.f32 $8.172681180e-02, v61;
	v13 =	vmul.f32 v13, v50  }
0xd8: {  	v30 =	vand.u32 $0x7FFFFFFF, v8;
	v23 =	vsel vm6, v10, v62;
	v11 =	vadd.f32 v55, v11  }
0xd9: {  	v17 =	vmul.f32 v25, v60;
	v13 =	vadd.f32 $-1.887826770e-01, v13;
	v26 =	vand.u32 $0x7FFFFFFF, v7  }
0xda: {  	v8 =	vmax.f32 v8, $0.0e+00;
	v24 =	vperm.xlane v11, v0;
	v27 =	vsub.f32 $0.0e+00, v26  }
0xdb: {  	v20 =	vsub.f32 $0.0e+00, v30;
	v17 =	vadd.f32 $-1.887826770e-01, v17;
	v13 =	vmul.f32 v13, v50  }
0xdc: {  	v28 =	vperm.xlane v63, v2;
	v11 =	vadd.f32 v11, v24;
	v12 =	vmul.f32 $1.442695020e+00, v27  }
0xdd: {  	v35 =	vmul.f32 $1.442695020e+00, v20;
	v34 =	vmul.f32 v17, v60;
	v13 =	vadd.f32 $3.145905440e-01, v13  }
0xde: {  	v40 =	vadd.f32 v63, v28;
	v31 =	vpop (erf);
	v29 =	vperm.xlane v11, v1;
	(erf) = vpow2.f32 v12  }
0xdf: {  	v33 =	vmul.f32 $1.720806020e-02, v31;
	v38 =	vpop (erf);
	v10 =	vadd.f32 $3.145905440e-01, v34;
	v13 =	vmul.f32 v13, v50  }
0xe0: {  	v39 =	vmul.f32 $1.720806020e-02, v38;
	v11 =	vadd.f32 v11, v29;
	(erf) = vpow2.f32 v35  }
0xe1: {  	v37 =	vsub.f32 $8.172681180e-02, v33;
	v10 =	vmul.f32 v10, v60;
	v13 =	vadd.f32 $-4.969779250e-01, v13  }
0xe2: {  	v16 =	vperm.xlane v40, v3;
	v42 =	vsub.f32 $8.172681180e-02, v39;
	v36 =	vperm.xlane v11, v2  }
0xe3: {  	v41 =	vmul.f32 v37, v31;
	v10 =	vadd.f32 $-4.969779250e-01, v10;
	v13 =	vmul.f32 v13, v50  }
0xe4: {  	v7 =	vmax.f32 v7, $0.0e+00;
	v14 =	vmul.f32 v42, v38;
	v11 =	vadd.f32 v11, v36  }
0xe5: {  	v15 =	vadd.f32 $-1.887826770e-01, v41;
	v10 =	vmul.f32 v10, v60;
	v13 =	vadd.f32 $9.997924560e-01, v13  }
0xe6: {  	v16 =	vadd.f32 v40, v16;
	v14 =	vadd.f32 $-1.887826770e-01, v14;
	v43 =	vperm.xlane v11, v3  }
0xe7: {  	v47 =	vld [tilespmem:s20+$0x40];
	v45 =	vmul.f32 v15, v31;
	v10 =	vadd.f32 $9.997924560e-01, v10;
	v44 =	vmul.f32 v13, v50;
	v48 =	vpop (erf)  }
0xe8: {  	v46 =	vadd.f32 v11, v43;
	v50 =	vmul.f32 v14, v38;
	v14 =	vld [tilespmem:s21+$0xA0];
	v49 =	vmul.f32 $1.720806020e-02, v48  }
0xe9: {  	v58 =	vld [tilespmem:s20+$0x50];
	v13 =	vadd.f32 $3.145905440e-01, v45;
	v53 =	vpop (erf);
	v10 =	vmul.f32 v10, v60;
	v12 =	vadd.f32 $3.507552040e-06, v44  }
0xea: {  	v54 =	vadd.f32 $3.145905440e-01, v50;
	v55 =	vmul.f32 $1.720806020e-02, v53;
	v52 =	vsub.f32 $8.172681180e-02, v49  }
0xeb: {  	v51 =	vmul.f32 v13, v31;
	v13 =	vld [tilespmem:s21+$0xB0];
	v10 =	vadd.f32 $3.507552040e-06, v10;
	v5 =	vadd.f32 v12, v5  }
0xec: {  	v59 =	vmul.f32 v54, v38;
	v60 =	vsub.f32 $8.172681180e-02, v55;
	v57 =	vmul.f32 v52, v48  }
0xed: {  	v62 =	vand.u32 $0x7FFFFFFF, v14;
	v10 =	vadd.f32 v10, v9;
	v14 =	vmax.f32 v14, $0.0e+00  }
0xee: {  	v56 =	vmul.f32 v5, v47;
	v5 =	vadd.f32 $-4.969779250e-01, v51;
	v61 =	vadd.f32 $-4.969779250e-01, v59  }
0xef: {  	v9 =	vld [tilespmem:s21+$0xC0];
	v19 =	vmul.f32 v60, v53;
	v25 =	vsub.f32 $0.0e+00, v62;
	v11 =	vadd.f32 $-1.887826770e-01, v57  }
0xf0: {  	v63 =	vmul.f32 v10, v58;
	v34 =	vand.u32 $0x7FFFFFFF, v13;
	v5 =	vmul.f32 v5, v31  }
0xf1: {  	v10 =	vld [tilespmem:s21+$0xD0];
	v19 =	vadd.f32 $-1.887826770e-01, v19;
	v25 =	vmul.f32 $1.442695020e+00, v25;
	v11 =	vmul.f32 v11, v48  }
0xf2: {  	v13 =	vmax.f32 v13, $0.0e+00;
	v21 =	vmul.f32 v61, v38;
	v5 =	vadd.f32 $9.997924560e-01, v5  }
0xf3: {  	v19 =	vmul.f32 v19, v53;
	(erf) = vpow2.f32 v25;
	v32 =	vadd.f32 $3.145905440e-01, v11;
	v11 =	vld [tilespmem:s21+$0xE0]  }
0xf4: {  	v12 =	vld [tilespmem:s21+$0xF0];
	v25 =	vsub.f32 $0.0e+00, v34;
	v27 =	vand.u32 $0x7FFFFFFF, v9;
	v9 =	vmax.f32 v9, $0.0e+00  }
0xf5: {  	v35 =	vsub.f32 $0.0e+00, v27;
	v22 =	vmul.f32 v5, v31;
	v5 =	vadd.f32 $9.997924560e-01, v21  }
0xf6: {  	v19 =	vadd.f32 $3.145905440e-01, v19;
	v25 =	vmul.f32 $1.442695020e+00, v25;
	v36 =	vand.u32 $0x7FFFFFFF, v10  }
0xf7: {  	v10 =	vmax.f32 v10, $0.0e+00;
	v33 =	vmul.f32 v32, v48;
	v21 =	vmul.f32 $1.442695020e+00, v35  }
0xf8: {  	v27 =	vsub.f32 $0.0e+00, v36;
	v18 =	vmul.f32 v5, v38;
	v28 =	vand.u32 $0x7FFFFFFF, v11  }
0xf9: {  	v19 =	vmul.f32 v19, v53;
	v38 =	vand.u32 $0x7FFFFFFF, v12;
	v37 =	vsub.f32 $0.0e+00, v28  }
0xfa: {  	(erf) = vpow2.f32 v25;
	v39 =	vmul.f32 $1.442695020e+00, v27;
	v40 =	vsub.f32 $0.0e+00, v38  }
0xfb: {  	v22 =	vadd.f32 $3.507552040e-06, v22;
	(erf) = vpow2.f32 v21;
	v25 =	vmul.f32 $1.442695020e+00, v37  }
0xfc: {  	v43 =	vld [tilespmem:s20+$0x60];
	v5 =	vadd.f32 $-4.969779250e-01, v33;
	(erf) = vpow2.f32 v39;
	v42 =	vmul.f32 $1.442695020e+00, v40  }
0xfd: {  	v45 =	vld [tilespmem:s20+$0x70];
	v19 =	vadd.f32 $-4.969779250e-01, v19;
	v18 =	vadd.f32 $3.507552040e-06, v18;
	(erf) = vpow2.f32 v25  }
0xfe: {  	v41 =	vmul.f32 v5, v48;
	v5 =	vsel vm7, v23, v16;
	v44 =	vpop (erf);
	(erf) = vpow2.f32 v42  }
0xff: {  	v4 =	vadd.f32 v22, v4;
	v5 =	vsel vm8, v5, v46;
	v19 =	vmul.f32 v19, v53  }
0x100: {  	v6 =	vadd.f32 v18, v6;
	v47 =	vadd.f32 $9.997924560e-01, v41;
	v46 =	vmul.f32 $1.720806020e-02, v44  }
0x101: {  	v12 =	vmax.f32 v12, $0.0e+00;
	v4 =	vmul.f32 v4, v43;
	v19 =	vadd.f32 $9.997924560e-01, v19  }
0x102: {  	v6 =	vmul.f32 v6, v45;
	v17 =	vmul.f32 v47, v48;
	v16 =	vsub.f32 $8.172681180e-02, v46  }
0x103: {  	v11 =	vmax.f32 v11, $0.0e+00;
	v48 =	vadd.f32 v63, v56;
	v19 =	vmul.f32 v19, v53;
	v51 =	vpop (erf)  }
0x104: {  	v4 =	vadd.f32 v6, v4;
	v17 =	vadd.f32 $3.507552040e-06, v17;
	v16 =	vmul.f32 v16, v44;
	v53 =	vpop (erf)  }
0x105: {  	v40 =	vperm.xlane v48, v0;
	v19 =	vadd.f32 $3.507552040e-06, v19;
	v52 =	vmul.f32 $1.720806020e-02, v51;
	v56 =	vpop (erf)  }
0x106: {  	v7 =	vadd.f32 v17, v7;
	v57 =	vmul.f32 $1.720806020e-02, v53;
	v16 =	vadd.f32 $-1.887826770e-01, v16;
	v58 =	vpop (erf)  }
0x107: {  	v54 =	vadd.f32 v19, v8;
	v17 =	vsub.f32 $8.172681180e-02, v52;
	v59 =	vmul.f32 $1.720806020e-02, v56;
	v61 =	vpop (erf)  }
0x108: {  	v19 =	vsub.f32 $8.172681180e-02, v57;
	v60 =	vmul.f32 $1.720806020e-02, v58;
	v62 =	vmul.f32 $1.720806020e-02, v61  }
0x109: {  	v55 =	vmul.f32 v16, v44;
	v17 =	vmul.f32 v17, v51;
	v15 =	vsub.f32 $8.172681180e-02, v59  }
0x10a: {  	v19 =	vmul.f32 v19, v53;
	v24 =	vsub.f32 $8.172681180e-02, v60;
	v26 =	vsub.f32 $8.172681180e-02, v62  }
0x10b: {  	v8 =	vadd.f32 $3.145905440e-01, v55;
	v17 =	vadd.f32 $-1.887826770e-01, v17;
	v15 =	vmul.f32 v15, v56  }
0x10c: {  	v19 =	vadd.f32 $-1.887826770e-01, v19;
	v24 =	vmul.f32 v24, v58;
	v26 =	vmul.f32 v26, v61  }
0x10d: {  	v8 =	vmul.f32 v8, v44;
	v17 =	vmul.f32 v17, v51;
	v15 =	vadd.f32 $-1.887826770e-01, v15  }
0x10e: {  	v19 =	vmul.f32 v19, v53;
	v24 =	vadd.f32 $-1.887826770e-01, v24;
	v26 =	vadd.f32 $-1.887826770e-01, v26  }
0x10f: {  	v8 =	vadd.f32 $-4.969779250e-01, v8;
	v17 =	vadd.f32 $3.145905440e-01, v17;
	v15 =	vmul.f32 v15, v56  }
0x110: {  	v19 =	vadd.f32 $3.145905440e-01, v19;
	v24 =	vmul.f32 v24, v58;
	v63 =	vmul.f32 v26, v61  }
0x111: {  	v8 =	vmul.f32 v8, v44;
	v17 =	vmul.f32 v17, v51;
	v15 =	vadd.f32 $3.145905440e-01, v15  }
0x112: {  	v19 =	vmul.f32 v19, v53;
	v24 =	vadd.f32 $3.145905440e-01, v24;
	v21 =	vadd.f32 $3.145905440e-01, v63  }
0x113: {  	v8 =	vadd.f32 $9.997924560e-01, v8;
	v17 =	vadd.f32 $-4.969779250e-01, v17;
	v15 =	vmul.f32 v15, v56  }
0x114: {  	v19 =	vadd.f32 $-4.969779250e-01, v19;
	v24 =	vmul.f32 v24, v58;
	v21 =	vmul.f32 v21, v61  }
0x115: {  	v8 =	vmul.f32 v8, v44;
	v17 =	vmul.f32 v17, v51;
	v15 =	vadd.f32 $-4.969779250e-01, v15  }
0x116: {  	v50 =	vld [tilespmem:s20+$0x90];
	v19 =	vmul.f32 v19, v53;
	v24 =	vadd.f32 $-4.969779250e-01, v24;
	v30 =	vadd.f32 $-4.969779250e-01, v21  }
0x117: {  	v49 =	vld [tilespmem:s20+$0x80];
	v8 =	vadd.f32 $3.507552040e-06, v8;
	v17 =	vadd.f32 $9.997924560e-01, v17;
	v29 =	vmul.f32 v15, v56  }
0x118: {  	v32 =	vld [tilespmem:s20+$0xB0];
	v19 =	vadd.f32 $9.997924560e-01, v19;
	v31 =	vmul.f32 v24, v58;
	v15 =	vmul.f32 v30, v61  }
0x119: {  	v35 =	vld [tilespmem:s20+$0xD0];
	v8 =	vadd.f32 v8, v14;
	v17 =	vmul.f32 v17, v51;
	v14 =	vadd.f32 $9.997924560e-01, v29  }
0x11a: {  	v28 =	vld [tilespmem:s20+$0xA0];
	v19 =	vmul.f32 v19, v53;
	v20 =	vadd.f32 $9.997924560e-01, v31;
	v15 =	vadd.f32 $9.997924560e-01, v15  }
0x11b: {  	v36 =	vld [tilespmem:s20+$0xE0];
	v41 =	vperm.xlane v4, v0;
	v17 =	vadd.f32 $3.507552040e-06, v17;
	v14 =	vmul.f32 v14, v56  }
0x11c: {  	v33 =	vld [tilespmem:s20+$0xC0];
	v19 =	vadd.f32 $3.507552040e-06, v19;
	v34 =	vmul.f32 v20, v58;
	v15 =	vmul.f32 v15, v61  }
0x11d: {  	v37 =	vld [tilespmem:s20+$0xF0];
	v7 =	vmul.f32 v7, v49;
	v13 =	vadd.f32 v17, v13;
	v14 =	vadd.f32 $3.507552040e-06, v14  }
0x11e: {  	v6 =	vmul.f32 v54, v50;
	v17 =	vadd.f32 $3.507552040e-06, v34;
	v38 =	vadd.f32 $3.507552040e-06, v15  }
0x11f: {  	v8 =	vmul.f32 v8, v28;
	v9 =	vadd.f32 v19, v9;
	v10 =	vadd.f32 v14, v10  }
0x120: {  	v13 =	vmul.f32 v13, v32;
	v11 =	vadd.f32 v17, v11;
	v12 =	vadd.f32 v38, v12  }
0x121: {  	v6 =	vadd.f32 v6, v7;
	v9 =	vmul.f32 v9, v33;
	v10 =	vmul.f32 v10, v35  }
0x122: {  	v8 =	vadd.f32 v13, v8;
	v39 =	vmul.f32 v11, v36;
	v12 =	vmul.f32 v12, v37  }
0x123: {  	v42 =	vperm.xlane v6, v0;
	v9 =	vadd.f32 v10, v9;
	v11 =	vadd.f32 v48, v40  }
0x124: {  	v4 =	vadd.f32 v4, v41;
	v43 =	vperm.xlane v8, v0;
	v7 =	vadd.f32 v12, v39  }
0x125: {  	v6 =	vadd.f32 v6, v42;
	v45 =	vperm.xlane v9, v0;
	v44 =	vperm.xlane v11, v1  }
0x126: {  	v46 =	vperm.xlane v4, v1;
	v8 =	vadd.f32 v8, v43;
	v47 =	vperm.xlane v7, v0  }
0x127: {  	v48 =	vperm.xlane v6, v1;
	v9 =	vadd.f32 v9, v45;
	v11 =	vadd.f32 v11, v44  }
0x128: {  	v4 =	vadd.f32 v4, v46;
	v49 =	vperm.xlane v8, v1;
	v7 =	vadd.f32 v7, v47  }
0x129: {  	v6 =	vadd.f32 v6, v48;
	v51 =	vperm.xlane v9, v1;
	v50 =	vperm.xlane v11, v2  }
0x12a: {  	v14 =	vperm.xlane v4, v2;
	v8 =	vadd.f32 v8, v49;
	v52 =	vperm.xlane v7, v1  }
0x12b: {  	v53 =	vperm.xlane v6, v2;
	v9 =	vadd.f32 v9, v51;
	v10 =	vadd.f32 v11, v50  }
0x12c: {  	v4 =	vadd.f32 v4, v14;
	v54 =	vperm.xlane v8, v2;
	v7 =	vadd.f32 v7, v52  }
0x12d: {  	v6 =	vadd.f32 v6, v53;
	v56 =	vperm.xlane v9, v2;
	v55 =	vperm.xlane v10, v3  }
0x12e: {  	v14 =	vperm.xlane v4, v3;
	v8 =	vadd.f32 v8, v54;
	v57 =	vperm.xlane v7, v2  }
0x12f: {  	v58 =	vperm.xlane v6, v3;
	v9 =	vadd.f32 v9, v56;
	v10 =	vadd.f32 v10, v55  }
0x130: {  	v4 =	vadd.f32 v4, v14;
	v59 =	vperm.xlane v8, v3;
	v7 =	vadd.f32 v7, v57  }
0x131: {  	s23 =	sshra.s32 s22, $0x2;
	v6 =	vadd.f32 v6, v58;
	v60 =	vperm.xlane v9, v3;
	v5 =	vsel vm9, v5, v10  }
0x132: {  	v62 =	vld [tilespmem:s23+$0x8400];
	v4 =	vsel vm10, v5, v4;
	v5 =	vadd.f32 v8, v59;
	v61 =	vperm.xlane v7, v3  }
0x133: {  	v63 =	vadd.f32 v9, v60;
	v4 =	vsel vm11, v4, v6  }
0x134: {  	v4 =	vsel vm12, v4, v5;
	v5 =	vadd.f32 v7, v61  }
0x135: {  	v4 =	vsel vm13, v4, v63  }
0x136: {  	v4 =	vsel vm14, v4, v5  }
0x137: {  	v4 =	vsub.f32 v62, v4;
	_ =	sdelay $0x1  }
0x138: {  	v4 =	vadd.f32 $0.0e+00, v4;
	_ =	sdelay $0x1  }
0x139: {  	v4 =	vmul.f32 $1.442695020e+00, v4;
	_ =	sdelay $0x1  }
0x13a: {  	(erf) = vpow2.f32 v4;
	_ =	sdelay $0x8  }
0x13b: {  	v4 =	vpop (erf)  }
0x13c: {  	v4 =	vadd.f32 $1.000000000e+00, v4;
	_ =	sdelay $0x1  }
0x13d: {  	(erf) = vrcp.f32 v4;
	_ =	sdelay $0x4  }
0x13e: {  	p0 =	sne.s32 s22, $0x7C0  }
.Ltmp0:
0x13f: {  	_ = 	snop;
	(pc) =	sbr.rel @p0 .LBB2_2-.Ltmp0, $3  }
0x140: {  	_ =	sdelay $0x1  }
0x141: {  	v4 =	vpop (erf)  }
0x142: {  	s22 =	sadd.s32 $0x40, s22;
	s21 =	sadd.s32 $0x200, s21;
	s20 =	sadd.s32 $0x200, s20;
	[tilespmem:s23+$0x8600] =	vst v4  }
0x143: {  	s19 =	sadd.s32 $0x1, s19  }
0x144: {  	p0 =	sne.s32 s19, s9  }
.Ltmp1:
0x145: {  	_ = 	snop;
	(pc) =	sbr.rel @p0 .LBB2_1-.Ltmp1, $4  }
0x146: {  	[hbm4b:s8+s1] =	stream.linear.scatter [tilespmem:s18], [sflag:$0x4], $0x200, $0x38;
	[tilespmem:$0x8800] =	vst v63  }
0x147: {  	_ =	swait.ge [sflag:s10], $0x200  }
0x148: {  	[sflag:s10] =	ssyncset.done $0x0  }
0x149: {  	[sflag:s10] =	ssyncadd.s32 $0xFFFFFE00  }
0x14a: {  	_ =	sfence.sel $0x180000  }
0x14b: {  	[bflag:$0x0] =	sbarrier.arrive $0xFFFF  }
0x14c: {  	p0 =	sne.s32 s3, $0x0;
	_ =	strace $0x90000047  }
0x14d: {  	s0 =	sadd.s32 @!p0 $0x100000, s0;
	[bflag:$0x2] =	sbarrier.arrive $0xFFFF  }
0x14e: {  	[sflag:s0] =	ssyncadd.tile.s32 @!p0 $0x1;
	_ =	shalt  }
.Lfunc_end2:
_tile_overlayer_lowered:
.L_overlay_start_2:
0x14f: {  	(tag) =	ssettag $0x2  }
0x150: {  	s0 =	rddreg [dreg:$0x0];
	s2 =	stileid.u32  }
0x151: {  	s1 =	rddreg [dreg:$0x1];
	p0 =	sne.s32 s2, $0x0  }
0x152: {  	s3 =	rddreg [dreg:$0x2];
	[bflag:$0x3] =	sbarrier.arrive $0xFFFF;
	s2 =	simm.s32 @!p0 $0x1C04  }
0x153: {  	[timem:s3], [sflag:s2] =	dma.local @!p0 [hbm:s0], s1  }
0x154: {  	s0 =	simm.s32 @!p0 $0x4  }
0x155: {  	_ =	swait.ge @!p0 [sflag:s0], s1  }
0x156: {  	s1 =	ssub.s32 @!p0 $0x0, s1;
	[sflag:s0] =	ssyncset.done @!p0 $0x0  }
0x157: {  	[sflag:s0] =	ssyncadd.s32 @!p0 s1  }
0x158: {  	[bflag:$0x3] =	sbarrier.arrive $0xFFFF  }
0x159: {  	_ =	shalt  }

</sc_bundles>
